<compile_context>
chip_gen: v7x
topology: tpu7x:2x2x1
jax: 0.10.2.dev20260603
libtpu: 0.0.44.dev20260713+nightly
codegen_flags: <defaults>
</compile_context>

<pallas_src>
import functools

import jax
import jax.numpy as jnp
from jax import lax
from jax.experimental import pallas as pl
from jax.experimental.pallas import tpu as pltpu
from jax.experimental.pallas import tpu_sc as plsc

VOCAB = 1000
VOCAB_PAD = 1024
N_EMBED = 16
TOT = 20480

NUM_CORES = 2
NUM_SUBCORES = 16
NW = NUM_CORES * NUM_SUBCORES
VPT = VOCAB_PAD // NW
TAIL_V = VOCAB - (NW - 1) * VPT
NBLK = 1024
NCHUNK = NBLK // 16
NBLOCKS = TOT // NBLK


def _logits_table_body(t_ref, w_ref, b_ref, o_ref):
    o_ref[pl.ds(0, VOCAB), pl.ds(0, VOCAB)] = (
        lax.dot_general(
            w_ref[...],
            t_ref[...],
            (((0,), (1,)), ((), ())),
            preferred_element_type=jnp.float32,
        )
        + b_ref[...]
    )


def _logits_table(table, w, b):
    return pl.pallas_call(
        _logits_table_body,
        out_shape=jax.ShapeDtypeStruct((VOCAB_PAD, VOCAB_PAD), jnp.float32),
    )(table, w, b.reshape(VOCAB, 1))


def _tgather_body(lt_hbm, idx_hbm, out4_hbm, idx_v, slice_v, ob0, ob1, sem0, sem1):
    wid = lax.axis_index("s") * NUM_CORES + lax.axis_index("c")
    v0 = wid * VPT
    tr0 = wid * (VPT // 8)
    full = v0 + VPT <= VOCAB

    pltpu.sync_copy(idx_hbm, idx_v)
    pltpu.sync_copy(lt_hbm.at[pl.ds(tr0 * 8 * VOCAB_PAD, VPT * VOCAB_PAD)], slice_v)

    def mk_dma(ob, sem, b):
        tc0 = b * (NBLK // 128)
        dst_full = out4_hbm.at[pl.ds(tr0, VPT // 8), pl.ds(tc0, NBLK // 128)]
        dst_part = out4_hbm.at[pl.ds(tr0, TAIL_V // 8), pl.ds(tc0, NBLK // 128)]
        return (
            pltpu.make_async_copy(ob, dst_full, sem),
            pltpu.make_async_copy(ob.at[pl.ds(0, TAIL_V // 8)], dst_part, sem),
        )

    def process_block(b, ob, sem):
        @pl.when(b >= 2)
        def _():
            cf, cp = mk_dma(ob, sem, b - 2)
            lax.cond(full, cf.wait, cp.wait)

        @plsc.parallel_loop(0, NCHUNK)
        def _fill(j):
            n0 = b * NBLK + j * 16
            ivec = idx_v[pl.ds(n0, 16)]
            ihi = lax.shift_right_logical(ivec, 7)
            ilo = lax.bitwise_and(ivec, 127)
            uoff = ihi * 1024 + ilo
            tc = j // 8
            off = (j % 8) * 16
            for dv in range(VPT):
                dvo = (dv // 8) * 8 * VOCAB_PAD + (dv % 8) * 128
                ob[dv // 8, tc, dv % 8, pl.ds(off, 16)] = plsc.load_gather(
                    slice_v, [uoff + jnp.int32(dvo)]
                )
        cf, cp = mk_dma(ob, sem, b)
        lax.cond(full, cf.start, cp.start)

    def step(bb, _):
        process_block(2 * bb, ob0, sem0)
        process_block(2 * bb + 1, ob1, sem1)
        return 0

    lax.fori_loop(0, NBLOCKS // 2, step, 0)
    cf, cp = mk_dma(ob0, sem0, NBLOCKS - 2)
    lax.cond(full, cf.wait, cp.wait)
    cf, cp = mk_dma(ob1, sem1, NBLOCKS - 1)
    lax.cond(full, cf.wait, cp.wait)


def _tgather(lt, idx_flat):
    mesh = plsc.VectorSubcoreMesh(core_axis_name="c", subcore_axis_name="s")
    k = functools.partial(
        pl.kernel,
        out_type=jax.ShapeDtypeStruct((VOCAB // 8, TOT // 128, 8, 128), jnp.float32),
        mesh=mesh,
        scratch_types=[
            pltpu.VMEM((TOT,), jnp.int32),
            pltpu.VMEM((VPT * VOCAB_PAD,), jnp.float32),
            pltpu.VMEM((VPT // 8, NBLK // 128, 8, 128), jnp.float32),
            pltpu.VMEM((VPT // 8, NBLK // 128, 8, 128), jnp.float32),
            pltpu.SemaphoreType.DMA,
            pltpu.SemaphoreType.DMA,
        ],
        compiler_params=pltpu.CompilerParams(
            use_tc_tiling_on_sc=False, needs_layout_passes=False
        ),
    )(_tgather_body)
    return k(lt, idx_flat)


def kernel(idx, token_embedding_table, lm_head_w, lm_head_b):
    lt = _logits_table(token_embedding_table, lm_head_w, lm_head_b)
    lt4 = lt.reshape(VOCAB_PAD // 8, 8, VOCAB_PAD // 128, 128).transpose(
        0, 2, 1, 3
    ).reshape(-1)
    idx_flat = idx.reshape(-1).astype(jnp.int32)
    out4 = _tgather(lt4, idx_flat)
    return out4.transpose(1, 3, 0, 2).reshape(TOT, VOCAB)

# --- scband reference (transcript-rebuilt; emitter-appended) ---
"""Pipeline reference for scband-transformer-zero-model-71116068487585 (READ-ONLY COPY).

The authoritative reference and input builder live on the scoring server;
editing this copy changes nothing except your own understanding.
"""

import jax, jax.numpy as jnp
import numpy as np

VOCAB = 1000
N_EMBED = 16
B = 1024
T = 20

def setup_inputs(seed: int = 0) -> dict:
    key = jax.random.key(seed)
    k_idx, k_tab, k_w, k_b = jax.random.split(key, 4)
    idx = jax.random.randint(k_idx, (B, T), 0, VOCAB, dtype=jnp.int64 if jax.config.read('jax_enable_x64') else jnp.int32)
    # learned params
    token_embedding_table = jax.random.normal(k_tab, (VOCAB, N_EMBED), dtype=jnp.float32)
    lm_head_w = jax.random.normal(k_w, (N_EMBED, VOCAB), dtype=jnp.float32) * (1.0 / np.sqrt(N_EMBED))
    lm_head_b = jnp.zeros((VOCAB,), dtype=jnp.float32)
    return {"idx": idx, "token_embedding_table": token_embedding_table, "lm_head_w": lm_head_w, "lm_head_b": lm_head_b}


def reference(idx, token_embedding_table, lm_head_w, lm_head_b):
    # token_embed = self.token_embedding_table(idx)  -> gather rows
    token_embed = jnp.take(token_embedding_table, idx, axis=0)  # [B, T, C_embed]
    # logits = self.lm_head(token_embed)
    logits = jnp.einsum('btc,cv->btv', token_embed, lm_head_w) + lm_head_b  # [B, T, VOCAB]
    Bc, Tc, C = logits.shape
    logits = logits.reshape(Bc * Tc, C)
    return logits

if __name__ == "__main__":
    import jax
    _d = setup_inputs()
    print(jax.jit(kernel)(*tuple(_d.values())))

</pallas_src>

<mosaic_0001>
#map = affine_map<(d0, d1) -> (0)>
#map1 = affine_map<(d0, d1) -> (0, 0, 0, 0)>
module attributes {stable_mosaic.version = 14 : i64} {
  func.func @_tgather_body(%arg0: i32, %arg1: i32, %arg2: memref<1048576xf32, #tpu.memory_space<hbm>>, %arg3: memref<20480xi32, #tpu.memory_space<hbm>>, %arg4: memref<125x160x8x128xf32, #tpu.memory_space<hbm>>, %arg5: memref<20480xi32, #tpu.memory_space<vmem>>, %arg6: memref<32768xf32, #tpu.memory_space<vmem>>, %arg7: memref<4x8x8x128xf32, #tpu.memory_space<vmem>>, %arg8: memref<4x8x8x128xf32, #tpu.memory_space<vmem>>, %arg9: memref<!tpu.dma_semaphore, #tpu.memory_space<semaphore_mem>>, %arg10: memref<!tpu.dma_semaphore, #tpu.memory_space<semaphore_mem>>) attributes {dimension_semantics = [#tpu.dimension_semantics<core_parallel>, #tpu.dimension_semantics<subcore_parallel>], iteration_bounds = array<i64: 2, 16>, scalar_prefetch = 0 : i64, scratch_operands = 6 : i64, tpu.core_type = #tpu.core_type<sc_vector_subcore>, window_params = [{transform_indices = #map}, {transform_indices = #map}, {transform_indices = #map1}]} {
    %mul3A = arith.constant 2 : i32
    %mul3A_0 = arith.muli %arg1, %mul3A : i32
    %add3A = arith.addi %mul3A_0, %arg0 : i32
    %mul3A_1 = arith.constant 32 : i32
    %mul3A_2 = arith.muli %add3A, %mul3A_1 : i32
    %mul3A_3 = arith.constant 4 : i32
    %mul3A_4 = arith.muli %add3A, %mul3A_3 : i32
    %add3A_5 = arith.constant 32 : i32
    %add3A_6 = arith.addi %mul3A_2, %add3A_5 : i32
    %le3A = arith.constant 1000 : i32
    %le3A_7 = arith.cmpi sle, %add3A_6, %le3A : i32
    "tpu.region"() ({
      %run_scoped3A = tpu.sem_alloc : memref<!tpu.dma_semaphore, #tpu.memory_space<semaphore_mem>>
      tpu.enqueue_dma source(%arg3 : memref<20480xi32, #tpu.memory_space<hbm>>) target(%arg5 : memref<20480xi32, #tpu.memory_space<vmem>>) target_semaphore(%run_scoped3A : memref<!tpu.dma_semaphore, #tpu.memory_space<semaphore_mem>>)
      tpu.wait_dma2 semaphore(%run_scoped3A : memref<!tpu.dma_semaphore, #tpu.memory_space<semaphore_mem>>) src(%arg3 : memref<20480xi32, #tpu.memory_space<hbm>>) dst(%arg5 : memref<20480xi32, #tpu.memory_space<vmem>>)
      tpu.yield
    }) : () -> ()
    %mul3A_8 = arith.constant 8 : i32
    %mul3A_9 = arith.muli %mul3A_4, %mul3A_8 : i32
    %mul3A_10 = arith.constant 1024 : i32
    %mul3A_11 = arith.muli %mul3A_9, %mul3A_10 : i32
    "tpu.region"() ({
      %run_scoped3A = tpu.sem_alloc : memref<!tpu.dma_semaphore, #tpu.memory_space<semaphore_mem>>
      %dma_start3A = tpu.memref_slice %arg2[%mul3A_11] : memref<1048576xf32, #tpu.memory_space<hbm>> -> memref<32768xf32, #tpu.memory_space<hbm>>
      %dma_start3A_22 = tpu.memref_slice %arg2[%mul3A_11] : memref<1048576xf32, #tpu.memory_space<hbm>> -> memref<32768xf32, #tpu.memory_space<hbm>>
      tpu.enqueue_dma source(%dma_start3A_22 : memref<32768xf32, #tpu.memory_space<hbm>>) target(%arg6 : memref<32768xf32, #tpu.memory_space<vmem>>) target_semaphore(%run_scoped3A : memref<!tpu.dma_semaphore, #tpu.memory_space<semaphore_mem>>)
      %dma_wait3A = tpu.memref_slice %arg2[%mul3A_11] : memref<1048576xf32, #tpu.memory_space<hbm>> -> memref<32768xf32, #tpu.memory_space<hbm>>
      %dma_wait3A_23 = tpu.memref_slice %arg2[%mul3A_11] : memref<1048576xf32, #tpu.memory_space<hbm>> -> memref<32768xf32, #tpu.memory_space<hbm>>
      tpu.wait_dma2 semaphore(%run_scoped3A : memref<!tpu.dma_semaphore, #tpu.memory_space<semaphore_mem>>) src(%dma_wait3A_23 : memref<32768xf32, #tpu.memory_space<hbm>>) dst(%arg6 : memref<32768xf32, #tpu.memory_space<vmem>>)
      tpu.yield
    }) : () -> ()
    %scan3A = arith.constant 0 : i32
    %scan3A_12 = arith.constant 0 : i32
    %scan3A_13 = arith.constant 10 : i32
    %scan3A_14 = arith.addi %scan3A_12, %scan3A_13 : i32
    %scan3A_15 = arith.constant 1 : i32
    %scan3A_16 = scf.for %scan3A_22 = %scan3A_12 to %scan3A_14 step %scan3A_15 iter_args(%scan3A_23 = %scan3A) -> (i32)  : i32 {
      %mul3A_24 = arith.constant 2 : i32
      %mul3A_25 = arith.muli %mul3A_24, %scan3A_22 : i32
      %ge3A = arith.constant 2 : i32
      %ge3A_26 = arith.cmpi sge, %mul3A_25, %ge3A : i32
      %convert_element_type3A_27 = arith.extui %ge3A_26 : i1 to i32
      %cond3A_28 = arith.constant 0 : i32
      %cond3A_29 = arith.cmpi ne, %convert_element_type3A_27, %cond3A_28 : i32
      scf.if %cond3A_29 {
        %sub3A = arith.constant 2 : i32
        %sub3A_55 = arith.subi %mul3A_25, %sub3A : i32
        %mul3A_56 = arith.constant 8 : i32
        %mul3A_57 = arith.muli %sub3A_55, %mul3A_56 : i32
        %convert_element_type3A_58 = arith.extui %le3A_7 : i1 to i32
        %cond3A_59 = arith.constant 0 : i32
        %cond3A_60 = arith.cmpi ne, %convert_element_type3A_58, %cond3A_59 : i32
        scf.if %cond3A_60 {
          %dma_wait3A = arith.constant 0 : i32
          %dma_wait3A_61 = arith.constant 0 : i32
          %dma_wait3A_62 = tpu.memref_slice %arg4[%mul3A_4, %mul3A_57, %dma_wait3A, %dma_wait3A_61] : memref<125x160x8x128xf32, #tpu.memory_space<hbm>> -> memref<4x8x8x128xf32, #tpu.memory_space<hbm>>
          %dma_wait3A_63 = arith.constant 0 : i32
          %dma_wait3A_64 = arith.constant 0 : i32
          %dma_wait3A_65 = tpu.memref_slice %arg4[%mul3A_4, %mul3A_57, %dma_wait3A_63, %dma_wait3A_64] : memref<125x160x8x128xf32, #tpu.memory_space<hbm>> -> memref<4x8x8x128xf32, #tpu.memory_space<hbm>>
          tpu.wait_dma2 semaphore(%arg9 : memref<!tpu.dma_semaphore, #tpu.memory_space<semaphore_mem>>) src(%arg7 : memref<4x8x8x128xf32, #tpu.memory_space<vmem>>) dst(%dma_wait3A_65 : memref<4x8x8x128xf32, #tpu.memory_space<hbm>>)
        } else {
          %dma_wait3A = arith.constant 0 : i32
          %dma_wait3A_61 = arith.constant 0 : i32
          %dma_wait3A_62 = arith.constant 0 : i32
          %dma_wait3A_63 = arith.constant 0 : i32
          %dma_wait3A_64 = tpu.memref_slice %arg7[%dma_wait3A, %dma_wait3A_61, %dma_wait3A_62, %dma_wait3A_63] : memref<4x8x8x128xf32, #tpu.memory_space<vmem>> -> memref<1x8x8x128xf32, #tpu.memory_space<vmem>>
          %dma_wait3A_65 = arith.constant 0 : i32
          %dma_wait3A_66 = arith.constant 0 : i32
          %dma_wait3A_67 = tpu.memref_slice %arg4[%mul3A_4, %mul3A_57, %dma_wait3A_65, %dma_wait3A_66] : memref<125x160x8x128xf32, #tpu.memory_space<hbm>> -> memref<1x8x8x128xf32, #tpu.memory_space<hbm>>
          %dma_wait3A_68 = arith.constant 0 : i32
          %dma_wait3A_69 = arith.constant 0 : i32
          %dma_wait3A_70 = tpu.memref_slice %arg4[%mul3A_4, %mul3A_57, %dma_wait3A_68, %dma_wait3A_69] : memref<125x160x8x128xf32, #tpu.memory_space<hbm>> -> memref<1x8x8x128xf32, #tpu.memory_space<hbm>>
          %dma_wait3A_71 = arith.constant 0 : i32
          %dma_wait3A_72 = arith.constant 0 : i32
          %dma_wait3A_73 = arith.constant 0 : i32
          %dma_wait3A_74 = arith.constant 0 : i32
          %dma_wait3A_75 = tpu.memref_slice %arg7[%dma_wait3A_71, %dma_wait3A_72, %dma_wait3A_73, %dma_wait3A_74] : memref<4x8x8x128xf32, #tpu.memory_space<vmem>> -> memref<1x8x8x128xf32, #tpu.memory_space<vmem>>
          tpu.wait_dma2 semaphore(%arg9 : memref<!tpu.dma_semaphore, #tpu.memory_space<semaphore_mem>>) src(%dma_wait3A_75 : memref<1x8x8x128xf32, #tpu.memory_space<vmem>>) dst(%dma_wait3A_70 : memref<1x8x8x128xf32, #tpu.memory_space<hbm>>)
        }
      } else {
      }
      %parallel_loop3A = arith.constant 0 : i32
      %parallel_loop3A_30 = arith.constant 64 : i32
      %parallel_loop3A_31 = arith.constant 1 : i32
      scf.for %parallel_loop3A_55 = %parallel_loop3A to %parallel_loop3A_30 step %parallel_loop3A_31  : i32 {
        %parallel_loop3A_56 = arith.constant 1024 : i32
        %parallel_loop3A_57 = arith.muli %mul3A_25, %parallel_loop3A_56 : i32
        %parallel_loop3A_58 = arith.constant 16 : i32
        %parallel_loop3A_59 = arith.muli %parallel_loop3A_55, %parallel_loop3A_58 : i32
        %parallel_loop3A_60 = arith.addi %parallel_loop3A_57, %parallel_loop3A_59 : i32
        %parallel_loop3A_61 = arith.index_cast %parallel_loop3A_60 : i32 to index
        %parallel_loop3A_62 = tpu.vector_load %arg5[%parallel_loop3A_61] {strides = array<i32>} : memref<20480xi32, #tpu.memory_space<vmem>>, vector<16xi32>,
        %parallel_loop3A_63 = arith.constant 7 : i32
        %parallel_loop3A_64 = vector.broadcast %parallel_loop3A_63 : i32 to vector<16xi32>
        %parallel_loop3A_65 = arith.shrui %parallel_loop3A_62, %parallel_loop3A_64 : vector<16xi32>
        %parallel_loop3A_66 = arith.constant 127 : i32
        %parallel_loop3A_67 = vector.broadcast %parallel_loop3A_66 : i32 to vector<16xi32>
        %parallel_loop3A_68 = arith.andi %parallel_loop3A_62, %parallel_loop3A_67 : vector<16xi32>
        %parallel_loop3A_69 = arith.constant 1024 : i32
        %parallel_loop3A_70 = vector.broadcast %parallel_loop3A_69 : i32 to vector<16xi32>
        %parallel_loop3A_71 = arith.muli %parallel_loop3A_65, %parallel_loop3A_70 : vector<16xi32>
        %parallel_loop3A_72 = arith.addi %parallel_loop3A_71, %parallel_loop3A_68 : vector<16xi32>
        %parallel_loop3A_73 = arith.constant 8 : i32
        %parallel_loop3A_74 = arith.divsi %parallel_loop3A_55, %parallel_loop3A_73 : i32
        %parallel_loop3A_75 = arith.constant 0 : i32
        %parallel_loop3A_76 = arith.cmpi sgt, %parallel_loop3A_55, %parallel_loop3A_75 : i32
        %parallel_loop3A_77 = arith.extui %parallel_loop3A_76 : i1 to i32
        %parallel_loop3A_78 = arith.constant 0 : i32
        %parallel_loop3A_79 = arith.cmpi slt, %parallel_loop3A_55, %parallel_loop3A_78 : i32
        %parallel_loop3A_80 = arith.extui %parallel_loop3A_79 : i1 to i32
        %parallel_loop3A_81 = arith.subi %parallel_loop3A_77, %parallel_loop3A_80 : i32
        %parallel_loop3A_82 = arith.constant 0 : i32
        %parallel_loop3A_83 = arith.cmpi sgt, %parallel_loop3A_73, %parallel_loop3A_82 : i32
        %parallel_loop3A_84 = arith.extui %parallel_loop3A_83 : i1 to i32
        %parallel_loop3A_85 = arith.constant 0 : i32
        %parallel_loop3A_86 = arith.cmpi slt, %parallel_loop3A_73, %parallel_loop3A_85 : i32
        %parallel_loop3A_87 = arith.extui %parallel_loop3A_86 : i1 to i32
        %parallel_loop3A_88 = arith.subi %parallel_loop3A_84, %parallel_loop3A_87 : i32
        %parallel_loop3A_89 = arith.cmpi ne, %parallel_loop3A_81, %parallel_loop3A_88 : i32
        %parallel_loop3A_90 = arith.remsi %parallel_loop3A_55, %parallel_loop3A_73 : i32
        %parallel_loop3A_91 = arith.constant 0 : i32
        %parallel_loop3A_92 = arith.cmpi ne, %parallel_loop3A_90, %parallel_loop3A_91 : i32
        %parallel_loop3A_93 = arith.andi %parallel_loop3A_89, %parallel_loop3A_92 : i1
        %parallel_loop3A_94 = arith.constant 1 : i32
        %parallel_loop3A_95 = arith.subi %parallel_loop3A_74, %parallel_loop3A_94 : i32
        %parallel_loop3A_96 = arith.select %parallel_loop3A_93, %parallel_loop3A_95, %parallel_loop3A_74 : i32
        %parallel_loop3A_97 = arith.constant 8 : i32
        %parallel_loop3A_98 = arith.constant 0 : i32
        %parallel_loop3A_99 = arith.cmpi eq, %parallel_loop3A_97, %parallel_loop3A_98 : i32
        %parallel_loop3A_100 = arith.constant 1 : i32
        %parallel_loop3A_101 = arith.select %parallel_loop3A_99, %parallel_loop3A_100, %parallel_loop3A_97 : i32
        %parallel_loop3A_102 = arith.remsi %parallel_loop3A_55, %parallel_loop3A_101 : i32
        %parallel_loop3A_103 = arith.constant 0 : i32
        %parallel_loop3A_104 = arith.cmpi ne, %parallel_loop3A_102, %parallel_loop3A_103 : i32
        %parallel_loop3A_105 = arith.constant 0 : i32
        %parallel_loop3A_106 = arith.cmpi slt, %parallel_loop3A_102, %parallel_loop3A_105 : i32
        %parallel_loop3A_107 = arith.constant 0 : i32
        %parallel_loop3A_108 = arith.cmpi slt, %parallel_loop3A_101, %parallel_loop3A_107 : i32
        %parallel_loop3A_109 = arith.xori %parallel_loop3A_106, %parallel_loop3A_108 : i1
        %parallel_loop3A_110 = arith.andi %parallel_loop3A_109, %parallel_loop3A_104 : i1
        %parallel_loop3A_111 = arith.addi %parallel_loop3A_102, %parallel_loop3A_101 : i32
        %parallel_loop3A_112 = arith.select %parallel_loop3A_110, %parallel_loop3A_111, %parallel_loop3A_102 : i32
        %parallel_loop3A_113 = arith.constant 16 : i32
        %parallel_loop3A_114 = arith.muli %parallel_loop3A_112, %parallel_loop3A_113 : i32
        %parallel_loop3A_115 = arith.constant 0 : i32
        %parallel_loop3A_116 = vector.broadcast %parallel_loop3A_115 : i32 to vector<16xi32>
        %parallel_loop3A_117 = arith.addi %parallel_loop3A_72, %parallel_loop3A_116 : vector<16xi32>
        %parallel_loop3A_118 = tpu.vector_load_idx %arg6[%parallel_loop3A_117] : memref<32768xf32, #tpu.memory_space<vmem>>[vector<16xi32>], vector<16xf32>,
        %parallel_loop3A_119 = arith.constant 0 : i32
        %parallel_loop3A_120 = arith.constant 0 : i32
        %parallel_loop3A_121 = arith.index_cast %parallel_loop3A_119 : i32 to index
        %parallel_loop3A_122 = arith.index_cast %parallel_loop3A_96 : i32 to index
        %parallel_loop3A_123 = arith.index_cast %parallel_loop3A_120 : i32 to index
        %parallel_loop3A_124 = arith.index_cast %parallel_loop3A_114 : i32 to index
        %parallel_loop3A_125 = tpu.vector_load %arg7[%parallel_loop3A_121, %parallel_loop3A_122, %parallel_loop3A_123, %parallel_loop3A_124] {strides = array<i32>} : memref<4x8x8x128xf32, #tpu.memory_space<vmem>>, vector<16xf32>,
        tpu.vector_store %arg7[%parallel_loop3A_121, %parallel_loop3A_122, %parallel_loop3A_123, %parallel_loop3A_124], %parallel_loop3A_118 {strides = array<i32>} : memref<4x8x8x128xf32, #tpu.memory_space<vmem>>, vector<16xf32>,
        %parallel_loop3A_126 = arith.constant 128 : i32
        %parallel_loop3A_127 = vector.broadcast %parallel_loop3A_126 : i32 to vector<16xi32>
        %parallel_loop3A_128 = arith.addi %parallel_loop3A_72, %parallel_loop3A_127 : vector<16xi32>
        %parallel_loop3A_129 = tpu.vector_load_idx %arg6[%parallel_loop3A_128] : memref<32768xf32, #tpu.memory_space<vmem>>[vector<16xi32>], vector<16xf32>,
        %parallel_loop3A_130 = arith.constant 0 : i32
        %parallel_loop3A_131 = arith.constant 1 : i32
        %parallel_loop3A_132 = arith.index_cast %parallel_loop3A_130 : i32 to index
        %parallel_loop3A_133 = arith.index_cast %parallel_loop3A_96 : i32 to index
        %parallel_loop3A_134 = arith.index_cast %parallel_loop3A_131 : i32 to index
        %parallel_loop3A_135 = arith.index_cast %parallel_loop3A_114 : i32 to index
        %parallel_loop3A_136 = tpu.vector_load %arg7[%parallel_loop3A_132, %parallel_loop3A_133, %parallel_loop3A_134, %parallel_loop3A_135] {strides = array<i32>} : memref<4x8x8x128xf32, #tpu.memory_space<vmem>>, vector<16xf32>,
        tpu.vector_store %arg7[%parallel_loop3A_132, %parallel_loop3A_133, %parallel_loop3A_134, %parallel_loop3A_135], %parallel_loop3A_129 {strides = array<i32>} : memref<4x8x8x128xf32, #tpu.memory_space<vmem>>, vector<16xf32>,
        %parallel_loop3A_137 = arith.constant 256 : i32
        %parallel_loop3A_138 = vector.broadcast %parallel_loop3A_137 : i32 to vector<16xi32>
        %parallel_loop3A_139 = arith.addi %parallel_loop3A_72, %parallel_loop3A_138 : vector<16xi32>
        %parallel_loop3A_140 = tpu.vector_load_idx %arg6[%parallel_loop3A_139] : memref<32768xf32, #tpu.memory_space<vmem>>[vector<16xi32>], vector<16xf32>,
        %parallel_loop3A_141 = arith.constant 0 : i32
        %parallel_loop3A_142 = arith.constant 2 : i32
        %parallel_loop3A_143 = arith.index_cast %parallel_loop3A_141 : i32 to index
        %parallel_loop3A_144 = arith.index_cast %parallel_loop3A_96 : i32 to index
        %parallel_loop3A_145 = arith.index_cast %parallel_loop3A_142 : i32 to index
        %parallel_loop3A_146 = arith.index_cast %parallel_loop3A_114 : i32 to index
        %parallel_loop3A_147 = tpu.vector_load %arg7[%parallel_loop3A_143, %parallel_loop3A_144, %parallel_loop3A_145, %parallel_loop3A_146] {strides = array<i32>} : memref<4x8x8x128xf32, #tpu.memory_space<vmem>>, vector<16xf32>,
        tpu.vector_store %arg7[%parallel_loop3A_143, %parallel_loop3A_144, %parallel_loop3A_145, %parallel_loop3A_146], %parallel_loop3A_140 {strides = array<i32>} : memref<4x8x8x128xf32, #tpu.memory_space<vmem>>, vector<16xf32>,
        %parallel_loop3A_148 = arith.constant 384 : i32
        %parallel_loop3A_149 = vector.broadcast %parallel_loop3A_148 : i32 to vector<16xi32>
        %parallel_loop3A_150 = arith.addi %parallel_loop3A_72, %parallel_loop3A_149 : vector<16xi32>
        %parallel_loop3A_151 = tpu.vector_load_idx %arg6[%parallel_loop3A_150] : memref<32768xf32, #tpu.memory_space<vmem>>[vector<16xi32>], vector<16xf32>,
        %parallel_loop3A_152 = arith.constant 0 : i32
        %parallel_loop3A_153 = arith.constant 3 : i32
        %parallel_loop3A_154 = arith.index_cast %parallel_loop3A_152 : i32 to index
        %parallel_loop3A_155 = arith.index_cast %parallel_loop3A_96 : i32 to index
        %parallel_loop3A_156 = arith.index_cast %parallel_loop3A_153 : i32 to index
        %parallel_loop3A_157 = arith.index_cast %parallel_loop3A_114 : i32 to index
        %parallel_loop3A_158 = tpu.vector_load %arg7[%parallel_loop3A_154, %parallel_loop3A_155, %parallel_loop3A_156, %parallel_loop3A_157] {strides = array<i32>} : memref<4x8x8x128xf32, #tpu.memory_space<vmem>>, vector<16xf32>,
        tpu.vector_store %arg7[%parallel_loop3A_154, %parallel_loop3A_155, %parallel_loop3A_156, %parallel_loop3A_157], %parallel_loop3A_151 {strides = array<i32>} : memref<4x8x8x128xf32, #tpu.memory_space<vmem>>, vector<16xf32>,
        %parallel_loop3A_159 = arith.constant 512 : i32
        %parallel_loop3A_160 = vector.broadcast %parallel_loop3A_159 : i32 to vector<16xi32>
        %parallel_loop3A_161 = arith.addi %parallel_loop3A_72, %parallel_loop3A_160 : vector<16xi32>
        %parallel_loop3A_162 = tpu.vector_load_idx %arg6[%parallel_loop3A_161] : memref<32768xf32, #tpu.memory_space<vmem>>[vector<16xi32>], vector<16xf32>,
        %parallel_loop3A_163 = arith.constant 0 : i32
        %parallel_loop3A_164 = arith.constant 4 : i32
        %parallel_loop3A_165 = arith.index_cast %parallel_loop3A_163 : i32 to index
        %parallel_loop3A_166 = arith.index_cast %parallel_loop3A_96 : i32 to index
        %parallel_loop3A_167 = arith.index_cast %parallel_loop3A_164 : i32 to index
        %parallel_loop3A_168 = arith.index_cast %parallel_loop3A_114 : i32 to index
        %parallel_loop3A_169 = tpu.vector_load %arg7[%parallel_loop3A_165, %parallel_loop3A_166, %parallel_loop3A_167, %parallel_loop3A_168] {strides = array<i32>} : memref<4x8x8x128xf32, #tpu.memory_space<vmem>>, vector<16xf32>,
        tpu.vector_store %arg7[%parallel_loop3A_165, %parallel_loop3A_166, %parallel_loop3A_167, %parallel_loop3A_168], %parallel_loop3A_162 {strides = array<i32>} : memref<4x8x8x128xf32, #tpu.memory_space<vmem>>, vector<16xf32>,
        %parallel_loop3A_170 = arith.constant 640 : i32
        %parallel_loop3A_171 = vector.broadcast %parallel_loop3A_170 : i32 to vector<16xi32>
        %parallel_loop3A_172 = arith.addi %parallel_loop3A_72, %parallel_loop3A_171 : vector<16xi32>
        %parallel_loop3A_173 = tpu.vector_load_idx %arg6[%parallel_loop3A_172] : memref<32768xf32, #tpu.memory_space<vmem>>[vector<16xi32>], vector<16xf32>,
        %parallel_loop3A_174 = arith.constant 0 : i32
        %parallel_loop3A_175 = arith.constant 5 : i32
        %parallel_loop3A_176 = arith.index_cast %parallel_loop3A_174 : i32 to index
        %parallel_loop3A_177 = arith.index_cast %parallel_loop3A_96 : i32 to index
        %parallel_loop3A_178 = arith.index_cast %parallel_loop3A_175 : i32 to index
        %parallel_loop3A_179 = arith.index_cast %parallel_loop3A_114 : i32 to index
        %parallel_loop3A_180 = tpu.vector_load %arg7[%parallel_loop3A_176, %parallel_loop3A_177, %parallel_loop3A_178, %parallel_loop3A_179] {strides = array<i32>} : memref<4x8x8x128xf32, #tpu.memory_space<vmem>>, vector<16xf32>,
        tpu.vector_store %arg7[%parallel_loop3A_176, %parallel_loop3A_177, %parallel_loop3A_178, %parallel_loop3A_179], %parallel_loop3A_173 {strides = array<i32>} : memref<4x8x8x128xf32, #tpu.memory_space<vmem>>, vector<16xf32>,
        %parallel_loop3A_181 = arith.constant 768 : i32
        %parallel_loop3A_182 = vector.broadcast %parallel_loop3A_181 : i32 to vector<16xi32>
        %parallel_loop3A_183 = arith.addi %parallel_loop3A_72, %parallel_loop3A_182 : vector<16xi32>
        %parallel_loop3A_184 = tpu.vector_load_idx %arg6[%parallel_loop3A_183] : memref<32768xf32, #tpu.memory_space<vmem>>[vector<16xi32>], vector<16xf32>,
        %parallel_loop3A_185 = arith.constant 0 : i32
        %parallel_loop3A_186 = arith.constant 6 : i32
        %parallel_loop3A_187 = arith.index_cast %parallel_loop3A_185 : i32 to index
        %parallel_loop3A_188 = arith.index_cast %parallel_loop3A_96 : i32 to index
        %parallel_loop3A_189 = arith.index_cast %parallel_loop3A_186 : i32 to index
        %parallel_loop3A_190 = arith.index_cast %parallel_loop3A_114 : i32 to index
        %parallel_loop3A_191 = tpu.vector_load %arg7[%parallel_loop3A_187, %parallel_loop3A_188, %parallel_loop3A_189, %parallel_loop3A_190] {strides = array<i32>} : memref<4x8x8x128xf32, #tpu.memory_space<vmem>>, vector<16xf32>,
        tpu.vector_store %arg7[%parallel_loop3A_187, %parallel_loop3A_188, %parallel_loop3A_189, %parallel_loop3A_190], %parallel_loop3A_184 {strides = array<i32>} : memref<4x8x8x128xf32, #tpu.memory_space<vmem>>, vector<16xf32>,
        %parallel_loop3A_192 = arith.constant 896 : i32
        %parallel_loop3A_193 = vector.broadcast %parallel_loop3A_192 : i32 to vector<16xi32>
        %parallel_loop3A_194 = arith.addi %parallel_loop3A_72, %parallel_loop3A_193 : vector<16xi32>
        %parallel_loop3A_195 = tpu.vector_load_idx %arg6[%parallel_loop3A_194] : memref<32768xf32, #tpu.memory_space<vmem>>[vector<16xi32>], vector<16xf32>,
        %parallel_loop3A_196 = arith.constant 0 : i32
        %parallel_loop3A_197 = arith.constant 7 : i32
        %parallel_loop3A_198 = arith.index_cast %parallel_loop3A_196 : i32 to index
        %parallel_loop3A_199 = arith.index_cast %parallel_loop3A_96 : i32 to index
        %parallel_loop3A_200 = arith.index_cast %parallel_loop3A_197 : i32 to index
        %parallel_loop3A_201 = arith.index_cast %parallel_loop3A_114 : i32 to index
        %parallel_loop3A_202 = tpu.vector_load %arg7[%parallel_loop3A_198, %parallel_loop3A_199, %parallel_loop3A_200, %parallel_loop3A_201] {strides = array<i32>} : memref<4x8x8x128xf32, #tpu.memory_space<vmem>>, vector<16xf32>,
        tpu.vector_store %arg7[%parallel_loop3A_198, %parallel_loop3A_199, %parallel_loop3A_200, %parallel_loop3A_201], %parallel_loop3A_195 {strides = array<i32>} : memref<4x8x8x128xf32, #tpu.memory_space<vmem>>, vector<16xf32>,
        %parallel_loop3A_203 = arith.constant 8192 : i32
        %parallel_loop3A_204 = vector.broadcast %parallel_loop3A_203 : i32 to vector<16xi32>
        %parallel_loop3A_205 = arith.addi %parallel_loop3A_72, %parallel_loop3A_204 : vector<16xi32>
        %parallel_loop3A_206 = tpu.vector_load_idx %arg6[%parallel_loop3A_205] : memref<32768xf32, #tpu.memory_space<vmem>>[vector<16xi32>], vector<16xf32>,
        %parallel_loop3A_207 = arith.constant 1 : i32
        %parallel_loop3A_208 = arith.constant 0 : i32
        %parallel_loop3A_209 = arith.index_cast %parallel_loop3A_207 : i32 to index
        %parallel_loop3A_210 = arith.index_cast %parallel_loop3A_96 : i32 to index
        %parallel_loop3A_211 = arith.index_cast %parallel_loop3A_208 : i32 to index
        %parallel_loop3A_212 = arith.index_cast %parallel_loop3A_114 : i32 to index
        %parallel_loop3A_213 = tpu.vector_load %arg7[%parallel_loop3A_209, %parallel_loop3A_210, %parallel_loop3A_211, %parallel_loop3A_212] {strides = array<i32>} : memref<4x8x8x128xf32, #tpu.memory_space<vmem>>, vector<16xf32>,
        tpu.vector_store %arg7[%parallel_loop3A_209, %parallel_loop3A_210, %parallel_loop3A_211, %parallel_loop3A_212], %parallel_loop3A_206 {strides = array<i32>} : memref<4x8x8x128xf32, #tpu.memory_space<vmem>>, vector<16xf32>,
        %parallel_loop3A_214 = arith.constant 8320 : i32
        %parallel_loop3A_215 = vector.broadcast %parallel_loop3A_214 : i32 to vector<16xi32>
        %parallel_loop3A_216 = arith.addi %parallel_loop3A_72, %parallel_loop3A_215 : vector<16xi32>
        %parallel_loop3A_217 = tpu.vector_load_idx %arg6[%parallel_loop3A_216] : memref<32768xf32, #tpu.memory_space<vmem>>[vector<16xi32>], vector<16xf32>,
        %parallel_loop3A_218 = arith.constant 1 : i32
        %parallel_loop3A_219 = arith.constant 1 : i32
        %parallel_loop3A_220 = arith.index_cast %parallel_loop3A_218 : i32 to index
        %parallel_loop3A_221 = arith.index_cast %parallel_loop3A_96 : i32 to index
        %parallel_loop3A_222 = arith.index_cast %parallel_loop3A_219 : i32 to index
        %parallel_loop3A_223 = arith.index_cast %parallel_loop3A_114 : i32 to index
        %parallel_loop3A_224 = tpu.vector_load %arg7[%parallel_loop3A_220, %parallel_loop3A_221, %parallel_loop3A_222, %parallel_loop3A_223] {strides = array<i32>} : memref<4x8x8x128xf32, #tpu.memory_space<vmem>>, vector<16xf32>,
        tpu.vector_store %arg7[%parallel_loop3A_220, %parallel_loop3A_221, %parallel_loop3A_222, %parallel_loop3A_223], %parallel_loop3A_217 {strides = array<i32>} : memref<4x8x8x128xf32, #tpu.memory_space<vmem>>, vector<16xf32>,
        %parallel_loop3A_225 = arith.constant 8448 : i32
        %parallel_loop3A_226 = vector.broadcast %parallel_loop3A_225 : i32 to vector<16xi32>
        %parallel_loop3A_227 = arith.addi %parallel_loop3A_72, %parallel_loop3A_226 : vector<16xi32>
        %parallel_loop3A_228 = tpu.vector_load_idx %arg6[%parallel_loop3A_227] : memref<32768xf32, #tpu.memory_space<vmem>>[vector<16xi32>], vector<16xf32>,
        %parallel_loop3A_229 = arith.constant 1 : i32
        %parallel_loop3A_230 = arith.constant 2 : i32
        %parallel_loop3A_231 = arith.index_cast %parallel_loop3A_229 : i32 to index
        %parallel_loop3A_232 = arith.index_cast %parallel_loop3A_96 : i32 to index
        %parallel_loop3A_233 = arith.index_cast %parallel_loop3A_230 : i32 to index
        %parallel_loop3A_234 = arith.index_cast %parallel_loop3A_114 : i32 to index
        %parallel_loop3A_235 = tpu.vector_load %arg7[%parallel_loop3A_231, %parallel_loop3A_232, %parallel_loop3A_233, %parallel_loop3A_234] {strides = array<i32>} : memref<4x8x8x128xf32, #tpu.memory_space<vmem>>, vector<16xf32>,
        tpu.vector_store %arg7[%parallel_loop3A_231, %parallel_loop3A_232, %parallel_loop3A_233, %parallel_loop3A_234], %parallel_loop3A_228 {strides = array<i32>} : memref<4x8x8x128xf32, #tpu.memory_space<vmem>>, vector<16xf32>,
        %parallel_loop3A_236 = arith.constant 8576 : i32
        %parallel_loop3A_237 = vector.broadcast %parallel_loop3A_236 : i32 to vector<16xi32>
        %parallel_loop3A_238 = arith.addi %parallel_loop3A_72, %parallel_loop3A_237 : vector<16xi32>
        %parallel_loop3A_239 = tpu.vector_load_idx %arg6[%parallel_loop3A_238] : memref<32768xf32, #tpu.memory_space<vmem>>[vector<16xi32>], vector<16xf32>,
        %parallel_loop3A_240 = arith.constant 1 : i32
        %parallel_loop3A_241 = arith.constant 3 : i32
        %parallel_loop3A_242 = arith.index_cast %parallel_loop3A_240 : i32 to index
        %parallel_loop3A_243 = arith.index_cast %parallel_loop3A_96 : i32 to index
        %parallel_loop3A_244 = arith.index_cast %parallel_loop3A_241 : i32 to index
        %parallel_loop3A_245 = arith.index_cast %parallel_loop3A_114 : i32 to index
        %parallel_loop3A_246 = tpu.vector_load %arg7[%parallel_loop3A_242, %parallel_loop3A_243, %parallel_loop3A_244, %parallel_loop3A_245] {strides = array<i32>} : memref<4x8x8x128xf32, #tpu.memory_space<vmem>>, vector<16xf32>,
        tpu.vector_store %arg7[%parallel_loop3A_242, %parallel_loop3A_243, %parallel_loop3A_244, %parallel_loop3A_245], %parallel_loop3A_239 {strides = array<i32>} : memref<4x8x8x128xf32, #tpu.memory_space<vmem>>, vector<16xf32>,
        %parallel_loop3A_247 = arith.constant 8704 : i32
        %parallel_loop3A_248 = vector.broadcast %parallel_loop3A_247 : i32 to vector<16xi32>
        %parallel_loop3A_249 = arith.addi %parallel_loop3A_72, %parallel_loop3A_248 : vector<16xi32>
        %parallel_loop3A_250 = tpu.vector_load_idx %arg6[%parallel_loop3A_249] : memref<32768xf32, #tpu.memory_space<vmem>>[vector<16xi32>], vector<16xf32>,
        %parallel_loop3A_251 = arith.constant 1 : i32
        %parallel_loop3A_252 = arith.constant 4 : i32
        %parallel_loop3A_253 = arith.index_cast %parallel_loop3A_251 : i32 to index
        %parallel_loop3A_254 = arith.index_cast %parallel_loop3A_96 : i32 to index
        %parallel_loop3A_255 = arith.index_cast %parallel_loop3A_252 : i32 to index
        %parallel_loop3A_256 = arith.index_cast %parallel_loop3A_114 : i32 to index
        %parallel_loop3A_257 = tpu.vector_load %arg7[%parallel_loop3A_253, %parallel_loop3A_254, %parallel_loop3A_255, %parallel_loop3A_256] {strides = array<i32>} : memref<4x8x8x128xf32, #tpu.memory_space<vmem>>, vector<16xf32>,
        tpu.vector_store %arg7[%parallel_loop3A_253, %parallel_loop3A_254, %parallel_loop3A_255, %parallel_loop3A_256], %parallel_loop3A_250 {strides = array<i32>} : memref<4x8x8x128xf32, #tpu.memory_space<vmem>>, vector<16xf32>,
        %parallel_loop3A_258 = arith.constant 8832 : i32
        %parallel_loop3A_259 = vector.broadcast %parallel_loop3A_258 : i32 to vector<16xi32>
        %parallel_loop3A_260 = arith.addi %parallel_loop3A_72, %parallel_loop3A_259 : vector<16xi32>
        %parallel_loop3A_261 = tpu.vector_load_idx %arg6[%parallel_loop3A_260] : memref<32768xf32, #tpu.memory_space<vmem>>[vector<16xi32>], vector<16xf32>,
        %parallel_loop3A_262 = arith.constant 1 : i32
        %parallel_loop3A_263 = arith.constant 5 : i32
        %parallel_loop3A_264 = arith.index_cast %parallel_loop3A_262 : i32 to index
        %parallel_loop3A_265 = arith.index_cast %parallel_loop3A_96 : i32 to index
        %parallel_loop3A_266 = arith.index_cast %parallel_loop3A_263 : i32 to index
        %parallel_loop3A_267 = arith.index_cast %parallel_loop3A_114 : i32 to index
        %parallel_loop3A_268 = tpu.vector_load %arg7[%parallel_loop3A_264, %parallel_loop3A_265, %parallel_loop3A_266, %parallel_loop3A_267] {strides = array<i32>} : memref<4x8x8x128xf32, #tpu.memory_space<vmem>>, vector<16xf32>,
        tpu.vector_store %arg7[%parallel_loop3A_264, %parallel_loop3A_265, %parallel_loop3A_266, %parallel_loop3A_267], %parallel_loop3A_261 {strides = array<i32>} : memref<4x8x8x128xf32, #tpu.memory_space<vmem>>, vector<16xf32>,
        %parallel_loop3A_269 = arith.constant 8960 : i32
        %parallel_loop3A_270 = vector.broadcast %parallel_loop3A_269 : i32 to vector<16xi32>
        %parallel_loop3A_271 = arith.addi %parallel_loop3A_72, %parallel_loop3A_270 : vector<16xi32>
        %parallel_loop3A_272 = tpu.vector_load_idx %arg6[%parallel_loop3A_271] : memref<32768xf32, #tpu.memory_space<vmem>>[vector<16xi32>], vector<16xf32>,
        %parallel_loop3A_273 = arith.constant 1 : i32
        %parallel_loop3A_274 = arith.constant 6 : i32
        %parallel_loop3A_275 = arith.index_cast %parallel_loop3A_273 : i32 to index
        %parallel_loop3A_276 = arith.index_cast %parallel_loop3A_96 : i32 to index
        %parallel_loop3A_277 = arith.index_cast %parallel_loop3A_274 : i32 to index
        %parallel_loop3A_278 = arith.index_cast %parallel_loop3A_114 : i32 to index
        %parallel_loop3A_279 = tpu.vector_load %arg7[%parallel_loop3A_275, %parallel_loop3A_276, %parallel_loop3A_277, %parallel_loop3A_278] {strides = array<i32>} : memref<4x8x8x128xf32, #tpu.memory_space<vmem>>, vector<16xf32>,
        tpu.vector_store %arg7[%parallel_loop3A_275, %parallel_loop3A_276, %parallel_loop3A_277, %parallel_loop3A_278], %parallel_loop3A_272 {strides = array<i32>} : memref<4x8x8x128xf32, #tpu.memory_space<vmem>>, vector<16xf32>,
        %parallel_loop3A_280 = arith.constant 9088 : i32
        %parallel_loop3A_281 = vector.broadcast %parallel_loop3A_280 : i32 to vector<16xi32>
        %parallel_loop3A_282 = arith.addi %parallel_loop3A_72, %parallel_loop3A_281 : vector<16xi32>
        %parallel_loop3A_283 = tpu.vector_load_idx %arg6[%parallel_loop3A_282] : memref<32768xf32, #tpu.memory_space<vmem>>[vector<16xi32>], vector<16xf32>,
        %parallel_loop3A_284 = arith.constant 1 : i32
        %parallel_loop3A_285 = arith.constant 7 : i32
        %parallel_loop3A_286 = arith.index_cast %parallel_loop3A_284 : i32 to index
        %parallel_loop3A_287 = arith.index_cast %parallel_loop3A_96 : i32 to index
        %parallel_loop3A_288 = arith.index_cast %parallel_loop3A_285 : i32 to index
        %parallel_loop3A_289 = arith.index_cast %parallel_loop3A_114 : i32 to index
        %parallel_loop3A_290 = tpu.vector_load %arg7[%parallel_loop3A_286, %parallel_loop3A_287, %parallel_loop3A_288, %parallel_loop3A_289] {strides = array<i32>} : memref<4x8x8x128xf32, #tpu.memory_space<vmem>>, vector<16xf32>,
        tpu.vector_store %arg7[%parallel_loop3A_286, %parallel_loop3A_287, %parallel_loop3A_288, %parallel_loop3A_289], %parallel_loop3A_283 {strides = array<i32>} : memref<4x8x8x128xf32, #tpu.memory_space<vmem>>, vector<16xf32>,
        %parallel_loop3A_291 = arith.constant 16384 : i32
        %parallel_loop3A_292 = vector.broadcast %parallel_loop3A_291 : i32 to vector<16xi32>
        %parallel_loop3A_293 = arith.addi %parallel_loop3A_72, %parallel_loop3A_292 : vector<16xi32>
        %parallel_loop3A_294 = tpu.vector_load_idx %arg6[%parallel_loop3A_293] : memref<32768xf32, #tpu.memory_space<vmem>>[vector<16xi32>], vector<16xf32>,
        %parallel_loop3A_295 = arith.constant 2 : i32
        %parallel_loop3A_296 = arith.constant 0 : i32
        %parallel_loop3A_297 = arith.index_cast %parallel_loop3A_295 : i32 to index
        %parallel_loop3A_298 = arith.index_cast %parallel_loop3A_96 : i32 to index
        %parallel_loop3A_299 = arith.index_cast %parallel_loop3A_296 : i32 to index
        %parallel_loop3A_300 = arith.index_cast %parallel_loop3A_114 : i32 to index
        %parallel_loop3A_301 = tpu.vector_load %arg7[%parallel_loop3A_297, %parallel_loop3A_298, %parallel_loop3A_299, %parallel_loop3A_300] {strides = array<i32>} : memref<4x8x8x128xf32, #tpu.memory_space<vmem>>, vector<16xf32>,
        tpu.vector_store %arg7[%parallel_loop3A_297, %parallel_loop3A_298, %parallel_loop3A_299, %parallel_loop3A_300], %parallel_loop3A_294 {strides = array<i32>} : memref<4x8x8x128xf32, #tpu.memory_space<vmem>>, vector<16xf32>,
        %parallel_loop3A_302 = arith.constant 16512 : i32
        %parallel_loop3A_303 = vector.broadcast %parallel_loop3A_302 : i32 to vector<16xi32>
        %parallel_loop3A_304 = arith.addi %parallel_loop3A_72, %parallel_loop3A_303 : vector<16xi32>
        %parallel_loop3A_305 = tpu.vector_load_idx %arg6[%parallel_loop3A_304] : memref<32768xf32, #tpu.memory_space<vmem>>[vector<16xi32>], vector<16xf32>,
        %parallel_loop3A_306 = arith.constant 2 : i32
        %parallel_loop3A_307 = arith.constant 1 : i32
        %parallel_loop3A_308 = arith.index_cast %parallel_loop3A_306 : i32 to index
        %parallel_loop3A_309 = arith.index_cast %parallel_loop3A_96 : i32 to index
        %parallel_loop3A_310 = arith.index_cast %parallel_loop3A_307 : i32 to index
        %parallel_loop3A_311 = arith.index_cast %parallel_loop3A_114 : i32 to index
        %parallel_loop3A_312 = tpu.vector_load %arg7[%parallel_loop3A_308, %parallel_loop3A_309, %parallel_loop3A_310, %parallel_loop3A_311] {strides = array<i32>} : memref<4x8x8x128xf32, #tpu.memory_space<vmem>>, vector<16xf32>,
        tpu.vector_store %arg7[%parallel_loop3A_308, %parallel_loop3A_309, %parallel_loop3A_310, %parallel_loop3A_311], %parallel_loop3A_305 {strides = array<i32>} : memref<4x8x8x128xf32, #tpu.memory_space<vmem>>, vector<16xf32>,
        %parallel_loop3A_313 = arith.constant 16640 : i32
        %parallel_loop3A_314 = vector.broadcast %parallel_loop3A_313 : i32 to vector<16xi32>
        %parallel_loop3A_315 = arith.addi %parallel_loop3A_72, %parallel_loop3A_314 : vector<16xi32>
        %parallel_loop3A_316 = tpu.vector_load_idx %arg6[%parallel_loop3A_315] : memref<32768xf32, #tpu.memory_space<vmem>>[vector<16xi32>], vector<16xf32>,
        %parallel_loop3A_317 = arith.constant 2 : i32
        %parallel_loop3A_318 = arith.constant 2 : i32
        %parallel_loop3A_319 = arith.index_cast %parallel_loop3A_317 : i32 to index
        %parallel_loop3A_320 = arith.index_cast %parallel_loop3A_96 : i32 to index
        %parallel_loop3A_321 = arith.index_cast %parallel_loop3A_318 : i32 to index
        %parallel_loop3A_322 = arith.index_cast %parallel_loop3A_114 : i32 to index
        %parallel_loop3A_323 = tpu.vector_load %arg7[%parallel_loop3A_319, %parallel_loop3A_320, %parallel_loop3A_321, %parallel_loop3A_322] {strides = array<i32>} : memref<4x8x8x128xf32, #tpu.memory_space<vmem>>, vector<16xf32>,
        tpu.vector_store %arg7[%parallel_loop3A_319, %parallel_loop3A_320, %parallel_loop3A_321, %parallel_loop3A_322], %parallel_loop3A_316 {strides = array<i32>} : memref<4x8x8x128xf32, #tpu.memory_space<vmem>>, vector<16xf32>,
        %parallel_loop3A_324 = arith.constant 16768 : i32
        %parallel_loop3A_325 = vector.broadcast %parallel_loop3A_324 : i32 to vector<16xi32>
        %parallel_loop3A_326 = arith.addi %parallel_loop3A_72, %parallel_loop3A_325 : vector<16xi32>
        %parallel_loop3A_327 = tpu.vector_load_idx %arg6[%parallel_loop3A_326] : memref<32768xf32, #tpu.memory_space<vmem>>[vector<16xi32>], vector<16xf32>,
        %parallel_loop3A_328 = arith.constant 2 : i32
        %parallel_loop3A_329 = arith.constant 3 : i32
        %parallel_loop3A_330 = arith.index_cast %parallel_loop3A_328 : i32 to index
        %parallel_loop3A_331 = arith.index_cast %parallel_loop3A_96 : i32 to index
        %parallel_loop3A_332 = arith.index_cast %parallel_loop3A_329 : i32 to index
        %parallel_loop3A_333 = arith.index_cast %parallel_loop3A_114 : i32 to index
        %parallel_loop3A_334 = tpu.vector_load %arg7[%parallel_loop3A_330, %parallel_loop3A_331, %parallel_loop3A_332, %parallel_loop3A_333] {strides = array<i32>} : memref<4x8x8x128xf32, #tpu.memory_space<vmem>>, vector<16xf32>,
        tpu.vector_store %arg7[%parallel_loop3A_330, %parallel_loop3A_331, %parallel_loop3A_332, %parallel_loop3A_333], %parallel_loop3A_327 {strides = array<i32>} : memref<4x8x8x128xf32, #tpu.memory_space<vmem>>, vector<16xf32>,
        %parallel_loop3A_335 = arith.constant 16896 : i32
        %parallel_loop3A_336 = vector.broadcast %parallel_loop3A_335 : i32 to vector<16xi32>
        %parallel_loop3A_337 = arith.addi %parallel_loop3A_72, %parallel_loop3A_336 : vector<16xi32>
        %parallel_loop3A_338 = tpu.vector_load_idx %arg6[%parallel_loop3A_337] : memref<32768xf32, #tpu.memory_space<vmem>>[vector<16xi32>], vector<16xf32>,
        %parallel_loop3A_339 = arith.constant 2 : i32
        %parallel_loop3A_340 = arith.constant 4 : i32
        %parallel_loop3A_341 = arith.index_cast %parallel_loop3A_339 : i32 to index
        %parallel_loop3A_342 = arith.index_cast %parallel_loop3A_96 : i32 to index
        %parallel_loop3A_343 = arith.index_cast %parallel_loop3A_340 : i32 to index
        %parallel_loop3A_344 = arith.index_cast %parallel_loop3A_114 : i32 to index
        %parallel_loop3A_345 = tpu.vector_load %arg7[%parallel_loop3A_341, %parallel_loop3A_342, %parallel_loop3A_343, %parallel_loop3A_344] {strides = array<i32>} : memref<4x8x8x128xf32, #tpu.memory_space<vmem>>, vector<16xf32>,
        tpu.vector_store %arg7[%parallel_loop3A_341, %parallel_loop3A_342, %parallel_loop3A_343, %parallel_loop3A_344], %parallel_loop3A_338 {strides = array<i32>} : memref<4x8x8x128xf32, #tpu.memory_space<vmem>>, vector<16xf32>,
        %parallel_loop3A_346 = arith.constant 17024 : i32
        %parallel_loop3A_347 = vector.broadcast %parallel_loop3A_346 : i32 to vector<16xi32>
        %parallel_loop3A_348 = arith.addi %parallel_loop3A_72, %parallel_loop3A_347 : vector<16xi32>
        %parallel_loop3A_349 = tpu.vector_load_idx %arg6[%parallel_loop3A_348] : memref<32768xf32, #tpu.memory_space<vmem>>[vector<16xi32>], vector<16xf32>,
        %parallel_loop3A_350 = arith.constant 2 : i32
        %parallel_loop3A_351 = arith.constant 5 : i32
        %parallel_loop3A_352 = arith.index_cast %parallel_loop3A_350 : i32 to index
        %parallel_loop3A_353 = arith.index_cast %parallel_loop3A_96 : i32 to index
        %parallel_loop3A_354 = arith.index_cast %parallel_loop3A_351 : i32 to index
        %parallel_loop3A_355 = arith.index_cast %parallel_loop3A_114 : i32 to index
        %parallel_loop3A_356 = tpu.vector_load %arg7[%parallel_loop3A_352, %parallel_loop3A_353, %parallel_loop3A_354, %parallel_loop3A_355] {strides = array<i32>} : memref<4x8x8x128xf32, #tpu.memory_space<vmem>>, vector<16xf32>,
        tpu.vector_store %arg7[%parallel_loop3A_352, %parallel_loop3A_353, %parallel_loop3A_354, %parallel_loop3A_355], %parallel_loop3A_349 {strides = array<i32>} : memref<4x8x8x128xf32, #tpu.memory_space<vmem>>, vector<16xf32>,
        %parallel_loop3A_357 = arith.constant 17152 : i32
        %parallel_loop3A_358 = vector.broadcast %parallel_loop3A_357 : i32 to vector<16xi32>
        %parallel_loop3A_359 = arith.addi %parallel_loop3A_72, %parallel_loop3A_358 : vector<16xi32>
        %parallel_loop3A_360 = tpu.vector_load_idx %arg6[%parallel_loop3A_359] : memref<32768xf32, #tpu.memory_space<vmem>>[vector<16xi32>], vector<16xf32>,
        %parallel_loop3A_361 = arith.constant 2 : i32
        %parallel_loop3A_362 = arith.constant 6 : i32
        %parallel_loop3A_363 = arith.index_cast %parallel_loop3A_361 : i32 to index
        %parallel_loop3A_364 = arith.index_cast %parallel_loop3A_96 : i32 to index
        %parallel_loop3A_365 = arith.index_cast %parallel_loop3A_362 : i32 to index
        %parallel_loop3A_366 = arith.index_cast %parallel_loop3A_114 : i32 to index
        %parallel_loop3A_367 = tpu.vector_load %arg7[%parallel_loop3A_363, %parallel_loop3A_364, %parallel_loop3A_365, %parallel_loop3A_366] {strides = array<i32>} : memref<4x8x8x128xf32, #tpu.memory_space<vmem>>, vector<16xf32>,
        tpu.vector_store %arg7[%parallel_loop3A_363, %parallel_loop3A_364, %parallel_loop3A_365, %parallel_loop3A_366], %parallel_loop3A_360 {strides = array<i32>} : memref<4x8x8x128xf32, #tpu.memory_space<vmem>>, vector<16xf32>,
        %parallel_loop3A_368 = arith.constant 17280 : i32
        %parallel_loop3A_369 = vector.broadcast %parallel_loop3A_368 : i32 to vector<16xi32>
        %parallel_loop3A_370 = arith.addi %parallel_loop3A_72, %parallel_loop3A_369 : vector<16xi32>
        %parallel_loop3A_371 = tpu.vector_load_idx %arg6[%parallel_loop3A_370] : memref<32768xf32, #tpu.memory_space<vmem>>[vector<16xi32>], vector<16xf32>,
        %parallel_loop3A_372 = arith.constant 2 : i32
        %parallel_loop3A_373 = arith.constant 7 : i32
        %parallel_loop3A_374 = arith.index_cast %parallel_loop3A_372 : i32 to index
        %parallel_loop3A_375 = arith.index_cast %parallel_loop3A_96 : i32 to index
        %parallel_loop3A_376 = arith.index_cast %parallel_loop3A_373 : i32 to index
        %parallel_loop3A_377 = arith.index_cast %parallel_loop3A_114 : i32 to index
        %parallel_loop3A_378 = tpu.vector_load %arg7[%parallel_loop3A_374, %parallel_loop3A_375, %parallel_loop3A_376, %parallel_loop3A_377] {strides = array<i32>} : memref<4x8x8x128xf32, #tpu.memory_space<vmem>>, vector<16xf32>,
        tpu.vector_store %arg7[%parallel_loop3A_374, %parallel_loop3A_375, %parallel_loop3A_376, %parallel_loop3A_377], %parallel_loop3A_371 {strides = array<i32>} : memref<4x8x8x128xf32, #tpu.memory_space<vmem>>, vector<16xf32>,
        %parallel_loop3A_379 = arith.constant 24576 : i32
        %parallel_loop3A_380 = vector.broadcast %parallel_loop3A_379 : i32 to vector<16xi32>
        %parallel_loop3A_381 = arith.addi %parallel_loop3A_72, %parallel_loop3A_380 : vector<16xi32>
        %parallel_loop3A_382 = tpu.vector_load_idx %arg6[%parallel_loop3A_381] : memref<32768xf32, #tpu.memory_space<vmem>>[vector<16xi32>], vector<16xf32>,
        %parallel_loop3A_383 = arith.constant 3 : i32
        %parallel_loop3A_384 = arith.constant 0 : i32
        %parallel_loop3A_385 = arith.index_cast %parallel_loop3A_383 : i32 to index
        %parallel_loop3A_386 = arith.index_cast %parallel_loop3A_96 : i32 to index
        %parallel_loop3A_387 = arith.index_cast %parallel_loop3A_384 : i32 to index
        %parallel_loop3A_388 = arith.index_cast %parallel_loop3A_114 : i32 to index
        %parallel_loop3A_389 = tpu.vector_load %arg7[%parallel_loop3A_385, %parallel_loop3A_386, %parallel_loop3A_387, %parallel_loop3A_388] {strides = array<i32>} : memref<4x8x8x128xf32, #tpu.memory_space<vmem>>, vector<16xf32>,
        tpu.vector_store %arg7[%parallel_loop3A_385, %parallel_loop3A_386, %parallel_loop3A_387, %parallel_loop3A_388], %parallel_loop3A_382 {strides = array<i32>} : memref<4x8x8x128xf32, #tpu.memory_space<vmem>>, vector<16xf32>,
        %parallel_loop3A_390 = arith.constant 24704 : i32
        %parallel_loop3A_391 = vector.broadcast %parallel_loop3A_390 : i32 to vector<16xi32>
        %parallel_loop3A_392 = arith.addi %parallel_loop3A_72, %parallel_loop3A_391 : vector<16xi32>
        %parallel_loop3A_393 = tpu.vector_load_idx %arg6[%parallel_loop3A_392] : memref<32768xf32, #tpu.memory_space<vmem>>[vector<16xi32>], vector<16xf32>,
        %parallel_loop3A_394 = arith.constant 3 : i32
        %parallel_loop3A_395 = arith.constant 1 : i32
        %parallel_loop3A_396 = arith.index_cast %parallel_loop3A_394 : i32 to index
        %parallel_loop3A_397 = arith.index_cast %parallel_loop3A_96 : i32 to index
        %parallel_loop3A_398 = arith.index_cast %parallel_loop3A_395 : i32 to index
        %parallel_loop3A_399 = arith.index_cast %parallel_loop3A_114 : i32 to index
        %parallel_loop3A_400 = tpu.vector_load %arg7[%parallel_loop3A_396, %parallel_loop3A_397, %parallel_loop3A_398, %parallel_loop3A_399] {strides = array<i32>} : memref<4x8x8x128xf32, #tpu.memory_space<vmem>>, vector<16xf32>,
        tpu.vector_store %arg7[%parallel_loop3A_396, %parallel_loop3A_397, %parallel_loop3A_398, %parallel_loop3A_399], %parallel_loop3A_393 {strides = array<i32>} : memref<4x8x8x128xf32, #tpu.memory_space<vmem>>, vector<16xf32>,
        %parallel_loop3A_401 = arith.constant 24832 : i32
        %parallel_loop3A_402 = vector.broadcast %parallel_loop3A_401 : i32 to vector<16xi32>
        %parallel_loop3A_403 = arith.addi %parallel_loop3A_72, %parallel_loop3A_402 : vector<16xi32>
        %parallel_loop3A_404 = tpu.vector_load_idx %arg6[%parallel_loop3A_403] : memref<32768xf32, #tpu.memory_space<vmem>>[vector<16xi32>], vector<16xf32>,
        %parallel_loop3A_405 = arith.constant 3 : i32
        %parallel_loop3A_406 = arith.constant 2 : i32
        %parallel_loop3A_407 = arith.index_cast %parallel_loop3A_405 : i32 to index
        %parallel_loop3A_408 = arith.index_cast %parallel_loop3A_96 : i32 to index
        %parallel_loop3A_409 = arith.index_cast %parallel_loop3A_406 : i32 to index
        %parallel_loop3A_410 = arith.index_cast %parallel_loop3A_114 : i32 to index
        %parallel_loop3A_411 = tpu.vector_load %arg7[%parallel_loop3A_407, %parallel_loop3A_408, %parallel_loop3A_409, %parallel_loop3A_410] {strides = array<i32>} : memref<4x8x8x128xf32, #tpu.memory_space<vmem>>, vector<16xf32>,
        tpu.vector_store %arg7[%parallel_loop3A_407, %parallel_loop3A_408, %parallel_loop3A_409, %parallel_loop3A_410], %parallel_loop3A_404 {strides = array<i32>} : memref<4x8x8x128xf32, #tpu.memory_space<vmem>>, vector<16xf32>,
        %parallel_loop3A_412 = arith.constant 24960 : i32
        %parallel_loop3A_413 = vector.broadcast %parallel_loop3A_412 : i32 to vector<16xi32>
        %parallel_loop3A_414 = arith.addi %parallel_loop3A_72, %parallel_loop3A_413 : vector<16xi32>
        %parallel_loop3A_415 = tpu.vector_load_idx %arg6[%parallel_loop3A_414] : memref<32768xf32, #tpu.memory_space<vmem>>[vector<16xi32>], vector<16xf32>,
        %parallel_loop3A_416 = arith.constant 3 : i32
        %parallel_loop3A_417 = arith.constant 3 : i32
        %parallel_loop3A_418 = arith.index_cast %parallel_loop3A_416 : i32 to index
        %parallel_loop3A_419 = arith.index_cast %parallel_loop3A_96 : i32 to index
        %parallel_loop3A_420 = arith.index_cast %parallel_loop3A_417 : i32 to index
        %parallel_loop3A_421 = arith.index_cast %parallel_loop3A_114 : i32 to index
        %parallel_loop3A_422 = tpu.vector_load %arg7[%parallel_loop3A_418, %parallel_loop3A_419, %parallel_loop3A_420, %parallel_loop3A_421] {strides = array<i32>} : memref<4x8x8x128xf32, #tpu.memory_space<vmem>>, vector<16xf32>,
        tpu.vector_store %arg7[%parallel_loop3A_418, %parallel_loop3A_419, %parallel_loop3A_420, %parallel_loop3A_421], %parallel_loop3A_415 {strides = array<i32>} : memref<4x8x8x128xf32, #tpu.memory_space<vmem>>, vector<16xf32>,
        %parallel_loop3A_423 = arith.constant 25088 : i32
        %parallel_loop3A_424 = vector.broadcast %parallel_loop3A_423 : i32 to vector<16xi32>
        %parallel_loop3A_425 = arith.addi %parallel_loop3A_72, %parallel_loop3A_424 : vector<16xi32>
        %parallel_loop3A_426 = tpu.vector_load_idx %arg6[%parallel_loop3A_425] : memref<32768xf32, #tpu.memory_space<vmem>>[vector<16xi32>], vector<16xf32>,
        %parallel_loop3A_427 = arith.constant 3 : i32
        %parallel_loop3A_428 = arith.constant 4 : i32
        %parallel_loop3A_429 = arith.index_cast %parallel_loop3A_427 : i32 to index
        %parallel_loop3A_430 = arith.index_cast %parallel_loop3A_96 : i32 to index
        %parallel_loop3A_431 = arith.index_cast %parallel_loop3A_428 : i32 to index
        %parallel_loop3A_432 = arith.index_cast %parallel_loop3A_114 : i32 to index
        %parallel_loop3A_433 = tpu.vector_load %arg7[%parallel_loop3A_429, %parallel_loop3A_430, %parallel_loop3A_431, %parallel_loop3A_432] {strides = array<i32>} : memref<4x8x8x128xf32, #tpu.memory_space<vmem>>, vector<16xf32>,
        tpu.vector_store %arg7[%parallel_loop3A_429, %parallel_loop3A_430, %parallel_loop3A_431, %parallel_loop3A_432], %parallel_loop3A_426 {strides = array<i32>} : memref<4x8x8x128xf32, #tpu.memory_space<vmem>>, vector<16xf32>,
        %parallel_loop3A_434 = arith.constant 25216 : i32
        %parallel_loop3A_435 = vector.broadcast %parallel_loop3A_434 : i32 to vector<16xi32>
        %parallel_loop3A_436 = arith.addi %parallel_loop3A_72, %parallel_loop3A_435 : vector<16xi32>
        %parallel_loop3A_437 = tpu.vector_load_idx %arg6[%parallel_loop3A_436] : memref<32768xf32, #tpu.memory_space<vmem>>[vector<16xi32>], vector<16xf32>,
        %parallel_loop3A_438 = arith.constant 3 : i32
        %parallel_loop3A_439 = arith.constant 5 : i32
        %parallel_loop3A_440 = arith.index_cast %parallel_loop3A_438 : i32 to index
        %parallel_loop3A_441 = arith.index_cast %parallel_loop3A_96 : i32 to index
        %parallel_loop3A_442 = arith.index_cast %parallel_loop3A_439 : i32 to index
        %parallel_loop3A_443 = arith.index_cast %parallel_loop3A_114 : i32 to index
        %parallel_loop3A_444 = tpu.vector_load %arg7[%parallel_loop3A_440, %parallel_loop3A_441, %parallel_loop3A_442, %parallel_loop3A_443] {strides = array<i32>} : memref<4x8x8x128xf32, #tpu.memory_space<vmem>>, vector<16xf32>,
        tpu.vector_store %arg7[%parallel_loop3A_440, %parallel_loop3A_441, %parallel_loop3A_442, %parallel_loop3A_443], %parallel_loop3A_437 {strides = array<i32>} : memref<4x8x8x128xf32, #tpu.memory_space<vmem>>, vector<16xf32>,
        %parallel_loop3A_445 = arith.constant 25344 : i32
        %parallel_loop3A_446 = vector.broadcast %parallel_loop3A_445 : i32 to vector<16xi32>
        %parallel_loop3A_447 = arith.addi %parallel_loop3A_72, %parallel_loop3A_446 : vector<16xi32>
        %parallel_loop3A_448 = tpu.vector_load_idx %arg6[%parallel_loop3A_447] : memref<32768xf32, #tpu.memory_space<vmem>>[vector<16xi32>], vector<16xf32>,
        %parallel_loop3A_449 = arith.constant 3 : i32
        %parallel_loop3A_450 = arith.constant 6 : i32
        %parallel_loop3A_451 = arith.index_cast %parallel_loop3A_449 : i32 to index
        %parallel_loop3A_452 = arith.index_cast %parallel_loop3A_96 : i32 to index
        %parallel_loop3A_453 = arith.index_cast %parallel_loop3A_450 : i32 to index
        %parallel_loop3A_454 = arith.index_cast %parallel_loop3A_114 : i32 to index
        %parallel_loop3A_455 = tpu.vector_load %arg7[%parallel_loop3A_451, %parallel_loop3A_452, %parallel_loop3A_453, %parallel_loop3A_454] {strides = array<i32>} : memref<4x8x8x128xf32, #tpu.memory_space<vmem>>, vector<16xf32>,
        tpu.vector_store %arg7[%parallel_loop3A_451, %parallel_loop3A_452, %parallel_loop3A_453, %parallel_loop3A_454], %parallel_loop3A_448 {strides = array<i32>} : memref<4x8x8x128xf32, #tpu.memory_space<vmem>>, vector<16xf32>,
        %parallel_loop3A_456 = arith.constant 25472 : i32
        %parallel_loop3A_457 = vector.broadcast %parallel_loop3A_456 : i32 to vector<16xi32>
        %parallel_loop3A_458 = arith.addi %parallel_loop3A_72, %parallel_loop3A_457 : vector<16xi32>
        %parallel_loop3A_459 = tpu.vector_load_idx %arg6[%parallel_loop3A_458] : memref<32768xf32, #tpu.memory_space<vmem>>[vector<16xi32>], vector<16xf32>,
        %parallel_loop3A_460 = arith.constant 3 : i32
        %parallel_loop3A_461 = arith.constant 7 : i32
        %parallel_loop3A_462 = arith.index_cast %parallel_loop3A_460 : i32 to index
        %parallel_loop3A_463 = arith.index_cast %parallel_loop3A_96 : i32 to index
        %parallel_loop3A_464 = arith.index_cast %parallel_loop3A_461 : i32 to index
        %parallel_loop3A_465 = arith.index_cast %parallel_loop3A_114 : i32 to index
        %parallel_loop3A_466 = tpu.vector_load %arg7[%parallel_loop3A_462, %parallel_loop3A_463, %parallel_loop3A_464, %parallel_loop3A_465] {strides = array<i32>} : memref<4x8x8x128xf32, #tpu.memory_space<vmem>>, vector<16xf32>,
        tpu.vector_store %arg7[%parallel_loop3A_462, %parallel_loop3A_463, %parallel_loop3A_464, %parallel_loop3A_465], %parallel_loop3A_459 {strides = array<i32>} : memref<4x8x8x128xf32, #tpu.memory_space<vmem>>, vector<16xf32>,
      } {sc.loop_unroll_factor = 1 : i64, sc.parallel_access}
      %mul3A_32 = arith.constant 8 : i32
      %mul3A_33 = arith.muli %mul3A_25, %mul3A_32 : i32
      %convert_element_type3A_34 = arith.extui %le3A_7 : i1 to i32
      %cond3A_35 = arith.constant 0 : i32
      %cond3A_36 = arith.cmpi ne, %convert_element_type3A_34, %cond3A_35 : i32
      scf.if %cond3A_36 {
        %dma_start3A = arith.constant 0 : i32
        %dma_start3A_55 = arith.constant 0 : i32
        %dma_start3A_56 = tpu.memref_slice %arg4[%mul3A_4, %mul3A_33, %dma_start3A, %dma_start3A_55] : memref<125x160x8x128xf32, #tpu.memory_space<hbm>> -> memref<4x8x8x128xf32, #tpu.memory_space<hbm>>
        %dma_start3A_57 = arith.constant 0 : i32
        %dma_start3A_58 = arith.constant 0 : i32
        %dma_start3A_59 = tpu.memref_slice %arg4[%mul3A_4, %mul3A_33, %dma_start3A_57, %dma_start3A_58] : memref<125x160x8x128xf32, #tpu.memory_space<hbm>> -> memref<4x8x8x128xf32, #tpu.memory_space<hbm>>
        tpu.enqueue_dma source(%arg7 : memref<4x8x8x128xf32, #tpu.memory_space<vmem>>) target(%dma_start3A_59 : memref<4x8x8x128xf32, #tpu.memory_space<hbm>>) target_semaphore(%arg9 : memref<!tpu.dma_semaphore, #tpu.memory_space<semaphore_mem>>)
      } else {
        %dma_start3A = arith.constant 0 : i32
        %dma_start3A_55 = arith.constant 0 : i32
        %dma_start3A_56 = arith.constant 0 : i32
        %dma_start3A_57 = arith.constant 0 : i32
        %dma_start3A_58 = tpu.memref_slice %arg7[%dma_start3A, %dma_start3A_55, %dma_start3A_56, %dma_start3A_57] : memref<4x8x8x128xf32, #tpu.memory_space<vmem>> -> memref<1x8x8x128xf32, #tpu.memory_space<vmem>>
        %dma_start3A_59 = arith.constant 0 : i32
        %dma_start3A_60 = arith.constant 0 : i32
        %dma_start3A_61 = tpu.memref_slice %arg4[%mul3A_4, %mul3A_33, %dma_start3A_59, %dma_start3A_60] : memref<125x160x8x128xf32, #tpu.memory_space<hbm>> -> memref<1x8x8x128xf32, #tpu.memory_space<hbm>>
        %dma_start3A_62 = arith.constant 0 : i32
        %dma_start3A_63 = arith.constant 0 : i32
        %dma_start3A_64 = tpu.memref_slice %arg4[%mul3A_4, %mul3A_33, %dma_start3A_62, %dma_start3A_63] : memref<125x160x8x128xf32, #tpu.memory_space<hbm>> -> memref<1x8x8x128xf32, #tpu.memory_space<hbm>>
        %dma_start3A_65 = arith.constant 0 : i32
        %dma_start3A_66 = arith.constant 0 : i32
        %dma_start3A_67 = arith.constant 0 : i32
        %dma_start3A_68 = arith.constant 0 : i32
        %dma_start3A_69 = tpu.memref_slice %arg7[%dma_start3A_65, %dma_start3A_66, %dma_start3A_67, %dma_start3A_68] : memref<4x8x8x128xf32, #tpu.memory_space<vmem>> -> memref<1x8x8x128xf32, #tpu.memory_space<vmem>>
        tpu.enqueue_dma source(%dma_start3A_69 : memref<1x8x8x128xf32, #tpu.memory_space<vmem>>) target(%dma_start3A_64 : memref<1x8x8x128xf32, #tpu.memory_space<hbm>>) target_semaphore(%arg9 : memref<!tpu.dma_semaphore, #tpu.memory_space<semaphore_mem>>)
      }
      %mul3A_37 = arith.constant 2 : i32
      %mul3A_38 = arith.muli %mul3A_37, %scan3A_22 : i32
      %add3A_39 = arith.constant 1 : i32
      %add3A_40 = arith.addi %mul3A_38, %add3A_39 : i32
      %ge3A_41 = arith.constant 2 : i32
      %ge3A_42 = arith.cmpi sge, %add3A_40, %ge3A_41 : i32
      %convert_element_type3A_43 = arith.extui %ge3A_42 : i1 to i32
      %cond3A_44 = arith.constant 0 : i32
      %cond3A_45 = arith.cmpi ne, %convert_element_type3A_43, %cond3A_44 : i32
      scf.if %cond3A_45 {
        %sub3A = arith.constant 2 : i32
        %sub3A_55 = arith.subi %add3A_40, %sub3A : i32
        %mul3A_56 = arith.constant 8 : i32
        %mul3A_57 = arith.muli %sub3A_55, %mul3A_56 : i32
        %convert_element_type3A_58 = arith.extui %le3A_7 : i1 to i32
        %cond3A_59 = arith.constant 0 : i32
        %cond3A_60 = arith.cmpi ne, %convert_element_type3A_58, %cond3A_59 : i32
        scf.if %cond3A_60 {
          %dma_wait3A = arith.constant 0 : i32
          %dma_wait3A_61 = arith.constant 0 : i32
          %dma_wait3A_62 = tpu.memref_slice %arg4[%mul3A_4, %mul3A_57, %dma_wait3A, %dma_wait3A_61] : memref<125x160x8x128xf32, #tpu.memory_space<hbm>> -> memref<4x8x8x128xf32, #tpu.memory_space<hbm>>
          %dma_wait3A_63 = arith.constant 0 : i32
          %dma_wait3A_64 = arith.constant 0 : i32
          %dma_wait3A_65 = tpu.memref_slice %arg4[%mul3A_4, %mul3A_57, %dma_wait3A_63, %dma_wait3A_64] : memref<125x160x8x128xf32, #tpu.memory_space<hbm>> -> memref<4x8x8x128xf32, #tpu.memory_space<hbm>>
          tpu.wait_dma2 semaphore(%arg10 : memref<!tpu.dma_semaphore, #tpu.memory_space<semaphore_mem>>) src(%arg8 : memref<4x8x8x128xf32, #tpu.memory_space<vmem>>) dst(%dma_wait3A_65 : memref<4x8x8x128xf32, #tpu.memory_space<hbm>>)
        } else {
          %dma_wait3A = arith.constant 0 : i32
          %dma_wait3A_61 = arith.constant 0 : i32
          %dma_wait3A_62 = arith.constant 0 : i32
          %dma_wait3A_63 = arith.constant 0 : i32
          %dma_wait3A_64 = tpu.memref_slice %arg8[%dma_wait3A, %dma_wait3A_61, %dma_wait3A_62, %dma_wait3A_63] : memref<4x8x8x128xf32, #tpu.memory_space<vmem>> -> memref<1x8x8x128xf32, #tpu.memory_space<vmem>>
          %dma_wait3A_65 = arith.constant 0 : i32
          %dma_wait3A_66 = arith.constant 0 : i32
          %dma_wait3A_67 = tpu.memref_slice %arg4[%mul3A_4, %mul3A_57, %dma_wait3A_65, %dma_wait3A_66] : memref<125x160x8x128xf32, #tpu.memory_space<hbm>> -> memref<1x8x8x128xf32, #tpu.memory_space<hbm>>
          %dma_wait3A_68 = arith.constant 0 : i32
          %dma_wait3A_69 = arith.constant 0 : i32
          %dma_wait3A_70 = tpu.memref_slice %arg4[%mul3A_4, %mul3A_57, %dma_wait3A_68, %dma_wait3A_69] : memref<125x160x8x128xf32, #tpu.memory_space<hbm>> -> memref<1x8x8x128xf32, #tpu.memory_space<hbm>>
          %dma_wait3A_71 = arith.constant 0 : i32
          %dma_wait3A_72 = arith.constant 0 : i32
          %dma_wait3A_73 = arith.constant 0 : i32
          %dma_wait3A_74 = arith.constant 0 : i32
          %dma_wait3A_75 = tpu.memref_slice %arg8[%dma_wait3A_71, %dma_wait3A_72, %dma_wait3A_73, %dma_wait3A_74] : memref<4x8x8x128xf32, #tpu.memory_space<vmem>> -> memref<1x8x8x128xf32, #tpu.memory_space<vmem>>
          tpu.wait_dma2 semaphore(%arg10 : memref<!tpu.dma_semaphore, #tpu.memory_space<semaphore_mem>>) src(%dma_wait3A_75 : memref<1x8x8x128xf32, #tpu.memory_space<vmem>>) dst(%dma_wait3A_70 : memref<1x8x8x128xf32, #tpu.memory_space<hbm>>)
        }
      } else {
      }
      %parallel_loop3A_46 = arith.constant 0 : i32
      %parallel_loop3A_47 = arith.constant 64 : i32
      %parallel_loop3A_48 = arith.constant 1 : i32
      scf.for %parallel_loop3A_55 = %parallel_loop3A_46 to %parallel_loop3A_47 step %parallel_loop3A_48  : i32 {
        %parallel_loop3A_56 = arith.constant 1024 : i32
        %parallel_loop3A_57 = arith.muli %add3A_40, %parallel_loop3A_56 : i32
        %parallel_loop3A_58 = arith.constant 16 : i32
        %parallel_loop3A_59 = arith.muli %parallel_loop3A_55, %parallel_loop3A_58 : i32
        %parallel_loop3A_60 = arith.addi %parallel_loop3A_57, %parallel_loop3A_59 : i32
        %parallel_loop3A_61 = arith.index_cast %parallel_loop3A_60 : i32 to index
        %parallel_loop3A_62 = tpu.vector_load %arg5[%parallel_loop3A_61] {strides = array<i32>} : memref<20480xi32, #tpu.memory_space<vmem>>, vector<16xi32>,
        %parallel_loop3A_63 = arith.constant 7 : i32
        %parallel_loop3A_64 = vector.broadcast %parallel_loop3A_63 : i32 to vector<16xi32>
        %parallel_loop3A_65 = arith.shrui %parallel_loop3A_62, %parallel_loop3A_64 : vector<16xi32>
        %parallel_loop3A_66 = arith.constant 127 : i32
        %parallel_loop3A_67 = vector.broadcast %parallel_loop3A_66 : i32 to vector<16xi32>
        %parallel_loop3A_68 = arith.andi %parallel_loop3A_62, %parallel_loop3A_67 : vector<16xi32>
        %parallel_loop3A_69 = arith.constant 1024 : i32
        %parallel_loop3A_70 = vector.broadcast %parallel_loop3A_69 : i32 to vector<16xi32>
        %parallel_loop3A_71 = arith.muli %parallel_loop3A_65, %parallel_loop3A_70 : vector<16xi32>
        %parallel_loop3A_72 = arith.addi %parallel_loop3A_71, %parallel_loop3A_68 : vector<16xi32>
        %parallel_loop3A_73 = arith.constant 8 : i32
        %parallel_loop3A_74 = arith.divsi %parallel_loop3A_55, %parallel_loop3A_73 : i32
        %parallel_loop3A_75 = arith.constant 0 : i32
        %parallel_loop3A_76 = arith.cmpi sgt, %parallel_loop3A_55, %parallel_loop3A_75 : i32
        %parallel_loop3A_77 = arith.extui %parallel_loop3A_76 : i1 to i32
        %parallel_loop3A_78 = arith.constant 0 : i32
        %parallel_loop3A_79 = arith.cmpi slt, %parallel_loop3A_55, %parallel_loop3A_78 : i32
        %parallel_loop3A_80 = arith.extui %parallel_loop3A_79 : i1 to i32
        %parallel_loop3A_81 = arith.subi %parallel_loop3A_77, %parallel_loop3A_80 : i32
        %parallel_loop3A_82 = arith.constant 0 : i32
        %parallel_loop3A_83 = arith.cmpi sgt, %parallel_loop3A_73, %parallel_loop3A_82 : i32
        %parallel_loop3A_84 = arith.extui %parallel_loop3A_83 : i1 to i32
        %parallel_loop3A_85 = arith.constant 0 : i32
        %parallel_loop3A_86 = arith.cmpi slt, %parallel_loop3A_73, %parallel_loop3A_85 : i32
        %parallel_loop3A_87 = arith.extui %parallel_loop3A_86 : i1 to i32
        %parallel_loop3A_88 = arith.subi %parallel_loop3A_84, %parallel_loop3A_87 : i32
        %parallel_loop3A_89 = arith.cmpi ne, %parallel_loop3A_81, %parallel_loop3A_88 : i32
        %parallel_loop3A_90 = arith.remsi %parallel_loop3A_55, %parallel_loop3A_73 : i32
        %parallel_loop3A_91 = arith.constant 0 : i32
        %parallel_loop3A_92 = arith.cmpi ne, %parallel_loop3A_90, %parallel_loop3A_91 : i32
        %parallel_loop3A_93 = arith.andi %parallel_loop3A_89, %parallel_loop3A_92 : i1
        %parallel_loop3A_94 = arith.constant 1 : i32
        %parallel_loop3A_95 = arith.subi %parallel_loop3A_74, %parallel_loop3A_94 : i32
        %parallel_loop3A_96 = arith.select %parallel_loop3A_93, %parallel_loop3A_95, %parallel_loop3A_74 : i32
        %parallel_loop3A_97 = arith.constant 8 : i32
        %parallel_loop3A_98 = arith.constant 0 : i32
        %parallel_loop3A_99 = arith.cmpi eq, %parallel_loop3A_97, %parallel_loop3A_98 : i32
        %parallel_loop3A_100 = arith.constant 1 : i32
        %parallel_loop3A_101 = arith.select %parallel_loop3A_99, %parallel_loop3A_100, %parallel_loop3A_97 : i32
        %parallel_loop3A_102 = arith.remsi %parallel_loop3A_55, %parallel_loop3A_101 : i32
        %parallel_loop3A_103 = arith.constant 0 : i32
        %parallel_loop3A_104 = arith.cmpi ne, %parallel_loop3A_102, %parallel_loop3A_103 : i32
        %parallel_loop3A_105 = arith.constant 0 : i32
        %parallel_loop3A_106 = arith.cmpi slt, %parallel_loop3A_102, %parallel_loop3A_105 : i32
        %parallel_loop3A_107 = arith.constant 0 : i32
        %parallel_loop3A_108 = arith.cmpi slt, %parallel_loop3A_101, %parallel_loop3A_107 : i32
        %parallel_loop3A_109 = arith.xori %parallel_loop3A_106, %parallel_loop3A_108 : i1
        %parallel_loop3A_110 = arith.andi %parallel_loop3A_109, %parallel_loop3A_104 : i1
        %parallel_loop3A_111 = arith.addi %parallel_loop3A_102, %parallel_loop3A_101 : i32
        %parallel_loop3A_112 = arith.select %parallel_loop3A_110, %parallel_loop3A_111, %parallel_loop3A_102 : i32
        %parallel_loop3A_113 = arith.constant 16 : i32
        %parallel_loop3A_114 = arith.muli %parallel_loop3A_112, %parallel_loop3A_113 : i32
        %parallel_loop3A_115 = arith.constant 0 : i32
        %parallel_loop3A_116 = vector.broadcast %parallel_loop3A_115 : i32 to vector<16xi32>
        %parallel_loop3A_117 = arith.addi %parallel_loop3A_72, %parallel_loop3A_116 : vector<16xi32>
        %parallel_loop3A_118 = tpu.vector_load_idx %arg6[%parallel_loop3A_117] : memref<32768xf32, #tpu.memory_space<vmem>>[vector<16xi32>], vector<16xf32>,
        %parallel_loop3A_119 = arith.constant 0 : i32
        %parallel_loop3A_120 = arith.constant 0 : i32
        %parallel_loop3A_121 = arith.index_cast %parallel_loop3A_119 : i32 to index
        %parallel_loop3A_122 = arith.index_cast %parallel_loop3A_96 : i32 to index
        %parallel_loop3A_123 = arith.index_cast %parallel_loop3A_120 : i32 to index
        %parallel_loop3A_124 = arith.index_cast %parallel_loop3A_114 : i32 to index
        %parallel_loop3A_125 = tpu.vector_load %arg8[%parallel_loop3A_121, %parallel_loop3A_122, %parallel_loop3A_123, %parallel_loop3A_124] {strides = array<i32>} : memref<4x8x8x128xf32, #tpu.memory_space<vmem>>, vector<16xf32>,
        tpu.vector_store %arg8[%parallel_loop3A_121, %parallel_loop3A_122, %parallel_loop3A_123, %parallel_loop3A_124], %parallel_loop3A_118 {strides = array<i32>} : memref<4x8x8x128xf32, #tpu.memory_space<vmem>>, vector<16xf32>,
        %parallel_loop3A_126 = arith.constant 128 : i32
        %parallel_loop3A_127 = vector.broadcast %parallel_loop3A_126 : i32 to vector<16xi32>
        %parallel_loop3A_128 = arith.addi %parallel_loop3A_72, %parallel_loop3A_127 : vector<16xi32>
        %parallel_loop3A_129 = tpu.vector_load_idx %arg6[%parallel_loop3A_128] : memref<32768xf32, #tpu.memory_space<vmem>>[vector<16xi32>], vector<16xf32>,
        %parallel_loop3A_130 = arith.constant 0 : i32
        %parallel_loop3A_131 = arith.constant 1 : i32
        %parallel_loop3A_132 = arith.index_cast %parallel_loop3A_130 : i32 to index
        %parallel_loop3A_133 = arith.index_cast %parallel_loop3A_96 : i32 to index
        %parallel_loop3A_134 = arith.index_cast %parallel_loop3A_131 : i32 to index
        %parallel_loop3A_135 = arith.index_cast %parallel_loop3A_114 : i32 to index
        %parallel_loop3A_136 = tpu.vector_load %arg8[%parallel_loop3A_132, %parallel_loop3A_133, %parallel_loop3A_134, %parallel_loop3A_135] {strides = array<i32>} : memref<4x8x8x128xf32, #tpu.memory_space<vmem>>, vector<16xf32>,
        tpu.vector_store %arg8[%parallel_loop3A_132, %parallel_loop3A_133, %parallel_loop3A_134, %parallel_loop3A_135], %parallel_loop3A_129 {strides = array<i32>} : memref<4x8x8x128xf32, #tpu.memory_space<vmem>>, vector<16xf32>,
        %parallel_loop3A_137 = arith.constant 256 : i32
        %parallel_loop3A_138 = vector.broadcast %parallel_loop3A_137 : i32 to vector<16xi32>
        %parallel_loop3A_139 = arith.addi %parallel_loop3A_72, %parallel_loop3A_138 : vector<16xi32>
        %parallel_loop3A_140 = tpu.vector_load_idx %arg6[%parallel_loop3A_139] : memref<32768xf32, #tpu.memory_space<vmem>>[vector<16xi32>], vector<16xf32>,
        %parallel_loop3A_141 = arith.constant 0 : i32
        %parallel_loop3A_142 = arith.constant 2 : i32
        %parallel_loop3A_143 = arith.index_cast %parallel_loop3A_141 : i32 to index
        %parallel_loop3A_144 = arith.index_cast %parallel_loop3A_96 : i32 to index
        %parallel_loop3A_145 = arith.index_cast %parallel_loop3A_142 : i32 to index
        %parallel_loop3A_146 = arith.index_cast %parallel_loop3A_114 : i32 to index
        %parallel_loop3A_147 = tpu.vector_load %arg8[%parallel_loop3A_143, %parallel_loop3A_144, %parallel_loop3A_145, %parallel_loop3A_146] {strides = array<i32>} : memref<4x8x8x128xf32, #tpu.memory_space<vmem>>, vector<16xf32>,
        tpu.vector_store %arg8[%parallel_loop3A_143, %parallel_loop3A_144, %parallel_loop3A_145, %parallel_loop3A_146], %parallel_loop3A_140 {strides = array<i32>} : memref<4x8x8x128xf32, #tpu.memory_space<vmem>>, vector<16xf32>,
        %parallel_loop3A_148 = arith.constant 384 : i32
        %parallel_loop3A_149 = vector.broadcast %parallel_loop3A_148 : i32 to vector<16xi32>
        %parallel_loop3A_150 = arith.addi %parallel_loop3A_72, %parallel_loop3A_149 : vector<16xi32>
        %parallel_loop3A_151 = tpu.vector_load_idx %arg6[%parallel_loop3A_150] : memref<32768xf32, #tpu.memory_space<vmem>>[vector<16xi32>], vector<16xf32>,
        %parallel_loop3A_152 = arith.constant 0 : i32
        %parallel_loop3A_153 = arith.constant 3 : i32
        %parallel_loop3A_154 = arith.index_cast %parallel_loop3A_152 : i32 to index
        %parallel_loop3A_155 = arith.index_cast %parallel_loop3A_96 : i32 to index
        %parallel_loop3A_156 = arith.index_cast %parallel_loop3A_153 : i32 to index
        %parallel_loop3A_157 = arith.index_cast %parallel_loop3A_114 : i32 to index
        %parallel_loop3A_158 = tpu.vector_load %arg8[%parallel_loop3A_154, %parallel_loop3A_155, %parallel_loop3A_156, %parallel_loop3A_157] {strides = array<i32>} : memref<4x8x8x128xf32, #tpu.memory_space<vmem>>, vector<16xf32>,
        tpu.vector_store %arg8[%parallel_loop3A_154, %parallel_loop3A_155, %parallel_loop3A_156, %parallel_loop3A_157], %parallel_loop3A_151 {strides = array<i32>} : memref<4x8x8x128xf32, #tpu.memory_space<vmem>>, vector<16xf32>,
        %parallel_loop3A_159 = arith.constant 512 : i32
        %parallel_loop3A_160 = vector.broadcast %parallel_loop3A_159 : i32 to vector<16xi32>
        %parallel_loop3A_161 = arith.addi %parallel_loop3A_72, %parallel_loop3A_160 : vector<16xi32>
        %parallel_loop3A_162 = tpu.vector_load_idx %arg6[%parallel_loop3A_161] : memref<32768xf32, #tpu.memory_space<vmem>>[vector<16xi32>], vector<16xf32>,
        %parallel_loop3A_163 = arith.constant 0 : i32
        %parallel_loop3A_164 = arith.constant 4 : i32
        %parallel_loop3A_165 = arith.index_cast %parallel_loop3A_163 : i32 to index
        %parallel_loop3A_166 = arith.index_cast %parallel_loop3A_96 : i32 to index
        %parallel_loop3A_167 = arith.index_cast %parallel_loop3A_164 : i32 to index
        %parallel_loop3A_168 = arith.index_cast %parallel_loop3A_114 : i32 to index
        %parallel_loop3A_169 = tpu.vector_load %arg8[%parallel_loop3A_165, %parallel_loop3A_166, %parallel_loop3A_167, %parallel_loop3A_168] {strides = array<i32>} : memref<4x8x8x128xf32, #tpu.memory_space<vmem>>, vector<16xf32>,
        tpu.vector_store %arg8[%parallel_loop3A_165, %parallel_loop3A_166, %parallel_loop3A_167, %parallel_loop3A_168], %parallel_loop3A_162 {strides = array<i32>} : memref<4x8x8x128xf32, #tpu.memory_space<vmem>>, vector<16xf32>,
        %parallel_loop3A_170 = arith.constant 640 : i32
        %parallel_loop3A_171 = vector.broadcast %parallel_loop3A_170 : i32 to vector<16xi32>
        %parallel_loop3A_172 = arith.addi %parallel_loop3A_72, %parallel_loop3A_171 : vector<16xi32>
        %parallel_loop3A_173 = tpu.vector_load_idx %arg6[%parallel_loop3A_172] : memref<32768xf32, #tpu.memory_space<vmem>>[vector<16xi32>], vector<16xf32>,
        %parallel_loop3A_174 = arith.constant 0 : i32
        %parallel_loop3A_175 = arith.constant 5 : i32
        %parallel_loop3A_176 = arith.index_cast %parallel_loop3A_174 : i32 to index
        %parallel_loop3A_177 = arith.index_cast %parallel_loop3A_96 : i32 to index
        %parallel_loop3A_178 = arith.index_cast %parallel_loop3A_175 : i32 to index
        %parallel_loop3A_179 = arith.index_cast %parallel_loop3A_114 : i32 to index
        %parallel_loop3A_180 = tpu.vector_load %arg8[%parallel_loop3A_176, %parallel_loop3A_177, %parallel_loop3A_178, %parallel_loop3A_179] {strides = array<i32>} : memref<4x8x8x128xf32, #tpu.memory_space<vmem>>, vector<16xf32>,
        tpu.vector_store %arg8[%parallel_loop3A_176, %parallel_loop3A_177, %parallel_loop3A_178, %parallel_loop3A_179], %parallel_loop3A_173 {strides = array<i32>} : memref<4x8x8x128xf32, #tpu.memory_space<vmem>>, vector<16xf32>,
        %parallel_loop3A_181 = arith.constant 768 : i32
        %parallel_loop3A_182 = vector.broadcast %parallel_loop3A_181 : i32 to vector<16xi32>
        %parallel_loop3A_183 = arith.addi %parallel_loop3A_72, %parallel_loop3A_182 : vector<16xi32>
        %parallel_loop3A_184 = tpu.vector_load_idx %arg6[%parallel_loop3A_183] : memref<32768xf32, #tpu.memory_space<vmem>>[vector<16xi32>], vector<16xf32>,
        %parallel_loop3A_185 = arith.constant 0 : i32
        %parallel_loop3A_186 = arith.constant 6 : i32
        %parallel_loop3A_187 = arith.index_cast %parallel_loop3A_185 : i32 to index
        %parallel_loop3A_188 = arith.index_cast %parallel_loop3A_96 : i32 to index
        %parallel_loop3A_189 = arith.index_cast %parallel_loop3A_186 : i32 to index
        %parallel_loop3A_190 = arith.index_cast %parallel_loop3A_114 : i32 to index
        %parallel_loop3A_191 = tpu.vector_load %arg8[%parallel_loop3A_187, %parallel_loop3A_188, %parallel_loop3A_189, %parallel_loop3A_190] {strides = array<i32>} : memref<4x8x8x128xf32, #tpu.memory_space<vmem>>, vector<16xf32>,
        tpu.vector_store %arg8[%parallel_loop3A_187, %parallel_loop3A_188, %parallel_loop3A_189, %parallel_loop3A_190], %parallel_loop3A_184 {strides = array<i32>} : memref<4x8x8x128xf32, #tpu.memory_space<vmem>>, vector<16xf32>,
        %parallel_loop3A_192 = arith.constant 896 : i32
        %parallel_loop3A_193 = vector.broadcast %parallel_loop3A_192 : i32 to vector<16xi32>
        %parallel_loop3A_194 = arith.addi %parallel_loop3A_72, %parallel_loop3A_193 : vector<16xi32>
        %parallel_loop3A_195 = tpu.vector_load_idx %arg6[%parallel_loop3A_194] : memref<32768xf32, #tpu.memory_space<vmem>>[vector<16xi32>], vector<16xf32>,
        %parallel_loop3A_196 = arith.constant 0 : i32
        %parallel_loop3A_197 = arith.constant 7 : i32
        %parallel_loop3A_198 = arith.index_cast %parallel_loop3A_196 : i32 to index
        %parallel_loop3A_199 = arith.index_cast %parallel_loop3A_96 : i32 to index
        %parallel_loop3A_200 = arith.index_cast %parallel_loop3A_197 : i32 to index
        %parallel_loop3A_201 = arith.index_cast %parallel_loop3A_114 : i32 to index
        %parallel_loop3A_202 = tpu.vector_load %arg8[%parallel_loop3A_198, %parallel_loop3A_199, %parallel_loop3A_200, %parallel_loop3A_201] {strides = array<i32>} : memref<4x8x8x128xf32, #tpu.memory_space<vmem>>, vector<16xf32>,
        tpu.vector_store %arg8[%parallel_loop3A_198, %parallel_loop3A_199, %parallel_loop3A_200, %parallel_loop3A_201], %parallel_loop3A_195 {strides = array<i32>} : memref<4x8x8x128xf32, #tpu.memory_space<vmem>>, vector<16xf32>,
        %parallel_loop3A_203 = arith.constant 8192 : i32
        %parallel_loop3A_204 = vector.broadcast %parallel_loop3A_203 : i32 to vector<16xi32>
        %parallel_loop3A_205 = arith.addi %parallel_loop3A_72, %parallel_loop3A_204 : vector<16xi32>
        %parallel_loop3A_206 = tpu.vector_load_idx %arg6[%parallel_loop3A_205] : memref<32768xf32, #tpu.memory_space<vmem>>[vector<16xi32>], vector<16xf32>,
        %parallel_loop3A_207 = arith.constant 1 : i32
        %parallel_loop3A_208 = arith.constant 0 : i32
        %parallel_loop3A_209 = arith.index_cast %parallel_loop3A_207 : i32 to index
        %parallel_loop3A_210 = arith.index_cast %parallel_loop3A_96 : i32 to index
        %parallel_loop3A_211 = arith.index_cast %parallel_loop3A_208 : i32 to index
        %parallel_loop3A_212 = arith.index_cast %parallel_loop3A_114 : i32 to index
        %parallel_loop3A_213 = tpu.vector_load %arg8[%parallel_loop3A_209, %parallel_loop3A_210, %parallel_loop3A_211, %parallel_loop3A_212] {strides = array<i32>} : memref<4x8x8x128xf32, #tpu.memory_space<vmem>>, vector<16xf32>,
        tpu.vector_store %arg8[%parallel_loop3A_209, %parallel_loop3A_210, %parallel_loop3A_211, %parallel_loop3A_212], %parallel_loop3A_206 {strides = array<i32>} : memref<4x8x8x128xf32, #tpu.memory_space<vmem>>, vector<16xf32>,
        %parallel_loop3A_214 = arith.constant 8320 : i32
        %parallel_loop3A_215 = vector.broadcast %parallel_loop3A_214 : i32 to vector<16xi32>
        %parallel_loop3A_216 = arith.addi %parallel_loop3A_72, %parallel_loop3A_215 : vector<16xi32>
        %parallel_loop3A_217 = tpu.vector_load_idx %arg6[%parallel_loop3A_216] : memref<32768xf32, #tpu.memory_space<vmem>>[vector<16xi32>], vector<16xf32>,
        %parallel_loop3A_218 = arith.constant 1 : i32
        %parallel_loop3A_219 = arith.constant 1 : i32
        %parallel_loop3A_220 = arith.index_cast %parallel_loop3A_218 : i32 to index
        %parallel_loop3A_221 = arith.index_cast %parallel_loop3A_96 : i32 to index
        %parallel_loop3A_222 = arith.index_cast %parallel_loop3A_219 : i32 to index
        %parallel_loop3A_223 = arith.index_cast %parallel_loop3A_114 : i32 to index
        %parallel_loop3A_224 = tpu.vector_load %arg8[%parallel_loop3A_220, %parallel_loop3A_221, %parallel_loop3A_222, %parallel_loop3A_223] {strides = array<i32>} : memref<4x8x8x128xf32, #tpu.memory_space<vmem>>, vector<16xf32>,
        tpu.vector_store %arg8[%parallel_loop3A_220, %parallel_loop3A_221, %parallel_loop3A_222, %parallel_loop3A_223], %parallel_loop3A_217 {strides = array<i32>} : memref<4x8x8x128xf32, #tpu.memory_space<vmem>>, vector<16xf32>,
        %parallel_loop3A_225 = arith.constant 8448 : i32
        %parallel_loop3A_226 = vector.broadcast %parallel_loop3A_225 : i32 to vector<16xi32>
        %parallel_loop3A_227 = arith.addi %parallel_loop3A_72, %parallel_loop3A_226 : vector<16xi32>
        %parallel_loop3A_228 = tpu.vector_load_idx %arg6[%parallel_loop3A_227] : memref<32768xf32, #tpu.memory_space<vmem>>[vector<16xi32>], vector<16xf32>,
        %parallel_loop3A_229 = arith.constant 1 : i32
        %parallel_loop3A_230 = arith.constant 2 : i32
        %parallel_loop3A_231 = arith.index_cast %parallel_loop3A_229 : i32 to index
        %parallel_loop3A_232 = arith.index_cast %parallel_loop3A_96 : i32 to index
        %parallel_loop3A_233 = arith.index_cast %parallel_loop3A_230 : i32 to index
        %parallel_loop3A_234 = arith.index_cast %parallel_loop3A_114 : i32 to index
        %parallel_loop3A_235 = tpu.vector_load %arg8[%parallel_loop3A_231, %parallel_loop3A_232, %parallel_loop3A_233, %parallel_loop3A_234] {strides = array<i32>} : memref<4x8x8x128xf32, #tpu.memory_space<vmem>>, vector<16xf32>,
        tpu.vector_store %arg8[%parallel_loop3A_231, %parallel_loop3A_232, %parallel_loop3A_233, %parallel_loop3A_234], %parallel_loop3A_228 {strides = array<i32>} : memref<4x8x8x128xf32, #tpu.memory_space<vmem>>, vector<16xf32>,
        %parallel_loop3A_236 = arith.constant 8576 : i32
        %parallel_loop3A_237 = vector.broadcast %parallel_loop3A_236 : i32 to vector<16xi32>
        %parallel_loop3A_238 = arith.addi %parallel_loop3A_72, %parallel_loop3A_237 : vector<16xi32>
        %parallel_loop3A_239 = tpu.vector_load_idx %arg6[%parallel_loop3A_238] : memref<32768xf32, #tpu.memory_space<vmem>>[vector<16xi32>], vector<16xf32>,
        %parallel_loop3A_240 = arith.constant 1 : i32
        %parallel_loop3A_241 = arith.constant 3 : i32
        %parallel_loop3A_242 = arith.index_cast %parallel_loop3A_240 : i32 to index
        %parallel_loop3A_243 = arith.index_cast %parallel_loop3A_96 : i32 to index
        %parallel_loop3A_244 = arith.index_cast %parallel_loop3A_241 : i32 to index
        %parallel_loop3A_245 = arith.index_cast %parallel_loop3A_114 : i32 to index
        %parallel_loop3A_246 = tpu.vector_load %arg8[%parallel_loop3A_242, %parallel_loop3A_243, %parallel_loop3A_244, %parallel_loop3A_245] {strides = array<i32>} : memref<4x8x8x128xf32, #tpu.memory_space<vmem>>, vector<16xf32>,
        tpu.vector_store %arg8[%parallel_loop3A_242, %parallel_loop3A_243, %parallel_loop3A_244, %parallel_loop3A_245], %parallel_loop3A_239 {strides = array<i32>} : memref<4x8x8x128xf32, #tpu.memory_space<vmem>>, vector<16xf32>,
        %parallel_loop3A_247 = arith.constant 8704 : i32
        %parallel_loop3A_248 = vector.broadcast %parallel_loop3A_247 : i32 to vector<16xi32>
        %parallel_loop3A_249 = arith.addi %parallel_loop3A_72, %parallel_loop3A_248 : vector<16xi32>
        %parallel_loop3A_250 = tpu.vector_load_idx %arg6[%parallel_loop3A_249] : memref<32768xf32, #tpu.memory_space<vmem>>[vector<16xi32>], vector<16xf32>,
        %parallel_loop3A_251 = arith.constant 1 : i32
        %parallel_loop3A_252 = arith.constant 4 : i32
        %parallel_loop3A_253 = arith.index_cast %parallel_loop3A_251 : i32 to index
        %parallel_loop3A_254 = arith.index_cast %parallel_loop3A_96 : i32 to index
        %parallel_loop3A_255 = arith.index_cast %parallel_loop3A_252 : i32 to index
        %parallel_loop3A_256 = arith.index_cast %parallel_loop3A_114 : i32 to index
        %parallel_loop3A_257 = tpu.vector_load %arg8[%parallel_loop3A_253, %parallel_loop3A_254, %parallel_loop3A_255, %parallel_loop3A_256] {strides = array<i32>} : memref<4x8x8x128xf32, #tpu.memory_space<vmem>>, vector<16xf32>,
        tpu.vector_store %arg8[%parallel_loop3A_253, %parallel_loop3A_254, %parallel_loop3A_255, %parallel_loop3A_256], %parallel_loop3A_250 {strides = array<i32>} : memref<4x8x8x128xf32, #tpu.memory_space<vmem>>, vector<16xf32>,
        %parallel_loop3A_258 = arith.constant 8832 : i32
        %parallel_loop3A_259 = vector.broadcast %parallel_loop3A_258 : i32 to vector<16xi32>
        %parallel_loop3A_260 = arith.addi %parallel_loop3A_72, %parallel_loop3A_259 : vector<16xi32>
        %parallel_loop3A_261 = tpu.vector_load_idx %arg6[%parallel_loop3A_260] : memref<32768xf32, #tpu.memory_space<vmem>>[vector<16xi32>], vector<16xf32>,
        %parallel_loop3A_262 = arith.constant 1 : i32
        %parallel_loop3A_263 = arith.constant 5 : i32
        %parallel_loop3A_264 = arith.index_cast %parallel_loop3A_262 : i32 to index
        %parallel_loop3A_265 = arith.index_cast %parallel_loop3A_96 : i32 to index
        %parallel_loop3A_266 = arith.index_cast %parallel_loop3A_263 : i32 to index
        %parallel_loop3A_267 = arith.index_cast %parallel_loop3A_114 : i32 to index
        %parallel_loop3A_268 = tpu.vector_load %arg8[%parallel_loop3A_264, %parallel_loop3A_265, %parallel_loop3A_266, %parallel_loop3A_267] {strides = array<i32>} : memref<4x8x8x128xf32, #tpu.memory_space<vmem>>, vector<16xf32>,
        tpu.vector_store %arg8[%parallel_loop3A_264, %parallel_loop3A_265, %parallel_loop3A_266, %parallel_loop3A_267], %parallel_loop3A_261 {strides = array<i32>} : memref<4x8x8x128xf32, #tpu.memory_space<vmem>>, vector<16xf32>,
        %parallel_loop3A_269 = arith.constant 8960 : i32
        %parallel_loop3A_270 = vector.broadcast %parallel_loop3A_269 : i32 to vector<16xi32>
        %parallel_loop3A_271 = arith.addi %parallel_loop3A_72, %parallel_loop3A_270 : vector<16xi32>
        %parallel_loop3A_272 = tpu.vector_load_idx %arg6[%parallel_loop3A_271] : memref<32768xf32, #tpu.memory_space<vmem>>[vector<16xi32>], vector<16xf32>,
        %parallel_loop3A_273 = arith.constant 1 : i32
        %parallel_loop3A_274 = arith.constant 6 : i32
        %parallel_loop3A_275 = arith.index_cast %parallel_loop3A_273 : i32 to index
        %parallel_loop3A_276 = arith.index_cast %parallel_loop3A_96 : i32 to index
        %parallel_loop3A_277 = arith.index_cast %parallel_loop3A_274 : i32 to index
        %parallel_loop3A_278 = arith.index_cast %parallel_loop3A_114 : i32 to index
        %parallel_loop3A_279 = tpu.vector_load %arg8[%parallel_loop3A_275, %parallel_loop3A_276, %parallel_loop3A_277, %parallel_loop3A_278] {strides = array<i32>} : memref<4x8x8x128xf32, #tpu.memory_space<vmem>>, vector<16xf32>,
        tpu.vector_store %arg8[%parallel_loop3A_275, %parallel_loop3A_276, %parallel_loop3A_277, %parallel_loop3A_278], %parallel_loop3A_272 {strides = array<i32>} : memref<4x8x8x128xf32, #tpu.memory_space<vmem>>, vector<16xf32>,
        %parallel_loop3A_280 = arith.constant 9088 : i32
        %parallel_loop3A_281 = vector.broadcast %parallel_loop3A_280 : i32 to vector<16xi32>
        %parallel_loop3A_282 = arith.addi %parallel_loop3A_72, %parallel_loop3A_281 : vector<16xi32>
        %parallel_loop3A_283 = tpu.vector_load_idx %arg6[%parallel_loop3A_282] : memref<32768xf32, #tpu.memory_space<vmem>>[vector<16xi32>], vector<16xf32>,
        %parallel_loop3A_284 = arith.constant 1 : i32
        %parallel_loop3A_285 = arith.constant 7 : i32
        %parallel_loop3A_286 = arith.index_cast %parallel_loop3A_284 : i32 to index
        %parallel_loop3A_287 = arith.index_cast %parallel_loop3A_96 : i32 to index
        %parallel_loop3A_288 = arith.index_cast %parallel_loop3A_285 : i32 to index
        %parallel_loop3A_289 = arith.index_cast %parallel_loop3A_114 : i32 to index
        %parallel_loop3A_290 = tpu.vector_load %arg8[%parallel_loop3A_286, %parallel_loop3A_287, %parallel_loop3A_288, %parallel_loop3A_289] {strides = array<i32>} : memref<4x8x8x128xf32, #tpu.memory_space<vmem>>, vector<16xf32>,
        tpu.vector_store %arg8[%parallel_loop3A_286, %parallel_loop3A_287, %parallel_loop3A_288, %parallel_loop3A_289], %parallel_loop3A_283 {strides = array<i32>} : memref<4x8x8x128xf32, #tpu.memory_space<vmem>>, vector<16xf32>,
        %parallel_loop3A_291 = arith.constant 16384 : i32
        %parallel_loop3A_292 = vector.broadcast %parallel_loop3A_291 : i32 to vector<16xi32>
        %parallel_loop3A_293 = arith.addi %parallel_loop3A_72, %parallel_loop3A_292 : vector<16xi32>
        %parallel_loop3A_294 = tpu.vector_load_idx %arg6[%parallel_loop3A_293] : memref<32768xf32, #tpu.memory_space<vmem>>[vector<16xi32>], vector<16xf32>,
        %parallel_loop3A_295 = arith.constant 2 : i32
        %parallel_loop3A_296 = arith.constant 0 : i32
        %parallel_loop3A_297 = arith.index_cast %parallel_loop3A_295 : i32 to index
        %parallel_loop3A_298 = arith.index_cast %parallel_loop3A_96 : i32 to index
        %parallel_loop3A_299 = arith.index_cast %parallel_loop3A_296 : i32 to index
        %parallel_loop3A_300 = arith.index_cast %parallel_loop3A_114 : i32 to index
        %parallel_loop3A_301 = tpu.vector_load %arg8[%parallel_loop3A_297, %parallel_loop3A_298, %parallel_loop3A_299, %parallel_loop3A_300] {strides = array<i32>} : memref<4x8x8x128xf32, #tpu.memory_space<vmem>>, vector<16xf32>,
        tpu.vector_store %arg8[%parallel_loop3A_297, %parallel_loop3A_298, %parallel_loop3A_299, %parallel_loop3A_300], %parallel_loop3A_294 {strides = array<i32>} : memref<4x8x8x128xf32, #tpu.memory_space<vmem>>, vector<16xf32>,
        %parallel_loop3A_302 = arith.constant 16512 : i32
        %parallel_loop3A_303 = vector.broadcast %parallel_loop3A_302 : i32 to vector<16xi32>
        %parallel_loop3A_304 = arith.addi %parallel_loop3A_72, %parallel_loop3A_303 : vector<16xi32>
        %parallel_loop3A_305 = tpu.vector_load_idx %arg6[%parallel_loop3A_304] : memref<32768xf32, #tpu.memory_space<vmem>>[vector<16xi32>], vector<16xf32>,
        %parallel_loop3A_306 = arith.constant 2 : i32
        %parallel_loop3A_307 = arith.constant 1 : i32
        %parallel_loop3A_308 = arith.index_cast %parallel_loop3A_306 : i32 to index
        %parallel_loop3A_309 = arith.index_cast %parallel_loop3A_96 : i32 to index
        %parallel_loop3A_310 = arith.index_cast %parallel_loop3A_307 : i32 to index
        %parallel_loop3A_311 = arith.index_cast %parallel_loop3A_114 : i32 to index
        %parallel_loop3A_312 = tpu.vector_load %arg8[%parallel_loop3A_308, %parallel_loop3A_309, %parallel_loop3A_310, %parallel_loop3A_311] {strides = array<i32>} : memref<4x8x8x128xf32, #tpu.memory_space<vmem>>, vector<16xf32>,
        tpu.vector_store %arg8[%parallel_loop3A_308, %parallel_loop3A_309, %parallel_loop3A_310, %parallel_loop3A_311], %parallel_loop3A_305 {strides = array<i32>} : memref<4x8x8x128xf32, #tpu.memory_space<vmem>>, vector<16xf32>,
        %parallel_loop3A_313 = arith.constant 16640 : i32
        %parallel_loop3A_314 = vector.broadcast %parallel_loop3A_313 : i32 to vector<16xi32>
        %parallel_loop3A_315 = arith.addi %parallel_loop3A_72, %parallel_loop3A_314 : vector<16xi32>
        %parallel_loop3A_316 = tpu.vector_load_idx %arg6[%parallel_loop3A_315] : memref<32768xf32, #tpu.memory_space<vmem>>[vector<16xi32>], vector<16xf32>,
        %parallel_loop3A_317 = arith.constant 2 : i32
        %parallel_loop3A_318 = arith.constant 2 : i32
        %parallel_loop3A_319 = arith.index_cast %parallel_loop3A_317 : i32 to index
        %parallel_loop3A_320 = arith.index_cast %parallel_loop3A_96 : i32 to index
        %parallel_loop3A_321 = arith.index_cast %parallel_loop3A_318 : i32 to index
        %parallel_loop3A_322 = arith.index_cast %parallel_loop3A_114 : i32 to index
        %parallel_loop3A_323 = tpu.vector_load %arg8[%parallel_loop3A_319, %parallel_loop3A_320, %parallel_loop3A_321, %parallel_loop3A_322] {strides = array<i32>} : memref<4x8x8x128xf32, #tpu.memory_space<vmem>>, vector<16xf32>,
        tpu.vector_store %arg8[%parallel_loop3A_319, %parallel_loop3A_320, %parallel_loop3A_321, %parallel_loop3A_322], %parallel_loop3A_316 {strides = array<i32>} : memref<4x8x8x128xf32, #tpu.memory_space<vmem>>, vector<16xf32>,
        %parallel_loop3A_324 = arith.constant 16768 : i32
        %parallel_loop3A_325 = vector.broadcast %parallel_loop3A_324 : i32 to vector<16xi32>
        %parallel_loop3A_326 = arith.addi %parallel_loop3A_72, %parallel_loop3A_325 : vector<16xi32>
        %parallel_loop3A_327 = tpu.vector_load_idx %arg6[%parallel_loop3A_326] : memref<32768xf32, #tpu.memory_space<vmem>>[vector<16xi32>], vector<16xf32>,
        %parallel_loop3A_328 = arith.constant 2 : i32
        %parallel_loop3A_329 = arith.constant 3 : i32
        %parallel_loop3A_330 = arith.index_cast %parallel_loop3A_328 : i32 to index
        %parallel_loop3A_331 = arith.index_cast %parallel_loop3A_96 : i32 to index
        %parallel_loop3A_332 = arith.index_cast %parallel_loop3A_329 : i32 to index
        %parallel_loop3A_333 = arith.index_cast %parallel_loop3A_114 : i32 to index
        %parallel_loop3A_334 = tpu.vector_load %arg8[%parallel_loop3A_330, %parallel_loop3A_331, %parallel_loop3A_332, %parallel_loop3A_333] {strides = array<i32>} : memref<4x8x8x128xf32, #tpu.memory_space<vmem>>, vector<16xf32>,
        tpu.vector_store %arg8[%parallel_loop3A_330, %parallel_loop3A_331, %parallel_loop3A_332, %parallel_loop3A_333], %parallel_loop3A_327 {strides = array<i32>} : memref<4x8x8x128xf32, #tpu.memory_space<vmem>>, vector<16xf32>,
        %parallel_loop3A_335 = arith.constant 16896 : i32
        %parallel_loop3A_336 = vector.broadcast %parallel_loop3A_335 : i32 to vector<16xi32>
        %parallel_loop3A_337 = arith.addi %parallel_loop3A_72, %parallel_loop3A_336 : vector<16xi32>
        %parallel_loop3A_338 = tpu.vector_load_idx %arg6[%parallel_loop3A_337] : memref<32768xf32, #tpu.memory_space<vmem>>[vector<16xi32>], vector<16xf32>,
        %parallel_loop3A_339 = arith.constant 2 : i32
        %parallel_loop3A_340 = arith.constant 4 : i32
        %parallel_loop3A_341 = arith.index_cast %parallel_loop3A_339 : i32 to index
        %parallel_loop3A_342 = arith.index_cast %parallel_loop3A_96 : i32 to index
        %parallel_loop3A_343 = arith.index_cast %parallel_loop3A_340 : i32 to index
        %parallel_loop3A_344 = arith.index_cast %parallel_loop3A_114 : i32 to index
        %parallel_loop3A_345 = tpu.vector_load %arg8[%parallel_loop3A_341, %parallel_loop3A_342, %parallel_loop3A_343, %parallel_loop3A_344] {strides = array<i32>} : memref<4x8x8x128xf32, #tpu.memory_space<vmem>>, vector<16xf32>,
        tpu.vector_store %arg8[%parallel_loop3A_341, %parallel_loop3A_342, %parallel_loop3A_343, %parallel_loop3A_344], %parallel_loop3A_338 {strides = array<i32>} : memref<4x8x8x128xf32, #tpu.memory_space<vmem>>, vector<16xf32>,
        %parallel_loop3A_346 = arith.constant 17024 : i32
        %parallel_loop3A_347 = vector.broadcast %parallel_loop3A_346 : i32 to vector<16xi32>
        %parallel_loop3A_348 = arith.addi %parallel_loop3A_72, %parallel_loop3A_347 : vector<16xi32>
        %parallel_loop3A_349 = tpu.vector_load_idx %arg6[%parallel_loop3A_348] : memref<32768xf32, #tpu.memory_space<vmem>>[vector<16xi32>], vector<16xf32>,
        %parallel_loop3A_350 = arith.constant 2 : i32
        %parallel_loop3A_351 = arith.constant 5 : i32
        %parallel_loop3A_352 = arith.index_cast %parallel_loop3A_350 : i32 to index
        %parallel_loop3A_353 = arith.index_cast %parallel_loop3A_96 : i32 to index
        %parallel_loop3A_354 = arith.index_cast %parallel_loop3A_351 : i32 to index
        %parallel_loop3A_355 = arith.index_cast %parallel_loop3A_114 : i32 to index
        %parallel_loop3A_356 = tpu.vector_load %arg8[%parallel_loop3A_352, %parallel_loop3A_353, %parallel_loop3A_354, %parallel_loop3A_355] {strides = array<i32>} : memref<4x8x8x128xf32, #tpu.memory_space<vmem>>, vector<16xf32>,
        tpu.vector_store %arg8[%parallel_loop3A_352, %parallel_loop3A_353, %parallel_loop3A_354, %parallel_loop3A_355], %parallel_loop3A_349 {strides = array<i32>} : memref<4x8x8x128xf32, #tpu.memory_space<vmem>>, vector<16xf32>,
        %parallel_loop3A_357 = arith.constant 17152 : i32
        %parallel_loop3A_358 = vector.broadcast %parallel_loop3A_357 : i32 to vector<16xi32>
        %parallel_loop3A_359 = arith.addi %parallel_loop3A_72, %parallel_loop3A_358 : vector<16xi32>
        %parallel_loop3A_360 = tpu.vector_load_idx %arg6[%parallel_loop3A_359] : memref<32768xf32, #tpu.memory_space<vmem>>[vector<16xi32>], vector<16xf32>,
        %parallel_loop3A_361 = arith.constant 2 : i32
        %parallel_loop3A_362 = arith.constant 6 : i32
        %parallel_loop3A_363 = arith.index_cast %parallel_loop3A_361 : i32 to index
        %parallel_loop3A_364 = arith.index_cast %parallel_loop3A_96 : i32 to index
        %parallel_loop3A_365 = arith.index_cast %parallel_loop3A_362 : i32 to index
        %parallel_loop3A_366 = arith.index_cast %parallel_loop3A_114 : i32 to index
        %parallel_loop3A_367 = tpu.vector_load %arg8[%parallel_loop3A_363, %parallel_loop3A_364, %parallel_loop3A_365, %parallel_loop3A_366] {strides = array<i32>} : memref<4x8x8x128xf32, #tpu.memory_space<vmem>>, vector<16xf32>,
        tpu.vector_store %arg8[%parallel_loop3A_363, %parallel_loop3A_364, %parallel_loop3A_365, %parallel_loop3A_366], %parallel_loop3A_360 {strides = array<i32>} : memref<4x8x8x128xf32, #tpu.memory_space<vmem>>, vector<16xf32>,
        %parallel_loop3A_368 = arith.constant 17280 : i32
        %parallel_loop3A_369 = vector.broadcast %parallel_loop3A_368 : i32 to vector<16xi32>
        %parallel_loop3A_370 = arith.addi %parallel_loop3A_72, %parallel_loop3A_369 : vector<16xi32>
        %parallel_loop3A_371 = tpu.vector_load_idx %arg6[%parallel_loop3A_370] : memref<32768xf32, #tpu.memory_space<vmem>>[vector<16xi32>], vector<16xf32>,
        %parallel_loop3A_372 = arith.constant 2 : i32
        %parallel_loop3A_373 = arith.constant 7 : i32
        %parallel_loop3A_374 = arith.index_cast %parallel_loop3A_372 : i32 to index
        %parallel_loop3A_375 = arith.index_cast %parallel_loop3A_96 : i32 to index
        %parallel_loop3A_376 = arith.index_cast %parallel_loop3A_373 : i32 to index
        %parallel_loop3A_377 = arith.index_cast %parallel_loop3A_114 : i32 to index
        %parallel_loop3A_378 = tpu.vector_load %arg8[%parallel_loop3A_374, %parallel_loop3A_375, %parallel_loop3A_376, %parallel_loop3A_377] {strides = array<i32>} : memref<4x8x8x128xf32, #tpu.memory_space<vmem>>, vector<16xf32>,
        tpu.vector_store %arg8[%parallel_loop3A_374, %parallel_loop3A_375, %parallel_loop3A_376, %parallel_loop3A_377], %parallel_loop3A_371 {strides = array<i32>} : memref<4x8x8x128xf32, #tpu.memory_space<vmem>>, vector<16xf32>,
        %parallel_loop3A_379 = arith.constant 24576 : i32
        %parallel_loop3A_380 = vector.broadcast %parallel_loop3A_379 : i32 to vector<16xi32>
        %parallel_loop3A_381 = arith.addi %parallel_loop3A_72, %parallel_loop3A_380 : vector<16xi32>
        %parallel_loop3A_382 = tpu.vector_load_idx %arg6[%parallel_loop3A_381] : memref<32768xf32, #tpu.memory_space<vmem>>[vector<16xi32>], vector<16xf32>,
        %parallel_loop3A_383 = arith.constant 3 : i32
        %parallel_loop3A_384 = arith.constant 0 : i32
        %parallel_loop3A_385 = arith.index_cast %parallel_loop3A_383 : i32 to index
        %parallel_loop3A_386 = arith.index_cast %parallel_loop3A_96 : i32 to index
        %parallel_loop3A_387 = arith.index_cast %parallel_loop3A_384 : i32 to index
        %parallel_loop3A_388 = arith.index_cast %parallel_loop3A_114 : i32 to index
        %parallel_loop3A_389 = tpu.vector_load %arg8[%parallel_loop3A_385, %parallel_loop3A_386, %parallel_loop3A_387, %parallel_loop3A_388] {strides = array<i32>} : memref<4x8x8x128xf32, #tpu.memory_space<vmem>>, vector<16xf32>,
        tpu.vector_store %arg8[%parallel_loop3A_385, %parallel_loop3A_386, %parallel_loop3A_387, %parallel_loop3A_388], %parallel_loop3A_382 {strides = array<i32>} : memref<4x8x8x128xf32, #tpu.memory_space<vmem>>, vector<16xf32>,
        %parallel_loop3A_390 = arith.constant 24704 : i32
        %parallel_loop3A_391 = vector.broadcast %parallel_loop3A_390 : i32 to vector<16xi32>
        %parallel_loop3A_392 = arith.addi %parallel_loop3A_72, %parallel_loop3A_391 : vector<16xi32>
        %parallel_loop3A_393 = tpu.vector_load_idx %arg6[%parallel_loop3A_392] : memref<32768xf32, #tpu.memory_space<vmem>>[vector<16xi32>], vector<16xf32>,
        %parallel_loop3A_394 = arith.constant 3 : i32
        %parallel_loop3A_395 = arith.constant 1 : i32
        %parallel_loop3A_396 = arith.index_cast %parallel_loop3A_394 : i32 to index
        %parallel_loop3A_397 = arith.index_cast %parallel_loop3A_96 : i32 to index
        %parallel_loop3A_398 = arith.index_cast %parallel_loop3A_395 : i32 to index
        %parallel_loop3A_399 = arith.index_cast %parallel_loop3A_114 : i32 to index
        %parallel_loop3A_400 = tpu.vector_load %arg8[%parallel_loop3A_396, %parallel_loop3A_397, %parallel_loop3A_398, %parallel_loop3A_399] {strides = array<i32>} : memref<4x8x8x128xf32, #tpu.memory_space<vmem>>, vector<16xf32>,
        tpu.vector_store %arg8[%parallel_loop3A_396, %parallel_loop3A_397, %parallel_loop3A_398, %parallel_loop3A_399], %parallel_loop3A_393 {strides = array<i32>} : memref<4x8x8x128xf32, #tpu.memory_space<vmem>>, vector<16xf32>,
        %parallel_loop3A_401 = arith.constant 24832 : i32
        %parallel_loop3A_402 = vector.broadcast %parallel_loop3A_401 : i32 to vector<16xi32>
        %parallel_loop3A_403 = arith.addi %parallel_loop3A_72, %parallel_loop3A_402 : vector<16xi32>
        %parallel_loop3A_404 = tpu.vector_load_idx %arg6[%parallel_loop3A_403] : memref<32768xf32, #tpu.memory_space<vmem>>[vector<16xi32>], vector<16xf32>,
        %parallel_loop3A_405 = arith.constant 3 : i32
        %parallel_loop3A_406 = arith.constant 2 : i32
        %parallel_loop3A_407 = arith.index_cast %parallel_loop3A_405 : i32 to index
        %parallel_loop3A_408 = arith.index_cast %parallel_loop3A_96 : i32 to index
        %parallel_loop3A_409 = arith.index_cast %parallel_loop3A_406 : i32 to index
        %parallel_loop3A_410 = arith.index_cast %parallel_loop3A_114 : i32 to index
        %parallel_loop3A_411 = tpu.vector_load %arg8[%parallel_loop3A_407, %parallel_loop3A_408, %parallel_loop3A_409, %parallel_loop3A_410] {strides = array<i32>} : memref<4x8x8x128xf32, #tpu.memory_space<vmem>>, vector<16xf32>,
        tpu.vector_store %arg8[%parallel_loop3A_407, %parallel_loop3A_408, %parallel_loop3A_409, %parallel_loop3A_410], %parallel_loop3A_404 {strides = array<i32>} : memref<4x8x8x128xf32, #tpu.memory_space<vmem>>, vector<16xf32>,
        %parallel_loop3A_412 = arith.constant 24960 : i32
        %parallel_loop3A_413 = vector.broadcast %parallel_loop3A_412 : i32 to vector<16xi32>
        %parallel_loop3A_414 = arith.addi %parallel_loop3A_72, %parallel_loop3A_413 : vector<16xi32>
        %parallel_loop3A_415 = tpu.vector_load_idx %arg6[%parallel_loop3A_414] : memref<32768xf32, #tpu.memory_space<vmem>>[vector<16xi32>], vector<16xf32>,
        %parallel_loop3A_416 = arith.constant 3 : i32
        %parallel_loop3A_417 = arith.constant 3 : i32
        %parallel_loop3A_418 = arith.index_cast %parallel_loop3A_416 : i32 to index
        %parallel_loop3A_419 = arith.index_cast %parallel_loop3A_96 : i32 to index
        %parallel_loop3A_420 = arith.index_cast %parallel_loop3A_417 : i32 to index
        %parallel_loop3A_421 = arith.index_cast %parallel_loop3A_114 : i32 to index
        %parallel_loop3A_422 = tpu.vector_load %arg8[%parallel_loop3A_418, %parallel_loop3A_419, %parallel_loop3A_420, %parallel_loop3A_421] {strides = array<i32>} : memref<4x8x8x128xf32, #tpu.memory_space<vmem>>, vector<16xf32>,
        tpu.vector_store %arg8[%parallel_loop3A_418, %parallel_loop3A_419, %parallel_loop3A_420, %parallel_loop3A_421], %parallel_loop3A_415 {strides = array<i32>} : memref<4x8x8x128xf32, #tpu.memory_space<vmem>>, vector<16xf32>,
        %parallel_loop3A_423 = arith.constant 25088 : i32
        %parallel_loop3A_424 = vector.broadcast %parallel_loop3A_423 : i32 to vector<16xi32>
        %parallel_loop3A_425 = arith.addi %parallel_loop3A_72, %parallel_loop3A_424 : vector<16xi32>
        %parallel_loop3A_426 = tpu.vector_load_idx %arg6[%parallel_loop3A_425] : memref<32768xf32, #tpu.memory_space<vmem>>[vector<16xi32>], vector<16xf32>,
        %parallel_loop3A_427 = arith.constant 3 : i32
        %parallel_loop3A_428 = arith.constant 4 : i32
        %parallel_loop3A_429 = arith.index_cast %parallel_loop3A_427 : i32 to index
        %parallel_loop3A_430 = arith.index_cast %parallel_loop3A_96 : i32 to index
        %parallel_loop3A_431 = arith.index_cast %parallel_loop3A_428 : i32 to index
        %parallel_loop3A_432 = arith.index_cast %parallel_loop3A_114 : i32 to index
        %parallel_loop3A_433 = tpu.vector_load %arg8[%parallel_loop3A_429, %parallel_loop3A_430, %parallel_loop3A_431, %parallel_loop3A_432] {strides = array<i32>} : memref<4x8x8x128xf32, #tpu.memory_space<vmem>>, vector<16xf32>,
        tpu.vector_store %arg8[%parallel_loop3A_429, %parallel_loop3A_430, %parallel_loop3A_431, %parallel_loop3A_432], %parallel_loop3A_426 {strides = array<i32>} : memref<4x8x8x128xf32, #tpu.memory_space<vmem>>, vector<16xf32>,
        %parallel_loop3A_434 = arith.constant 25216 : i32
        %parallel_loop3A_435 = vector.broadcast %parallel_loop3A_434 : i32 to vector<16xi32>
        %parallel_loop3A_436 = arith.addi %parallel_loop3A_72, %parallel_loop3A_435 : vector<16xi32>
        %parallel_loop3A_437 = tpu.vector_load_idx %arg6[%parallel_loop3A_436] : memref<32768xf32, #tpu.memory_space<vmem>>[vector<16xi32>], vector<16xf32>,
        %parallel_loop3A_438 = arith.constant 3 : i32
        %parallel_loop3A_439 = arith.constant 5 : i32
        %parallel_loop3A_440 = arith.index_cast %parallel_loop3A_438 : i32 to index
        %parallel_loop3A_441 = arith.index_cast %parallel_loop3A_96 : i32 to index
        %parallel_loop3A_442 = arith.index_cast %parallel_loop3A_439 : i32 to index
        %parallel_loop3A_443 = arith.index_cast %parallel_loop3A_114 : i32 to index
        %parallel_loop3A_444 = tpu.vector_load %arg8[%parallel_loop3A_440, %parallel_loop3A_441, %parallel_loop3A_442, %parallel_loop3A_443] {strides = array<i32>} : memref<4x8x8x128xf32, #tpu.memory_space<vmem>>, vector<16xf32>,
        tpu.vector_store %arg8[%parallel_loop3A_440, %parallel_loop3A_441, %parallel_loop3A_442, %parallel_loop3A_443], %parallel_loop3A_437 {strides = array<i32>} : memref<4x8x8x128xf32, #tpu.memory_space<vmem>>, vector<16xf32>,
        %parallel_loop3A_445 = arith.constant 25344 : i32
        %parallel_loop3A_446 = vector.broadcast %parallel_loop3A_445 : i32 to vector<16xi32>
        %parallel_loop3A_447 = arith.addi %parallel_loop3A_72, %parallel_loop3A_446 : vector<16xi32>
        %parallel_loop3A_448 = tpu.vector_load_idx %arg6[%parallel_loop3A_447] : memref<32768xf32, #tpu.memory_space<vmem>>[vector<16xi32>], vector<16xf32>,
        %parallel_loop3A_449 = arith.constant 3 : i32
        %parallel_loop3A_450 = arith.constant 6 : i32
        %parallel_loop3A_451 = arith.index_cast %parallel_loop3A_449 : i32 to index
        %parallel_loop3A_452 = arith.index_cast %parallel_loop3A_96 : i32 to index
        %parallel_loop3A_453 = arith.index_cast %parallel_loop3A_450 : i32 to index
        %parallel_loop3A_454 = arith.index_cast %parallel_loop3A_114 : i32 to index
        %parallel_loop3A_455 = tpu.vector_load %arg8[%parallel_loop3A_451, %parallel_loop3A_452, %parallel_loop3A_453, %parallel_loop3A_454] {strides = array<i32>} : memref<4x8x8x128xf32, #tpu.memory_space<vmem>>, vector<16xf32>,
        tpu.vector_store %arg8[%parallel_loop3A_451, %parallel_loop3A_452, %parallel_loop3A_453, %parallel_loop3A_454], %parallel_loop3A_448 {strides = array<i32>} : memref<4x8x8x128xf32, #tpu.memory_space<vmem>>, vector<16xf32>,
        %parallel_loop3A_456 = arith.constant 25472 : i32
        %parallel_loop3A_457 = vector.broadcast %parallel_loop3A_456 : i32 to vector<16xi32>
        %parallel_loop3A_458 = arith.addi %parallel_loop3A_72, %parallel_loop3A_457 : vector<16xi32>
        %parallel_loop3A_459 = tpu.vector_load_idx %arg6[%parallel_loop3A_458] : memref<32768xf32, #tpu.memory_space<vmem>>[vector<16xi32>], vector<16xf32>,
        %parallel_loop3A_460 = arith.constant 3 : i32
        %parallel_loop3A_461 = arith.constant 7 : i32
        %parallel_loop3A_462 = arith.index_cast %parallel_loop3A_460 : i32 to index
        %parallel_loop3A_463 = arith.index_cast %parallel_loop3A_96 : i32 to index
        %parallel_loop3A_464 = arith.index_cast %parallel_loop3A_461 : i32 to index
        %parallel_loop3A_465 = arith.index_cast %parallel_loop3A_114 : i32 to index
        %parallel_loop3A_466 = tpu.vector_load %arg8[%parallel_loop3A_462, %parallel_loop3A_463, %parallel_loop3A_464, %parallel_loop3A_465] {strides = array<i32>} : memref<4x8x8x128xf32, #tpu.memory_space<vmem>>, vector<16xf32>,
        tpu.vector_store %arg8[%parallel_loop3A_462, %parallel_loop3A_463, %parallel_loop3A_464, %parallel_loop3A_465], %parallel_loop3A_459 {strides = array<i32>} : memref<4x8x8x128xf32, #tpu.memory_space<vmem>>, vector<16xf32>,
      } {sc.loop_unroll_factor = 1 : i64, sc.parallel_access}
      %mul3A_49 = arith.constant 8 : i32
      %mul3A_50 = arith.muli %add3A_40, %mul3A_49 : i32
      %convert_element_type3A_51 = arith.extui %le3A_7 : i1 to i32
      %cond3A_52 = arith.constant 0 : i32
      %cond3A_53 = arith.cmpi ne, %convert_element_type3A_51, %cond3A_52 : i32
      scf.if %cond3A_53 {
        %dma_start3A = arith.constant 0 : i32
        %dma_start3A_55 = arith.constant 0 : i32
        %dma_start3A_56 = tpu.memref_slice %arg4[%mul3A_4, %mul3A_50, %dma_start3A, %dma_start3A_55] : memref<125x160x8x128xf32, #tpu.memory_space<hbm>> -> memref<4x8x8x128xf32, #tpu.memory_space<hbm>>
        %dma_start3A_57 = arith.constant 0 : i32
        %dma_start3A_58 = arith.constant 0 : i32
        %dma_start3A_59 = tpu.memref_slice %arg4[%mul3A_4, %mul3A_50, %dma_start3A_57, %dma_start3A_58] : memref<125x160x8x128xf32, #tpu.memory_space<hbm>> -> memref<4x8x8x128xf32, #tpu.memory_space<hbm>>
        tpu.enqueue_dma source(%arg8 : memref<4x8x8x128xf32, #tpu.memory_space<vmem>>) target(%dma_start3A_59 : memref<4x8x8x128xf32, #tpu.memory_space<hbm>>) target_semaphore(%arg10 : memref<!tpu.dma_semaphore, #tpu.memory_space<semaphore_mem>>)
      } else {
        %dma_start3A = arith.constant 0 : i32
        %dma_start3A_55 = arith.constant 0 : i32
        %dma_start3A_56 = arith.constant 0 : i32
        %dma_start3A_57 = arith.constant 0 : i32
        %dma_start3A_58 = tpu.memref_slice %arg8[%dma_start3A, %dma_start3A_55, %dma_start3A_56, %dma_start3A_57] : memref<4x8x8x128xf32, #tpu.memory_space<vmem>> -> memref<1x8x8x128xf32, #tpu.memory_space<vmem>>
        %dma_start3A_59 = arith.constant 0 : i32
        %dma_start3A_60 = arith.constant 0 : i32
        %dma_start3A_61 = tpu.memref_slice %arg4[%mul3A_4, %mul3A_50, %dma_start3A_59, %dma_start3A_60] : memref<125x160x8x128xf32, #tpu.memory_space<hbm>> -> memref<1x8x8x128xf32, #tpu.memory_space<hbm>>
        %dma_start3A_62 = arith.constant 0 : i32
        %dma_start3A_63 = arith.constant 0 : i32
        %dma_start3A_64 = tpu.memref_slice %arg4[%mul3A_4, %mul3A_50, %dma_start3A_62, %dma_start3A_63] : memref<125x160x8x128xf32, #tpu.memory_space<hbm>> -> memref<1x8x8x128xf32, #tpu.memory_space<hbm>>
        %dma_start3A_65 = arith.constant 0 : i32
        %dma_start3A_66 = arith.constant 0 : i32
        %dma_start3A_67 = arith.constant 0 : i32
        %dma_start3A_68 = arith.constant 0 : i32
        %dma_start3A_69 = tpu.memref_slice %arg8[%dma_start3A_65, %dma_start3A_66, %dma_start3A_67, %dma_start3A_68] : memref<4x8x8x128xf32, #tpu.memory_space<vmem>> -> memref<1x8x8x128xf32, #tpu.memory_space<vmem>>
        tpu.enqueue_dma source(%dma_start3A_69 : memref<1x8x8x128xf32, #tpu.memory_space<vmem>>) target(%dma_start3A_64 : memref<1x8x8x128xf32, #tpu.memory_space<hbm>>) target_semaphore(%arg10 : memref<!tpu.dma_semaphore, #tpu.memory_space<semaphore_mem>>)
      }
      %scan3A_54 = arith.constant 0 : i32
      scf.yield %scan3A_54 : i32
    }
    %scan3A_17 = arith.constant 10 : i32
    %convert_element_type3A = arith.extui %le3A_7 : i1 to i32
    %cond3A = arith.constant 0 : i32
    %cond3A_18 = arith.cmpi ne, %convert_element_type3A, %cond3A : i32
    scf.if %cond3A_18 {
      %dma_wait3A = arith.constant 144 : i32
      %dma_wait3A_22 = arith.constant 0 : i32
      %dma_wait3A_23 = arith.constant 0 : i32
      %dma_wait3A_24 = tpu.memref_slice %arg4[%mul3A_4, %dma_wait3A, %dma_wait3A_22, %dma_wait3A_23] : memref<125x160x8x128xf32, #tpu.memory_space<hbm>> -> memref<4x8x8x128xf32, #tpu.memory_space<hbm>>
      %dma_wait3A_25 = arith.constant 144 : i32
      %dma_wait3A_26 = arith.constant 0 : i32
      %dma_wait3A_27 = arith.constant 0 : i32
      %dma_wait3A_28 = tpu.memref_slice %arg4[%mul3A_4, %dma_wait3A_25, %dma_wait3A_26, %dma_wait3A_27] : memref<125x160x8x128xf32, #tpu.memory_space<hbm>> -> memref<4x8x8x128xf32, #tpu.memory_space<hbm>>
      tpu.wait_dma2 semaphore(%arg9 : memref<!tpu.dma_semaphore, #tpu.memory_space<semaphore_mem>>) src(%arg7 : memref<4x8x8x128xf32, #tpu.memory_space<vmem>>) dst(%dma_wait3A_28 : memref<4x8x8x128xf32, #tpu.memory_space<hbm>>)
    } else {
      %dma_wait3A = arith.constant 0 : i32
      %dma_wait3A_22 = arith.constant 0 : i32
      %dma_wait3A_23 = arith.constant 0 : i32
      %dma_wait3A_24 = arith.constant 0 : i32
      %dma_wait3A_25 = tpu.memref_slice %arg7[%dma_wait3A, %dma_wait3A_22, %dma_wait3A_23, %dma_wait3A_24] : memref<4x8x8x128xf32, #tpu.memory_space<vmem>> -> memref<1x8x8x128xf32, #tpu.memory_space<vmem>>
      %dma_wait3A_26 = arith.constant 144 : i32
      %dma_wait3A_27 = arith.constant 0 : i32
      %dma_wait3A_28 = arith.constant 0 : i32
      %dma_wait3A_29 = tpu.memref_slice %arg4[%mul3A_4, %dma_wait3A_26, %dma_wait3A_27, %dma_wait3A_28] : memref<125x160x8x128xf32, #tpu.memory_space<hbm>> -> memref<1x8x8x128xf32, #tpu.memory_space<hbm>>
      %dma_wait3A_30 = arith.constant 144 : i32
      %dma_wait3A_31 = arith.constant 0 : i32
      %dma_wait3A_32 = arith.constant 0 : i32
      %dma_wait3A_33 = tpu.memref_slice %arg4[%mul3A_4, %dma_wait3A_30, %dma_wait3A_31, %dma_wait3A_32] : memref<125x160x8x128xf32, #tpu.memory_space<hbm>> -> memref<1x8x8x128xf32, #tpu.memory_space<hbm>>
      %dma_wait3A_34 = arith.constant 0 : i32
      %dma_wait3A_35 = arith.constant 0 : i32
      %dma_wait3A_36 = arith.constant 0 : i32
      %dma_wait3A_37 = arith.constant 0 : i32
      %dma_wait3A_38 = tpu.memref_slice %arg7[%dma_wait3A_34, %dma_wait3A_35, %dma_wait3A_36, %dma_wait3A_37] : memref<4x8x8x128xf32, #tpu.memory_space<vmem>> -> memref<1x8x8x128xf32, #tpu.memory_space<vmem>>
      tpu.wait_dma2 semaphore(%arg9 : memref<!tpu.dma_semaphore, #tpu.memory_space<semaphore_mem>>) src(%dma_wait3A_38 : memref<1x8x8x128xf32, #tpu.memory_space<vmem>>) dst(%dma_wait3A_33 : memref<1x8x8x128xf32, #tpu.memory_space<hbm>>)
    }
    %convert_element_type3A_19 = arith.extui %le3A_7 : i1 to i32
    %cond3A_20 = arith.constant 0 : i32
    %cond3A_21 = arith.cmpi ne, %convert_element_type3A_19, %cond3A_20 : i32
    scf.if %cond3A_21 {
      %dma_wait3A = arith.constant 152 : i32
      %dma_wait3A_22 = arith.constant 0 : i32
      %dma_wait3A_23 = arith.constant 0 : i32
      %dma_wait3A_24 = tpu.memref_slice %arg4[%mul3A_4, %dma_wait3A, %dma_wait3A_22, %dma_wait3A_23] : memref<125x160x8x128xf32, #tpu.memory_space<hbm>> -> memref<4x8x8x128xf32, #tpu.memory_space<hbm>>
      %dma_wait3A_25 = arith.constant 152 : i32
      %dma_wait3A_26 = arith.constant 0 : i32
      %dma_wait3A_27 = arith.constant 0 : i32
      %dma_wait3A_28 = tpu.memref_slice %arg4[%mul3A_4, %dma_wait3A_25, %dma_wait3A_26, %dma_wait3A_27] : memref<125x160x8x128xf32, #tpu.memory_space<hbm>> -> memref<4x8x8x128xf32, #tpu.memory_space<hbm>>
      tpu.wait_dma2 semaphore(%arg10 : memref<!tpu.dma_semaphore, #tpu.memory_space<semaphore_mem>>) src(%arg8 : memref<4x8x8x128xf32, #tpu.memory_space<vmem>>) dst(%dma_wait3A_28 : memref<4x8x8x128xf32, #tpu.memory_space<hbm>>)
    } else {
      %dma_wait3A = arith.constant 0 : i32
      %dma_wait3A_22 = arith.constant 0 : i32
      %dma_wait3A_23 = arith.constant 0 : i32
      %dma_wait3A_24 = arith.constant 0 : i32
      %dma_wait3A_25 = tpu.memref_slice %arg8[%dma_wait3A, %dma_wait3A_22, %dma_wait3A_23, %dma_wait3A_24] : memref<4x8x8x128xf32, #tpu.memory_space<vmem>> -> memref<1x8x8x128xf32, #tpu.memory_space<vmem>>
      %dma_wait3A_26 = arith.constant 152 : i32
      %dma_wait3A_27 = arith.constant 0 : i32
      %dma_wait3A_28 = arith.constant 0 : i32
      %dma_wait3A_29 = tpu.memref_slice %arg4[%mul3A_4, %dma_wait3A_26, %dma_wait3A_27, %dma_wait3A_28] : memref<125x160x8x128xf32, #tpu.memory_space<hbm>> -> memref<1x8x8x128xf32, #tpu.memory_space<hbm>>
      %dma_wait3A_30 = arith.constant 152 : i32
      %dma_wait3A_31 = arith.constant 0 : i32
      %dma_wait3A_32 = arith.constant 0 : i32
      %dma_wait3A_33 = tpu.memref_slice %arg4[%mul3A_4, %dma_wait3A_30, %dma_wait3A_31, %dma_wait3A_32] : memref<125x160x8x128xf32, #tpu.memory_space<hbm>> -> memref<1x8x8x128xf32, #tpu.memory_space<hbm>>
      %dma_wait3A_34 = arith.constant 0 : i32
      %dma_wait3A_35 = arith.constant 0 : i32
      %dma_wait3A_36 = arith.constant 0 : i32
      %dma_wait3A_37 = arith.constant 0 : i32
      %dma_wait3A_38 = tpu.memref_slice %arg8[%dma_wait3A_34, %dma_wait3A_35, %dma_wait3A_36, %dma_wait3A_37] : memref<4x8x8x128xf32, #tpu.memory_space<vmem>> -> memref<1x8x8x128xf32, #tpu.memory_space<vmem>>
      tpu.wait_dma2 semaphore(%arg10 : memref<!tpu.dma_semaphore, #tpu.memory_space<semaphore_mem>>) src(%dma_wait3A_38 : memref<1x8x8x128xf32, #tpu.memory_space<vmem>>) dst(%dma_wait3A_33 : memref<1x8x8x128xf32, #tpu.memory_space<hbm>>)
    }
    return
  }
}

module attributes {stable_mosaic.version = 14 : i64} {
  func.func @_logits_table_body(%arg0: memref<1000x16xf32, #tpu.memory_space<vmem>>, %arg1: memref<16x1000xf32, #tpu.memory_space<vmem>>, %arg2: memref<1000x1xf32, #tpu.memory_space<vmem>>, %arg3: memref<1024x1024xf32, #tpu.memory_space<vmem>>) attributes {dimension_semantics = [], scalar_prefetch = 0 : i64, scratch_operands = 0 : i64, tpu.core_type = #tpu.core_type<tc>} {
    %get3A = arith.constant 0 : index
    %get3A_0 = arith.constant 0 : index
    %get3A_1 = vector.load %arg1[%get3A, %get3A_0] : memref<16x1000xf32, #tpu.memory_space<vmem>>, vector<16x1000xf32>
    %get3A_2 = arith.constant 0 : index
    %get3A_3 = arith.constant 0 : index
    %get3A_4 = vector.load %arg0[%get3A_2, %get3A_3] : memref<1000x16xf32, #tpu.memory_space<vmem>>, vector<1000x16xf32>
    %dot_general3A = arith.constant dense<0.000000e+00> : vector<1000x1000xf32>
    %dot_general3A_5 = tpu.matmul %get3A_1, %get3A_4, %dot_general3A {dimension_numbers = #tpu.dot_dimension_numbers<[0], [1], [1], [0], [0, 1, 1, 0], [], []>, transpose_lhs_hint = false} : vector<16x1000xf32>, vector<1000x16xf32>, vector<1000x1000xf32> -> vector<1000x1000xf32>
    %get3A_6 = arith.constant 0 : index
    %get3A_7 = arith.constant 0 : index
    %get3A_8 = vector.load %arg2[%get3A_6, %get3A_7] : memref<1000x1xf32, #tpu.memory_space<vmem>>, vector<1000x1xf32>
    %add3A = vector.broadcast %get3A_8 : vector<1000x1xf32> to vector<1000x1000xf32>
    %add3A_9 = arith.addf %dot_general3A_5, %add3A : vector<1000x1000xf32>
    %swap3A = arith.constant 0 : index
    %swap3A_10 = arith.constant 0 : index
    %swap3A_11 = vector.load %arg3[%swap3A, %swap3A_10] : memref<1024x1024xf32, #tpu.memory_space<vmem>>, vector<1000x1000xf32>
    tpu.vector_store %arg3[%swap3A, %swap3A_10], %add3A_9 {strides = array<i32>} : memref<1024x1024xf32, #tpu.memory_space<vmem>>, vector<1000x1000xf32>,
    return
  }
}

</mosaic_0001>

<sc_bundles>
// kernel: kernel.4.cloned.1.call-start
scs
__scs_entry_jumppad:
0x0: {  	(pc) =	sbr.rel $0x88, $3  }
0x1: {  	(tag) =	ssettag $0x0;
	lr =	simm.s32 $0x1  }
0x2: {  	[smem:$0x3F9D] =	sst lr;
	_ =	strace $0xD0000000  }
0x3: {  	_ = 	snop  }
0x4: {  	_ = 	snop  }
0x5: {  	_ = 	snop  }
0x6: {  	_ = 	snop  }
0x7: {  	_ = 	snop  }
__scs_overlays_trampoline_lowered:
0x8: {  	[smem:$0x3FAC] =	sst s0  }
0x9: {  	[smem:$0x3FAD] =	sst s1  }
0xa: {  	[smem:$0x3FAE] =	sst s2  }
0xb: {  	[smem:$0x3FAF] =	sst s3  }
0xc: {  	[smem:$0x3FB0] =	sst s4  }
0xd: {  	[smem:$0x3FB1] =	sst s5  }
0xe: {  	[smem:$0x3FB2] =	sst s6  }
0xf: {  	[smem:$0x3FB3] =	sst s7  }
0x10: {  	[smem:$0x3FB4] =	sst s8  }
0x11: {  	[smem:$0x3FB5] =	sst s9;
	s0 =	simm.s32 @!p0 $0x0  }
0x12: {  	s1 =	sld [smem:$0x3F9B];
	s0 =	simm.s32 @p0 $0x1  }
0x13: {  	[smem:$0x3FB6] =	sst s0;
	s0 =	simm.s32 @!p1 $0x0  }
0x14: {  	s2 =	sld [smem:$0x3F9A];
	s0 =	simm.s32 @p1 $0x1  }
0x15: {  	[smem:$0x3FB7] =	sst s0;
	s0 =	simm.s32 @!p2 $0x0  }
0x16: {  	s3 =	sld [smem:$0x3FDB];
	s0 =	simm.s32 @p2 $0x1  }
0x17: {  	s4 =	simm.s32 $0x1BF5;
	[smem:$0x3FB9] =	sst s0  }
0x18: {  	s0 =	sld [smem:$0x3F9C];
	_ =	swait.ge [sflag:s4], $0x0  }
0x19: {  	s7 =	sld [smem:$0x3F9D]  }
0x1a: {  	s8 =	sadd.s32 $0xFFFFE003, lr  }
0x1b: {  	s9 =	sadd.s32 $0xFFFFFEF7, lr;
	s5 =	simm.s32 $0xFFFFFFFF;
	p2 =	slt.u32 s8, $0xFFFFF086  }
0x1c: {  	p1 =	slt.u32 s9, $0xF7A;
	s5 =	simm.s32 @!p2 $0x0  }
0x1d: {  	s5 =	simm.s32 @p1 $0x1;
	p0 =	seq.s32 s7, s2  }
0x1e: {  	s7 =	smul.u32 @!p0 $0xF7A, s2;
	p2 =	seq.s32 @!p0 s5, $0x0  }
0x1f: {  	s9 =	smul.u32 $0xF7A, s1;
	s8 =	simm.s32 @!p0 $0x1BF5;
	p2 =	por !p2, p0  }
0x20: {  	[sflag:s8] =	ssyncset.s32 @!p0 $0xFFFFF086;
	s6 =	sadd.s32 @!p0 s3, s7;
	s7 =	simm.s32 @!p0 $0x108  }
0x21: {  	s3 =	sadd.s32 s3, s9;
	s6 =	sadd.s32 @!p0 $0x88, s6;
	s7 =	simm.s32 @p2 $0x1082  }
0x22: {  	[simem:s7], [sflag:s8] =	dma.local @!p0 [hbm:s6], $0xF7A  }
0x23: {  	s9 =	sor.u32 $0xD0000000, s2;
	s6 =	simm.s32 $0x108;
	_ =	swait.ge @!p0 [sflag:s8], $0x0  }
0x24: {  	s3 =	sadd.s32 $0x88, s3;
	s6 =	simm.s32 @!p1 $0x1082;
	[sflag:s4] =	ssyncset.s32 $0xFFFFF086  }
0x25: {  	[simem:s6], [sflag:s4] =	dma.local [hbm:s3], $0xF7A  }
0x26: {  	[smem:$0x3F9D] =	sst s1;
	(tag) =	ssettag s2;
	_ =	strace s9  }
0x27: {  	s1 =	sld [smem:$0x3FAD]  }
0x28: {  	s2 =	sld [smem:$0x3FAE]  }
0x29: {  	s4 =	sld [smem:$0x3FB0]  }
0x2a: {  	p0 =	seq.s32 s5, $0x0;
	s5 =	sld [smem:$0x3FB1]  }
0x2b: {  	s6 =	sld [smem:$0x3FB2]  }
0x2c: {  	s7 =	sld [smem:$0x3FB3]  }
0x2d: {  	s3 =	simm.s32 $0x108;
	s8 =	sld [smem:$0x3FB4]  }
0x2e: {  	s3 =	simm.s32 @!p0 $0x1082;
	s9 =	sld [smem:$0x3FB5]  }
0x2f: {  	lr =	sadd.s32 s0, s3;
	s0 =	sld [smem:$0x3FAC]  }
0x30: {  	s3 =	sld [smem:$0x3FAF]  }
0x31: {  	[smem:$0x3FB8] =	sst s10  }
0x32: {  	s10 =	sld [smem:$0x3FB6];
	_ =	sdelay $0x3  }
0x33: {  	p0 =	seq.s32 s10, $0x1;
	s10 =	sld [smem:$0x3FB8];
	_ =	sdelay $0x3  }
0x34: {  	[smem:$0x3FB8] =	sst s10  }
0x35: {  	s10 =	sld [smem:$0x3FB7];
	_ =	sdelay $0x3  }
0x36: {  	p1 =	seq.s32 s10, $0x1;
	s10 =	sld [smem:$0x3FB8];
	_ =	sdelay $0x3  }
0x37: {  	[smem:$0x3FB8] =	sst s10  }
0x38: {  	s10 =	sld [smem:$0x3FB9]  }
0x39: {  	_ = 	snop;
	(pc) =	sbr.ind lr, $3  }
0x3a: {  	_ = 	snop  }
0x3b: {  	_ = 	snop  }
0x3c: {  	p2 =	seq.s32 s10, $0x1;
	s10 =	sld [smem:$0x3FB8]  }
0x3d: {  	_ =	shalt  }
0x3e: {  	_ =	shalt  }
0x3f: {  	_ =	shalt  }
0x40: {  	_ =	shalt  }
0x41: {  	_ =	shalt  }
0x42: {  	_ =	shalt  }
0x43: {  	_ =	shalt  }
0x44: {  	_ =	shalt  }
0x45: {  	_ =	shalt  }
0x46: {  	_ =	shalt  }
0x47: {  	_ =	shalt  }
0x48: {  	_ =	shalt  }
0x49: {  	_ =	shalt  }
0x4a: {  	_ =	shalt  }
0x4b: {  	_ =	shalt  }
0x4c: {  	_ =	shalt  }
0x4d: {  	_ =	shalt  }
0x4e: {  	_ =	shalt  }
0x4f: {  	_ =	shalt  }
0x50: {  	_ =	shalt  }
0x51: {  	_ =	shalt  }
0x52: {  	_ =	shalt  }
0x53: {  	_ =	shalt  }
0x54: {  	_ =	shalt  }
0x55: {  	_ =	shalt  }
0x56: {  	_ =	shalt  }
0x57: {  	_ =	shalt  }
0x58: {  	_ =	shalt  }
0x59: {  	_ =	shalt  }
0x5a: {  	_ =	shalt  }
0x5b: {  	_ =	shalt  }
0x5c: {  	_ =	shalt  }
0x5d: {  	_ =	shalt  }
0x5e: {  	_ =	shalt  }
0x5f: {  	_ =	shalt  }
0x60: {  	_ =	shalt  }
0x61: {  	_ =	shalt  }
0x62: {  	_ =	shalt  }
0x63: {  	_ =	shalt  }
0x64: {  	_ =	shalt  }
0x65: {  	_ =	shalt  }
0x66: {  	_ =	shalt  }
0x67: {  	_ =	shalt  }
0x68: {  	_ =	shalt  }
0x69: {  	_ =	shalt  }
0x6a: {  	_ =	shalt  }
0x6b: {  	_ =	shalt  }
0x6c: {  	_ =	shalt  }
0x6d: {  	_ =	shalt  }
0x6e: {  	_ =	shalt  }
0x6f: {  	_ =	shalt  }
0x70: {  	_ =	shalt  }
0x71: {  	_ =	shalt  }
0x72: {  	_ =	shalt  }
0x73: {  	_ =	shalt  }
0x74: {  	_ =	shalt  }
0x75: {  	_ =	shalt  }
0x76: {  	_ =	shalt  }
0x77: {  	_ =	shalt  }
0x78: {  	_ =	shalt  }
0x79: {  	_ =	shalt  }
0x7a: {  	_ =	shalt  }
0x7b: {  	_ =	shalt  }
0x7c: {  	_ =	shalt  }
0x7d: {  	_ =	shalt  }
0x7e: {  	_ =	shalt  }
0x7f: {  	_ =	shalt  }
0x80: {  	_ =	shalt  }
0x81: {  	_ =	shalt  }
0x82: {  	_ =	shalt  }
0x83: {  	_ =	shalt  }
0x84: {  	_ =	shalt  }
0x85: {  	_ =	shalt  }
0x86: {  	_ =	shalt  }
0x87: {  	_ =	shalt  }
.Lfunc_end0:
.L_simem_size_0:
called_computation_lowered:
.L_overlay_start_0:
0x88: {  	s2 =	sld [smem:$0x3FD9]  }
0x89: {  	s3 =	sld [smem:$0x3FFE];
	_ =	sdelay $0x1  }
0x8a: {  	s1 =	srdreg.scid  }
0x8b: {  	s0 =	sand.u32 $0x1, s1  }
0x8c: {  	s17 =	sshll.u32 s0, $0xA;
	s2 =	sadd.s32 s3, s2  }
0x8d: {  	s2 =	sadd.s32 s2, s17  }
0x8e: {  	[smem:$0x3FC4] =	sst s2  }
0x8f: {  	_ = 	snop  }
0x90: {  	s2 =	sld [smem:$0x3FD0];
	(tm) =	ssettm $0x1  }
0x91: {  	s18 =	sld [smem:$0x3FFB];
	_ =	sdelay $0x3  }
0x92: {  	_ =	strace s18  }
0x93: {  	s3 =	sld [smem:$0x3FFC];
	_ =	sdelay $0x3  }
0x94: {  	_ =	strace s3  }
0x95: {  	s3 =	sld [smem:$0x3FFD];
	_ =	sdelay $0x3  }
0x96: {  	_ =	strace s3  }
0x97: {  	_ =	strace $0x8FFFFFFF  }
0x98: {  	s19 =	sld [smem:$0x3FDB];
	_ =	sdelay $0x1  }
0x99: {  	s4 =	simm.s32 $_scs_section_size  }
0x9a: {  	s5 =	simm.s32 $_size__tile_overlayer_lowered;
	s6 =	simm.s32 $_tile_overlayer_lowered  }
0x9b: {  	s22 =	simm.s32 $0x1BFF;
	s21 =	sshll.u32 s6, $0x1;
	s3 =	sadd.s32 s4, s19  }
0x9c: {  	s7 =	simm.s32 $0x0;
	s20 =	sshll.u32 s5, $0x1;
	s5 =	sadd.s32 s21, s3  }
0x9d: {  	[timem:s7], [sflag:s22] =	dma.local [hbm:s5], s20  }
0x9e: {  	_ =	swait.ge [sflag:s22], s20  }
0x9f: {  	s4 =	ssub.s32 $0x0, s20;
	[sflag:s22] =	ssyncset.done $0x0  }
0xa0: {  	[sflag:s22] =	ssyncadd.s32 s4;
	_ =	sdelay $0x1  }
0xa1: {  	s23 =	simm.s32 $0x1B8B  }
0xa2: {  	_ =	swait.ge [sflag:s23], $0x1  }
0xa3: {  	[sflag:s23] =	ssyncset.done $0x0  }
0xa4: {  	s25 =	simm.s32 $0x1B8E;
	s24 =	sld [smem:$0x3FFE];
	[sflag:s23] =	ssyncadd.s32 $0xFFFFFFFF  }
0xa5: {  	s26 =	simm.s32 $execute0_lowered;
	[smem:$0x3FD2] =	sst s25  }
0xa6: {  	s5 =	sshll.u32 s26, $0x1;
	_ =	strace $0x80000046;
	[dreg:$0x1] =	wrdreg $0xFFFFFFFF  }
0xa7: {  	s28 =	simm.s32 $_size_execute0_lowered;
	s3 =	sadd.s32 s3, s5;
	[dreg:$0x0] =	wrdreg $0x0  }
0xa8: {  	s5 =	sshll.u32 s28, $0x1;
	[dreg:$0x2] =	wrdreg s3  }
0xa9: {  	[dreg:$0x3] =	wrdreg s5  }
0xaa: {  	[dreg:$0x4] =	wrdreg $0xC0  }
0xab: {  	_ =	task [dreg:s7], $0x5FFFF  }
0xac: {  	[dreg:$0x1] =	wrdreg $0xFFFFFFFF  }
0xad: {  	[dreg:$0x0] =	wrdreg $0x60  }
0xae: {  	[dreg:$0x2] =	wrdreg s24  }
0xaf: {  	[dreg:$0x3] =	wrdreg s2  }
0xb0: {  	[dreg:$0x4] =	wrdreg $0x9  }
0xb1: {  	_ =	task.clear_ibuf [dreg:s7], $0x5FFFF;
	_ =	strace $0x90000046  }
0xb2: {  	s29 =	simm.s32 $0x9;
	_ =	strace $0x80000048  }
0xb3: {  	_ =	swait.ge [sflag:s29], $0x1  }
0xb4: {  	[sflag:s29] =	ssyncadd.s32 $0xFFFFFFFF  }
0xb5: {  	_ =	strace $0x90000048  }
0xb6: {  	_ =	sfence  }
0xb7: {  	s30 =	sld [smem:$0x0];
	_ =	sdelay $0x2  }
0xb8: {  	s31 =	sshll.u32 s1, $0xD;
	s1 =	sshrl.u32 s1, $0x2  }
0xb9: {  	s3 =	sand.u32 $0x4000, s31;
	s1 =	sadd.s32 s1, s30  }
0xba: {  	s0 =	sor.u32 s3, s0;
	s1 =	sshll.u32 s1, $0x11  }
0xbb: {  	s0 =	sor.u32 s1, s0  }
0xbc: {  	s0 =	sadd.s32 $0x8F2B, s0  }
0xbd: {  	[sflag:s0] =	ssyncadd.remote.s32 $0x1  }
0xbe: {  	_ =	sfence.sel $0xFFFF  }
0xbf: {  	[dreg:$0x0] =	wrdreg $0xFFFFFFFF;
	(pc) =	sbr.abs _section_cstart, $3  }
0xc0: {  	[dreg:$0x1] =	wrdreg $0xFFFFFFFF  }
0xc1: {  	_ =	task.clear_ibuf [dreg:s7], $0x2FFFF;
	_ =	strace $0x9FFFFFFF  }
0xc2: {  	(tm) =	ssettm $0x7FFFFFFF  }
0xc3: {  	_ =	shalt  }
tec
execute0_lowered:
.L_overlay_start_1:
0x0: {  	(tag) =	ssettag $0x1  }
0x1: {  	s0 =	rddreg [dreg:$0x0];
	s1 =	srdreg.scid  }
0x2: {  	s3 =	stileid.u32;
	s2 =	rddreg [dreg:$0x1];
	s10 =	simm.s32 $0x3  }
0x3: {  	s11 =	simm.s32 $0x5000;
	s12 =	simm.s32 $0x15000;
	s13 =	simm.s32 $0x1  }
0x4: {  	s14 =	simm.s32 $0x2;
	s15 =	simm.s32 $0x2000;
	s16 =	simm.s32 $0x28000  }
0x5: {  	s17 =	simm.s32 $0x0;
	s1 =	sand.u32 $0x1, s1;
	s4 =	sshll.u32 s3, $0x1  }
0x6: {  	s3 =	simm.s32 $0x0;
	s8 =	sadd.s32 $0x26C000, s2;
	s4 =	sor.u32 s1, s4  }
.Ltmp0:
0x7: {  	[smem:$0x7FF] =	sst s3;
	s1 =	ssub.s32 $0x2, s1;
	(pc) =	sbr.rel .LBB2_1-.Ltmp0, $4  }
0x8: {  	s5 =	sshll.u32 s4, $0xC;
	_ =	strace $0x80000047;
	s6 =	sshrl.u32 s1, $0x1  }
0x9: {  	s7 =	smul.u32 $0xA0000, s4;
	s5 =	sadd.s32 s5, s0;
	s0 =	sadd.s32 $0x800, s0  }
0xa: {  	s30 =	ssub.s32 s1, s6;
	[dreg:$0x3] =	wrdreg s0;
	s31 =	sadd.s32 $0x1200, s5  }
0xb: {  	p0 =	sne.s32 s4, $0x1F;
	s9 =	smax.u32 s30, $0x1;
	[dreg:$0x4] =	wrdreg s31  }
.LBB2_11:
0xc: {  	_ =	swait.ge [sflag:s13], $0x2000  }
0xd: {  	[sflag:s13] =	ssyncset.done $0x0  }
0xe: {  	[sflag:s13] =	ssyncadd.s32 $0xFFFFE000  }
0xf: {  	_ =	swait.ge [sflag:s14], $0x2000  }
0x10: {  	[sflag:s14] =	ssyncset.done $0x0  }
0x11: {  	[sflag:s14] =	ssyncadd.s32 $0xFFFFE000  }
.LBB2_12:
0x12: {  	s17 =	sadd.s32 $0x1, s17  }
0x13: {  	p1 =	sne.s32 s17, s9  }
.Ltmp1:
0x14: {  	_ = 	snop;
	(pc) =	sbr.rel @!p1 .LBB2_13-.Ltmp1, $1  }
0x15: {  	_ =	sdelay $0x3  }
.LBB2_1:
0x16: {  	s0 =	rddreg [dreg:$0x3]  }
0x17: {  	[tilespmem:s3], [sflag:$0x3] =	stream.linear.gather [hbm4b:s0+s3], $0x5000, $0x38;
	[tilespmem:$0x1D000] =	vst v63  }
0x18: {  	_ =	swait.ge [sflag:s10], $0x5000  }
0x19: {  	[sflag:s10] =	ssyncset.done $0x0  }
.Ltmp2:
0x1a: {  	s31 =	rddreg [dreg:$0x4];
	[sflag:s10] =	ssyncadd.s32 $0xFFFFB000;
	(pc) =	sbr.rel .LBB2_2-.Ltmp2, $4  }
0x1b: {  	[tilespmem:s11], [sflag:$0x3] =	stream.linear.gather [hbm4b:s31+s3], $0x8000, $0x38;
	[tilespmem:$0x1D000] =	vst v63  }
0x1c: {  	_ =	swait.ge [sflag:s10], $0x8000  }
0x1d: {  	s18 =	simm.s32 $0x400;
	[sflag:s10] =	ssyncset.done $0x0  }
0x1e: {  	s19 =	simm.s32 $0x0;
	s20 =	simm.s32 $0x0;
	[sflag:s10] =	ssyncadd.s32 $0xFFFF8000  }
.LBB2_7:
0x1f: {  	s0 =	sshll.u32 s21, $0xA  }
0x20: {  	s0 =	sadd.s32 s0, s8  }
0x21: {  	[hbm4b:s0+s3] =	stream.linear.scatter [tilespmem:s12], [sflag:$0x2], $0x2000, $0x38;
	[tilespmem:$0x1D000] =	vst v63  }
0x22: {  	s0 =	sadd.s32 $0x1, s20  }
0x23: {  	p1 =	seq.s32 s0, $0xA  }
.Ltmp3:
0x24: {  	_ = 	snop;
	(pc) =	sbr.rel @p1 .LBB2_11-.Ltmp3, $1  }
0x25: {  	_ =	sdelay $0x3  }
.LBB2_8:
0x26: {  	s19 =	sadd.s32 $0x800, s19;
	s18 =	sadd.s32 $0x800, s18;
	s20 =	smov.u32 s0  }
.LBB2_2:
0x27: {  	p1 =	seq.s32 s20, $0x0  }
0x28: {  	p2 =	seq.s32 @!p1 s4, $0x1F  }
0x29: {  	p3 =	por !p2, p1  }
0x2a: {  	s0 =	simm.s32 @!p3 $0x1  }
0x2b: {  	_ =	swait.ge @!p3 [sflag:s0], $0x2000  }
0x2c: {  	p1 =	por p2, p1;
	[sflag:s0] =	ssyncset.done @!p3 $0x0  }
0x2d: {  	[sflag:s0] =	ssyncadd.s32 @!p3 $0xFFFFE000;
	s0 =	simm.s32 @!p1 $0x1  }
0x2e: {  	_ =	swait.ge @!p1 [sflag:s0], $0x8000  }
0x2f: {  	[sflag:s0] =	ssyncset.done @!p1 $0x0  }
0x30: {  	[sflag:s0] =	ssyncadd.s32 @!p1 $0xFFFF8000  }
0x31: {  	v0 =	vld [tilespmem:s19+$0x0];
	_ =	sdelay $0x4  }
0x32: {  	v1 =	vshll.u32 v0, $0x3  }
0x33: {  	v2 =	vand.u32 $0x7F, v0;
	v1 =	vand.u32 $0xFFFFFC00, v1  }
0x34: {  	v20 =	vor.u32 v2, v1  }
0x35: {  	v19 =	vand.u32 $0x7, v0;
	v0 =	vand.u32 $0xFFFFFC78, v20  }
0x36: {  	v18 =	vor.u32 v19, v0;
	_ =	sdelay $0x4  }
0x37: {  	v0 =	vld.idx.msk [tilespmem:v18+s11+$0x0], $0xffff  }
0x38: {  	v1 =	vor.u32 $0x80, v18  }
0x39: {  	s25 =	simm.s32 $0x0  }
0x3a: {  	s1 =	sand.u32 $0x70, s25;
	s0 =	sand.u32 $0x1C00, s25  }
0x3b: {  	s28 =	sor.u32 s1, s0  }
0x3c: {  	[tilespmem:s28+$0xD000] =	vst v0  }
0x3d: {  	v0 =	vld.idx.msk [tilespmem:v1+s11+$0x0], $0xffff  }
0x3e: {  	v1 =	vor.u32 $0x100, v18;
	_ =	sdelay $0x3  }
0x3f: {  	[tilespmem:s28+$0xD080] =	vst v0  }
0x40: {  	v0 =	vld.idx.msk [tilespmem:v1+s11+$0x0], $0xffff  }
0x41: {  	s26 =	sadd.s32 $0x10, s19;
	v1 =	vor.u32 $0x180, v18  }
0x42: {  	v2 =	vld [tilespmem:s26+$0x0];
	_ =	sdelay $0x2  }
0x43: {  	[tilespmem:s28+$0xD100] =	vst v0  }
0x44: {  	v0 =	vld.idx.msk [tilespmem:v1+s11+$0x0], $0xffff  }
0x45: {  	v3 =	vshll.u32 v2, $0x3;
	v1 =	vor.u32 $0x200, v18  }
0x46: {  	v4 =	vand.u32 $0x7F, v2;
	v3 =	vand.u32 $0xFFFFFC00, v3  }
0x47: {  	v10 =	vor.u32 v4, v3  }
0x48: {  	v8 =	vand.u32 $0x7, v2;
	v2 =	vand.u32 $0xFFFFFC78, v10  }
0x49: {  	v4 =	vor.u32 v8, v2;
	[tilespmem:s28+$0xD180] =	vst v0  }
0x4a: {  	v0 =	vld.idx.msk [tilespmem:v1+s11+$0x0], $0xffff  }
0x4b: {  	v1 =	vor.u32 $0x280, v18;
	_ =	sdelay $0x2  }
0x4c: {  	v2 =	vld.idx.msk [tilespmem:v4+s11+$0x0], $0xffff  }
0x4d: {  	[tilespmem:s28+$0xD200] =	vst v0;
	v0 =	vor.u32 $0x80, v4  }
0x4e: {  	s6 =	simm.s32 $0x80;
	s5 =	simm.s32 $0x10;
	v1 =	vld.idx.msk [tilespmem:v1+s11+$0x0], $0xffff  }
0x4f: {  	s5 =	sand.u32 $0x70, s5;
	s1 =	sand.u32 $0x1C00, s6;
	v3 =	vor.u32 $0x300, v18  }
0x50: {  	s23 =	sor.u32 s5, s1  }
0x51: {  	[tilespmem:s23+$0xD000] =	vst v2  }
0x52: {  	v0 =	vld.idx.msk [tilespmem:v0+s11+$0x0], $0xffff  }
0x53: {  	[tilespmem:s28+$0xD280] =	vst v1;
	v1 =	vor.u32 $0x100, v4  }
0x54: {  	v2 =	vld.idx.msk [tilespmem:v3+s11+$0x0], $0xffff  }
0x55: {  	v3 =	vor.u32 $0x380, v18;
	_ =	sdelay $0x1  }
0x56: {  	[tilespmem:s23+$0xD080] =	vst v0  }
0x57: {  	s0 =	sadd.s32 $0x10, s26;
	v0 =	vld.idx.msk [tilespmem:v1+s11+$0x0], $0xffff  }
0x58: {  	v1 =	vld [tilespmem:s0+$0x0];
	[tilespmem:s28+$0xD300] =	vst v2;
	v2 =	vor.u32 $0x180, v4  }
0x59: {  	v3 =	vld.idx.msk [tilespmem:v3+s11+$0x0], $0xffff  }
0x5a: {  	v5 =	vadd.s32 $0x2000, v18;
	_ =	sdelay $0x1  }
0x5b: {  	[tilespmem:s23+$0xD100] =	vst v0  }
0x5c: {  	v0 =	vld.idx.msk [tilespmem:v2+s11+$0x0], $0xffff  }
0x5d: {  	v6 =	vshll.u32 v1, $0x3;
	v2 =	vadd.s32 $0x2080, v20;
	[tilespmem:s28+$0xD380] =	vst v3;
	v3 =	vor.u32 $0x200, v4  }
0x5e: {  	v7 =	vand.u32 $0x7F, v1;
	v6 =	vand.u32 $0xFFFFFC00, v6;
	v2 =	vand.u32 $0xFFFFFCF8, v2;
	v5 =	vld.idx.msk [tilespmem:v5+s11+$0x0], $0xffff  }
0x5f: {  	v9 =	vor.u32 v19, v2;
	v2 =	vor.u32 v7, v6  }
0x60: {  	v1 =	vand.u32 $0x7, v1;
	v6 =	vand.u32 $0xFFFFFC78, v2  }
0x61: {  	[tilespmem:s23+$0xD180] =	vst v0;
	v0 =	vor.u32 v1, v6  }
0x62: {  	v3 =	vld.idx.msk [tilespmem:v3+s11+$0x0], $0xffff  }
0x63: {  	v6 =	vadd.s32 $0x2100, v20;
	[tilespmem:s28+$0xF000] =	vst v5;
	v5 =	vor.u32 $0x280, v4  }
0x64: {  	v6 =	vand.u32 $0xFFFFFD78, v6;
	v7 =	vld.idx.msk [tilespmem:v9+s11+$0x0], $0xffff  }
0x65: {  	v6 =	vor.u32 v19, v6  }
0x66: {  	v9 =	vld.idx.msk [tilespmem:v0+s11+$0x0], $0xffff  }
0x67: {  	[tilespmem:s23+$0xD200] =	vst v3;
	v3 =	vor.u32 $0x80, v0  }
0x68: {  	s21 =	simm.s32 $0x100;
	s22 =	simm.s32 $0x20;
	v5 =	vld.idx.msk [tilespmem:v5+s11+$0x0], $0xffff  }
0x69: {  	s5 =	sand.u32 $0x70, s22;
	s1 =	sand.u32 $0x1C00, s21;
	v11 =	vadd.s32 $0x2180, v20;
	[tilespmem:s28+$0xF080] =	vst v7;
	v7 =	vor.u32 $0x300, v4  }
0x6a: {  	s22 =	sor.u32 s5, s1;
	v11 =	vand.u32 $0xFFFFFDF8, v11;
	v6 =	vld.idx.msk [tilespmem:v6+s11+$0x0], $0xffff  }
0x6b: {  	[tilespmem:s22+$0xD000] =	vst v9;
	v9 =	vor.u32 v19, v11  }
0x6c: {  	v3 =	vld.idx.msk [tilespmem:v3+s11+$0x0], $0xffff  }
0x6d: {  	[tilespmem:s23+$0xD280] =	vst v5;
	v5 =	vor.u32 $0x100, v0  }
0x6e: {  	v7 =	vld.idx.msk [tilespmem:v7+s11+$0x0], $0xffff  }
0x6f: {  	[tilespmem:s28+$0xF100] =	vst v6;
	v6 =	vor.u32 $0x380, v4  }
0x70: {  	v9 =	vld.idx.msk [tilespmem:v9+s11+$0x0], $0xffff  }
0x71: {  	[tilespmem:s22+$0xD080] =	vst v3;
	v3 =	vadd.s32 $0x2200, v18  }
0x72: {  	v5 =	vld.idx.msk [tilespmem:v5+s11+$0x0], $0xffff  }
0x73: {  	[tilespmem:s23+$0xD300] =	vst v7;
	v7 =	vor.u32 $0x180, v0  }
0x74: {  	s0 =	sadd.s32 $0x10, s0;
	v6 =	vld.idx.msk [tilespmem:v6+s11+$0x0], $0xffff  }
0x75: {  	v12 =	vadd.s32 $0x2280, v20;
	v11 =	vld [tilespmem:s0+$0x0];
	[tilespmem:s28+$0xF180] =	vst v9;
	v9 =	vadd.s32 $0x2000, v4  }
0x76: {  	v12 =	vand.u32 $0xFFFFFEF8, v12;
	v3 =	vld.idx.msk [tilespmem:v3+s11+$0x0], $0xffff  }
0x77: {  	[tilespmem:s22+$0xD100] =	vst v5;
	v5 =	vor.u32 v19, v12  }
0x78: {  	v7 =	vld.idx.msk [tilespmem:v7+s11+$0x0], $0xffff  }
0x79: {  	v12 =	vor.u32 $0x200, v0;
	[tilespmem:s23+$0xD380] =	vst v6;
	v6 =	vadd.s32 $0x2080, v10  }
0x7a: {  	v13 =	vshll.u32 v11, $0x3;
	v9 =	vld.idx.msk [tilespmem:v9+s11+$0x0], $0xffff;
	v6 =	vand.u32 $0xFFFFFCF8, v6  }
0x7b: {  	v13 =	vand.u32 $0xFFFFFC00, v13;
	[tilespmem:s28+$0xF200] =	vst v3;
	v3 =	vand.u32 $0x7F, v11;
	v14 =	vor.u32 v8, v6  }
0x7c: {  	v15 =	vld.idx.msk [tilespmem:v5+s11+$0x0], $0xffff;
	v6 =	vor.u32 v3, v13  }
0x7d: {  	v5 =	vand.u32 $0x7, v11;
	v3 =	vand.u32 $0xFFFFFC78, v6;
	[tilespmem:s22+$0xD180] =	vst v7;
	v7 =	vadd.s32 $0x2300, v18  }
0x7e: {  	v3 =	vor.u32 v5, v3;
	v11 =	vld.idx.msk [tilespmem:v12+s11+$0x0], $0xffff  }
0x7f: {  	v12 =	vadd.s32 $0x2100, v10;
	[tilespmem:s23+$0xF000] =	vst v9;
	v9 =	vor.u32 $0x280, v0  }
0x80: {  	v12 =	vand.u32 $0xFFFFFD78, v12;
	v13 =	vld.idx.msk [tilespmem:v14+s11+$0x0], $0xffff  }
0x81: {  	v12 =	vor.u32 v8, v12;
	[tilespmem:s28+$0xF280] =	vst v15  }
0x82: {  	v7 =	vld.idx.msk [tilespmem:v7+s11+$0x0], $0xffff  }
0x83: {  	v14 =	vld.idx.msk [tilespmem:v3+s11+$0x0], $0xffff;
	[tilespmem:s22+$0xD200] =	vst v11;
	v11 =	vadd.s32 $0x2380, v18  }
0x84: {  	v15 =	vor.u32 $0x80, v3;
	v9 =	vld.idx.msk [tilespmem:v9+s11+$0x0], $0xffff  }
0x85: {  	s24 =	simm.s32 $0x180;
	s25 =	simm.s32 $0x30;
	v16 =	vadd.s32 $0x2180, v10;
	[tilespmem:s23+$0xF080] =	vst v13;
	v13 =	vor.u32 $0x300, v0  }
0x86: {  	s5 =	sand.u32 $0x70, s25;
	s1 =	sand.u32 $0x1C00, s24;
	v16 =	vand.u32 $0xFFFFFDF8, v16;
	v12 =	vld.idx.msk [tilespmem:v12+s11+$0x0], $0xffff  }
0x87: {  	s24 =	sor.u32 s5, s1;
	[tilespmem:s28+$0xF300] =	vst v7;
	v7 =	vor.u32 v8, v16  }
0x88: {  	[tilespmem:s24+$0xD000] =	vst v14;
	v11 =	vld.idx.msk [tilespmem:v11+s11+$0x0], $0xffff  }
0x89: {  	v14 =	vld.idx.msk [tilespmem:v15+s11+$0x0], $0xffff;
	[tilespmem:s22+$0xD280] =	vst v9;
	v9 =	vadd.s32 $0x4000, v18  }
0x8a: {  	v15 =	vor.u32 $0x100, v3;
	v13 =	vld.idx.msk [tilespmem:v13+s11+$0x0], $0xffff  }
0x8b: {  	[tilespmem:s23+$0xF100] =	vst v12;
	v12 =	vor.u32 $0x380, v0  }
0x8c: {  	v7 =	vld.idx.msk [tilespmem:v7+s11+$0x0], $0xffff  }
0x8d: {  	v16 =	vadd.s32 $0x4080, v20;
	[tilespmem:s28+$0xF380] =	vst v11;
	v11 =	vadd.s32 $0x2200, v4  }
0x8e: {  	[tilespmem:s24+$0xD080] =	vst v14;
	v9 =	vld.idx.msk [tilespmem:v9+s11+$0x0], $0xffff;
	v14 =	vand.u32 $0xFFFFFCF8, v16  }
0x8f: {  	v15 =	vld.idx.msk [tilespmem:v15+s11+$0x0], $0xffff;
	[tilespmem:s22+$0xD300] =	vst v13;
	v13 =	vor.u32 v19, v14  }
0x90: {  	s0 =	sadd.s32 $0x10, s0;
	v14 =	vor.u32 $0x180, v3;
	v12 =	vld.idx.msk [tilespmem:v12+s11+$0x0], $0xffff  }
0x91: {  	v17 =	vadd.s32 $0x2280, v10;
	v16 =	vld [tilespmem:s0+$0x0];
	[tilespmem:s23+$0xF180] =	vst v7;
	v7 =	vadd.s32 $0x2000, v0  }
0x92: {  	v17 =	vand.u32 $0xFFFFFEF8, v17;
	v11 =	vld.idx.msk [tilespmem:v11+s11+$0x0], $0xffff  }
0x93: {  	[tilespmem:s28+$0x11000] =	vst v9;
	v9 =	vor.u32 v8, v17;
	v17 =	vadd.s32 $0x4100, v20  }
0x94: {  	[tilespmem:s24+$0xD100] =	vst v15;
	v13 =	vld.idx.msk [tilespmem:v13+s11+$0x0], $0xffff;
	v15 =	vand.u32 $0xFFFFFD78, v17  }
0x95: {  	v14 =	vld.idx.msk [tilespmem:v14+s11+$0x0], $0xffff;
	[tilespmem:s22+$0xD380] =	vst v12;
	v12 =	vor.u32 v19, v15;
	v15 =	vadd.s32 $0x2080, v2  }
0x96: {  	v17 =	vor.u32 $0x200, v3;
	v21 =	vld.idx.msk [tilespmem:v7+s11+$0x0], $0xffff;
	v7 =	vshll.u32 v16, $0x3;
	v15 =	vand.u32 $0xFFFFFCF8, v15  }
0x97: {  	[tilespmem:s23+$0xF200] =	vst v11;
	v11 =	vand.u32 $0x7F, v16;
	v7 =	vand.u32 $0xFFFFFC00, v7;
	v15 =	vor.u32 v1, v15  }
0x98: {  	v22 =	vld.idx.msk [tilespmem:v9+s11+$0x0], $0xffff;
	v11 =	vor.u32 v11, v7;
	v9 =	vand.u32 $0x7, v16  }
0x99: {  	v16 =	vadd.s32 $0x4180, v20;
	[tilespmem:s28+$0x11080] =	vst v13;
	v7 =	vand.u32 $0xFFFFFC78, v11;
	v13 =	vadd.s32 $0x2300, v4  }
0x9a: {  	[tilespmem:s24+$0xD180] =	vst v14;
	v12 =	vld.idx.msk [tilespmem:v12+s11+$0x0], $0xffff;
	v7 =	vor.u32 v9, v7;
	v14 =	vand.u32 $0xFFFFFDF8, v16  }
0x9b: {  	v16 =	vld.idx.msk [tilespmem:v17+s11+$0x0], $0xffff;
	[tilespmem:s22+$0xF000] =	vst v21;
	v14 =	vor.u32 v19, v14;
	v17 =	vadd.s32 $0x2100, v2  }
0x9c: {  	v21 =	vor.u32 $0x280, v3;
	v15 =	vld.idx.msk [tilespmem:v15+s11+$0x0], $0xffff;
	v17 =	vand.u32 $0xFFFFFD78, v17  }
0x9d: {  	[tilespmem:s23+$0xF280] =	vst v22;
	v17 =	vor.u32 v1, v17  }
0x9e: {  	v13 =	vld.idx.msk [tilespmem:v13+s11+$0x0], $0xffff  }
0x9f: {  	v22 =	vld.idx.msk [tilespmem:v7+s11+$0x0], $0xffff;
	[tilespmem:s28+$0x11100] =	vst v12;
	v12 =	vadd.s32 $0x2380, v4  }
0xa0: {  	[tilespmem:s24+$0xD200] =	vst v16;
	v14 =	vld.idx.msk [tilespmem:v14+s11+$0x0], $0xffff;
	v16 =	vor.u32 $0x80, v7  }
0xa1: {  	s6 =	simm.s32 $0x40;
	s26 =	simm.s32 $0x200;
	v23 =	vadd.s32 $0x2180, v2;
	v21 =	vld.idx.msk [tilespmem:v21+s11+$0x0], $0xffff;
	[tilespmem:s22+$0xF080] =	vst v15;
	v15 =	vadd.s32 $0x4200, v18  }
0xa2: {  	s5 =	sand.u32 $0x70, s6;
	s1 =	sand.u32 $0x1C00, s26;
	v23 =	vand.u32 $0xFFFFFDF8, v23;
	v24 =	vor.u32 $0x300, v3;
	v17 =	vld.idx.msk [tilespmem:v17+s11+$0x0], $0xffff  }
0xa3: {  	s25 =	sor.u32 s5, s1;
	[tilespmem:s23+$0xF300] =	vst v13;
	v13 =	vor.u32 v1, v23  }
0xa4: {  	[tilespmem:s25+$0xD000] =	vst v22;
	v12 =	vld.idx.msk [tilespmem:v12+s11+$0x0], $0xffff  }
0xa5: {  	v22 =	vadd.s32 $0x4280, v20;
	v16 =	vld.idx.msk [tilespmem:v16+s11+$0x0], $0xffff;
	[tilespmem:s28+$0x11180] =	vst v14;
	v14 =	vadd.s32 $0x4000, v4  }
0xa6: {  	v22 =	vand.u32 $0xFFFFFEF8, v22;
	[tilespmem:s24+$0xD280] =	vst v21;
	v15 =	vld.idx.msk [tilespmem:v15+s11+$0x0], $0xffff;
	v21 =	vor.u32 $0x100, v7  }
0xa7: {  	v23 =	vld.idx.msk [tilespmem:v24+s11+$0x0], $0xffff;
	[tilespmem:s22+$0xF100] =	vst v17;
	v17 =	vor.u32 v19, v22  }
0xa8: {  	s0 =	sadd.s32 $0x10, s0;
	v22 =	vor.u32 $0x380, v3;
	v13 =	vld.idx.msk [tilespmem:v13+s11+$0x0], $0xffff  }
0xa9: {  	v25 =	vadd.s32 $0x4080, v10;
	v24 =	vld [tilespmem:s0+$0x0];
	[tilespmem:s23+$0xF380] =	vst v12;
	v12 =	vadd.s32 $0x2200, v0  }
0xaa: {  	[tilespmem:s25+$0xD080] =	vst v16;
	v14 =	vld.idx.msk [tilespmem:v14+s11+$0x0], $0xffff;
	v16 =	vand.u32 $0xFFFFFCF8, v25  }
0xab: {  	v21 =	vld.idx.msk [tilespmem:v21+s11+$0x0], $0xffff;
	[tilespmem:s28+$0x11200] =	vst v15;
	v15 =	vor.u32 v8, v16  }
0xac: {  	[tilespmem:s24+$0xD300] =	vst v23;
	v16 =	vld.idx.msk [tilespmem:v17+s11+$0x0], $0xffff;
	v17 =	vor.u32 $0x180, v7  }
0xad: {  	v23 =	vadd.s32 $0x2280, v2;
	v22 =	vld.idx.msk [tilespmem:v22+s11+$0x0], $0xffff;
	[tilespmem:s22+$0xF180] =	vst v13;
	v13 =	vadd.s32 $0x4300, v18  }
0xae: {  	v25 =	vadd.s32 $0x2000, v3;
	v23 =	vand.u32 $0xFFFFFEF8, v23;
	v12 =	vld.idx.msk [tilespmem:v12+s11+$0x0], $0xffff  }
0xaf: {  	[tilespmem:s23+$0x11000] =	vst v14;
	v14 =	vor.u32 v1, v23;
	v23 =	vadd.s32 $0x4100, v10  }
0xb0: {  	[tilespmem:s25+$0xD100] =	vst v21;
	v15 =	vld.idx.msk [tilespmem:v15+s11+$0x0], $0xffff;
	v21 =	vand.u32 $0xFFFFFD78, v23  }
0xb1: {  	v26 =	vadd.s32 $0x4380, v18;
	v17 =	vld.idx.msk [tilespmem:v17+s11+$0x0], $0xffff;
	[tilespmem:s28+$0x11280] =	vst v16;
	v16 =	vor.u32 v8, v21  }
0xb2: {  	v23 =	vor.u32 $0x200, v7;
	v21 =	vadd.s32 $0x2080, v6;
	[tilespmem:s24+$0xD380] =	vst v22;
	v22 =	vld.idx.msk [tilespmem:v13+s11+$0x0], $0xffff;
	v13 =	vshll.u32 v24, $0x3  }
0xb3: {  	v21 =	vand.u32 $0xFFFFFCF8, v21;
	v25 =	vld.idx.msk [tilespmem:v25+s11+$0x0], $0xffff;
	[tilespmem:s22+$0xF200] =	vst v12;
	v12 =	vand.u32 $0x7F, v24;
	v13 =	vand.u32 $0xFFFFFC00, v13  }
0xb4: {  	v28 =	vadd.s32 $0x4180, v10;
	s0 =	sadd.s32 $0x10, s0;
	v21 =	vor.u32 v5, v21;
	v27 =	vld.idx.msk [tilespmem:v14+s11+$0x0], $0xffff;
	v14 =	vor.u32 v12, v13  }
0xb5: {  	v13 =	vand.u32 $0x7, v24;
	v24 =	vld [tilespmem:s0+$0x0];
	[tilespmem:s23+$0x11080] =	vst v15;
	v12 =	vand.u32 $0xFFFFFC78, v14;
	v15 =	vadd.s32 $0x2300, v0  }
0xb6: {  	[tilespmem:s25+$0xD180] =	vst v17;
	v16 =	vld.idx.msk [tilespmem:v16+s11+$0x0], $0xffff;
	v12 =	vor.u32 v13, v12;
	v17 =	vand.u32 $0xFFFFFDF8, v28  }
0xb7: {  	v23 =	vld.idx.msk [tilespmem:v23+s11+$0x0], $0xffff;
	[tilespmem:s28+$0x11300] =	vst v22;
	v17 =	vor.u32 v8, v17  }
0xb8: {  	[tilespmem:s24+$0xF000] =	vst v25;
	v22 =	vld.idx.msk [tilespmem:v26+s11+$0x0], $0xffff;
	v25 =	vor.u32 $0x280, v7;
	v26 =	vadd.s32 $0x2100, v6  }
0xb9: {  	v21 =	vld.idx.msk [tilespmem:v21+s11+$0x0], $0xffff;
	v26 =	vand.u32 $0xFFFFFD78, v26;
	[tilespmem:s22+$0xF280] =	vst v27;
	v27 =	vadd.s32 $0x6000, v18  }
0xba: {  	v26 =	vor.u32 v5, v26;
	v15 =	vld.idx.msk [tilespmem:v15+s11+$0x0], $0xffff  }
0xbb: {  	v28 =	vld.idx.msk [tilespmem:v12+s11+$0x0], $0xffff;
	[tilespmem:s23+$0x11100] =	vst v16;
	v16 =	vadd.s32 $0x2380, v0  }
0xbc: {  	[tilespmem:s25+$0xD200] =	vst v23;
	v17 =	vld.idx.msk [tilespmem:v17+s11+$0x0], $0xffff;
	v23 =	vor.u32 $0x80, v12  }
0xbd: {  	s21 =	simm.s32 $0x280;
	s26 =	simm.s32 $0x50;
	v29 =	vadd.s32 $0x6080, v20;
	v25 =	vld.idx.msk [tilespmem:v25+s11+$0x0], $0xffff;
	[tilespmem:s28+$0x11380] =	vst v22;
	v22 =	vadd.s32 $0x4200, v4  }
0xbe: {  	s5 =	sand.u32 $0x70, s26;
	s1 =	sand.u32 $0x1C00, s21;
	v29 =	vand.u32 $0xFFFFFCF8, v29;
	v30 =	vadd.s32 $0x2180, v6;
	[tilespmem:s24+$0xF080] =	vst v21;
	v21 =	vld.idx.msk [tilespmem:v27+s11+$0x0], $0xffff;
	v27 =	vor.u32 $0x300, v7  }
0xbf: {  	s26 =	sor.u32 s5, s1;
	v30 =	vand.u32 $0xFFFFFDF8, v30;
	v26 =	vld.idx.msk [tilespmem:v26+s11+$0x0], $0xffff;
	[tilespmem:s22+$0xF300] =	vst v15;
	v15 =	vor.u32 v19, v29  }
0xc0: {  	[tilespmem:s26+$0xD000] =	vst v28;
	v28 =	vor.u32 v5, v30;
	v16 =	vld.idx.msk [tilespmem:v16+s11+$0x0], $0xffff  }
0xc1: {  	v29 =	vadd.s32 $0x4280, v10;
	v23 =	vld.idx.msk [tilespmem:v23+s11+$0x0], $0xffff;
	[tilespmem:s23+$0x11180] =	vst v17;
	v17 =	vadd.s32 $0x4000, v0  }
0xc2: {  	v29 =	vand.u32 $0xFFFFFEF8, v29;
	[tilespmem:s25+$0xD280] =	vst v25;
	v22 =	vld.idx.msk [tilespmem:v22+s11+$0x0], $0xffff;
	v25 =	vor.u32 $0x100, v12  }
0xc3: {  	v27 =	vld.idx.msk [tilespmem:v27+s11+$0x0], $0xffff;
	[tilespmem:s28+$0x13000] =	vst v21;
	v21 =	vor.u32 v8, v29;
	v29 =	vadd.s32 $0x6100, v20  }
0xc4: {  	[tilespmem:s24+$0xF100] =	vst v26;
	v15 =	vld.idx.msk [tilespmem:v15+s11+$0x0], $0xffff;
	v26 =	vor.u32 $0x380, v7;
	v29 =	vand.u32 $0xFFFFFD78, v29  }
0xc5: {  	v28 =	vld.idx.msk [tilespmem:v28+s11+$0x0], $0xffff;
	[tilespmem:s22+$0xF380] =	vst v16;
	v16 =	vor.u32 v19, v29;
	v29 =	vadd.s32 $0x4080, v2  }
0xc6: {  	[tilespmem:s26+$0xD080] =	vst v23;
	v23 =	vadd.s32 $0x2200, v3;
	v17 =	vld.idx.msk [tilespmem:v17+s11+$0x0], $0xffff;
	v29 =	vand.u32 $0xFFFFFCF8, v29  }
0xc7: {  	v25 =	vld.idx.msk [tilespmem:v25+s11+$0x0], $0xffff;
	[tilespmem:s23+$0x11200] =	vst v22;
	v22 =	vor.u32 v1, v29  }
0xc8: {  	[tilespmem:s25+$0xD300] =	vst v27;
	v21 =	vld.idx.msk [tilespmem:v21+s11+$0x0], $0xffff;
	v27 =	vor.u32 $0x180, v12  }
0xc9: {  	v26 =	vld.idx.msk [tilespmem:v26+s11+$0x0], $0xffff;
	[tilespmem:s28+$0x13080] =	vst v15  }
0xca: {  	v29 =	vadd.s32 $0x6180, v20;
	v15 =	vadd.s32 $0x4300, v4;
	[tilespmem:s24+$0xF180] =	vst v28;
	v16 =	vld.idx.msk [tilespmem:v16+s11+$0x0], $0xffff  }
0xcb: {  	v30 =	vadd.s32 $0x2280, v6;
	v29 =	vand.u32 $0xFFFFFDF8, v29;
	v28 =	vadd.s32 $0x2000, v7;
	v23 =	vld.idx.msk [tilespmem:v23+s11+$0x0], $0xffff;
	[tilespmem:s22+$0x11000] =	vst v17  }
0xcc: {  	v30 =	vand.u32 $0xFFFFFEF8, v30;
	v17 =	vor.u32 v19, v29;
	v29 =	vadd.s32 $0x4100, v2;
	[tilespmem:s26+$0xD100] =	vst v25;
	v22 =	vld.idx.msk [tilespmem:v22+s11+$0x0], $0xffff  }
0xcd: {  	s31 =	sadd.s32 $0x10, s0;
	v25 =	vor.u32 v5, v30;
	v29 =	vand.u32 $0xFFFFFD78, v29;
	v27 =	vld.idx.msk [tilespmem:v27+s11+$0x0], $0xffff;
	[tilespmem:s23+$0x11280] =	vst v21  }
0xce: {  	v21 =	vld [tilespmem:s31+$0x0];
	[tilespmem:s25+$0xD380] =	vst v26;
	v26 =	vor.u32 v1, v29  }
0xcf: {  	v30 =	vor.u32 $0x200, v12;
	v29 =	vld.idx.msk [tilespmem:v15+s11+$0x0], $0xffff;
	v15 =	vadd.s32 $0x2080, v11;
	[tilespmem:s28+$0x13100] =	vst v16  }
0xd0: {  	v28 =	vld.idx.msk [tilespmem:v28+s11+$0x0], $0xffff;
	v16 =	vshll.u32 v24, $0x3;
	v15 =	vand.u32 $0xFFFFFCF8, v15;
	[tilespmem:s24+$0xF200] =	vst v23;
	v23 =	vadd.s32 $0x4380, v4  }
0xd1: {  	v31 =	vld.idx.msk [tilespmem:v17+s11+$0x0], $0xffff;
	v17 =	vand.u32 $0x7F, v24;
	v16 =	vand.u32 $0xFFFFFC00, v16;
	v32 =	vor.u32 v9, v15  }
0xd2: {  	v25 =	vld.idx.msk [tilespmem:v25+s11+$0x0], $0xffff;
	v17 =	vor.u32 v17, v16;
	v16 =	vand.u32 $0x7, v24;
	[tilespmem:s22+$0x11080] =	vst v22;
	v22 =	vadd.s32 $0x6200, v18  }
0xd3: {  	v24 =	vadd.s32 $0x2300, v3;
	v15 =	vand.u32 $0xFFFFFC78, v17;
	[tilespmem:s26+$0xD180] =	vst v27;
	v27 =	vadd.s32 $0x4180, v2;
	v26 =	vld.idx.msk [tilespmem:v26+s11+$0x0], $0xffff  }
0xd4: {  	v15 =	vor.u32 v16, v15;
	v30 =	vld.idx.msk [tilespmem:v30+s11+$0x0], $0xffff;
	v27 =	vand.u32 $0xFFFFFDF8, v27;
	[tilespmem:s23+$0x11300] =	vst v29  }
0xd5: {  	[tilespmem:s25+$0xF000] =	vst v28;
	v27 =	vor.u32 v1, v27;
	v23 =	vld.idx.msk [tilespmem:v23+s11+$0x0], $0xffff  }
0xd6: {  	v59 =	vadd.s32 $0x2100, v11;
	v28 =	vor.u32 $0x280, v12;
	v29 =	vld.idx.msk [tilespmem:v32+s11+$0x0], $0xffff;
	[tilespmem:s28+$0x13180] =	vst v31  }
0xd7: {  	v20 =	vadd.s32 $0x6280, v20;
	v31 =	vand.u32 $0xFFFFFD78, v59;
	[tilespmem:s24+$0xF280] =	vst v25;
	v25 =	vadd.s32 $0x6000, v4;
	v22 =	vld.idx.msk [tilespmem:v22+s11+$0x0], $0xffff  }
0xd8: {  	v20 =	vand.u32 $0xFFFFFEF8, v20;
	v31 =	vor.u32 v9, v31;
	v24 =	vld.idx.msk [tilespmem:v24+s11+$0x0], $0xffff  }
0xd9: {  	v19 =	vor.u32 v19, v20;
	v60 =	vld.idx.msk [tilespmem:v15+s11+$0x0], $0xffff;
	[tilespmem:s22+$0x11100] =	vst v26  }
0xda: {  	v20 =	vadd.s32 $0x2380, v3;
	[tilespmem:s26+$0xD200] =	vst v30;
	v26 =	vld.idx.msk [tilespmem:v27+s11+$0x0], $0xffff  }
0xdb: {  	v27 =	vor.u32 $0x80, v15;
	v28 =	vld.idx.msk [tilespmem:v28+s11+$0x0], $0xffff;
	[tilespmem:s23+$0x11380] =	vst v23  }
0xdc: {  	s30 =	simm.s32 $0x60;
	s6 =	simm.s32 $0x300;
	[tilespmem:s25+$0xF080] =	vst v29;
	v23 =	vadd.s32 $0x4200, v0;
	v29 =	vadd.s32 $0x6080, v10;
	v25 =	vld.idx.msk [tilespmem:v25+s11+$0x0], $0xffff  }
0xdd: {  	s21 =	sand.u32 $0x70, s30;
	v33 =	vadd.s32 $0x2180, v11;
	s0 =	sand.u32 $0x1C00, s6;
	v30 =	vor.u32 $0x300, v12;
	v31 =	vld.idx.msk [tilespmem:v31+s11+$0x0], $0xffff;
	v29 =	vand.u32 $0xFFFFFCF8, v29;
	[tilespmem:s28+$0x13200] =	vst v22  }
0xde: {  	s29 =	sor.u32 s21, s0;
	v22 =	vand.u32 $0xFFFFFDF8, v33;
	[tilespmem:s24+$0xF300] =	vst v24;
	v24 =	vor.u32 v8, v29;
	v19 =	vld.idx.msk [tilespmem:v19+s11+$0x0], $0xffff  }
0xdf: {  	v22 =	vor.u32 v9, v22;
	[tilespmem:s29+$0xD000] =	vst v60;
	v20 =	vld.idx.msk [tilespmem:v20+s11+$0x0], $0xffff  }
0xe0: {  	v27 =	vld.idx.msk [tilespmem:v27+s11+$0x0], $0xffff;
	[tilespmem:s22+$0x11180] =	vst v26;
	v26 =	vadd.s32 $0x6300, v18  }
0xe1: {  	v29 =	vadd.s32 $0x4280, v2;
	[tilespmem:s26+$0xD280] =	vst v28;
	v28 =	vadd.s32 $0x4000, v3;
	v23 =	vld.idx.msk [tilespmem:v23+s11+$0x0], $0xffff  }
0xe2: {  	v61 =	vor.u32 $0x100, v15;
	v29 =	vand.u32 $0xFFFFFEF8, v29;
	v30 =	vld.idx.msk [tilespmem:v30+s11+$0x0], $0xffff;
	[tilespmem:s23+$0x13000] =	vst v25  }
0xe3: {  	[tilespmem:s25+$0xF100] =	vst v31;
	v25 =	vor.u32 v1, v29;
	v29 =	vld.idx.msk [tilespmem:v24+s11+$0x0], $0xffff;
	v24 =	vadd.s32 $0x6100, v10  }
0xe4: {  	v31 =	vor.u32 $0x380, v12;
	v22 =	vld.idx.msk [tilespmem:v22+s11+$0x0], $0xffff;
	[tilespmem:s28+$0x13280] =	vst v19;
	v24 =	vand.u32 $0xFFFFFD78, v24  }
0xe5: {  	[tilespmem:s24+$0xF380] =	vst v20;
	v62 =	vor.u32 v8, v24;
	v34 =	vld.idx.msk [tilespmem:v26+s11+$0x0], $0xffff  }
0xe6: {  	v63 =	vadd.s32 $0x6380, v18;
	v18 =	vadd.s32 $0x4080, v6;
	[tilespmem:s29+$0xD080] =	vst v27;
	v27 =	vadd.s32 $0x2200, v7;
	v35 =	vld.idx.msk [tilespmem:v28+s11+$0x0], $0xffff  }
0xe7: {  	v18 =	vand.u32 $0xFFFFFCF8, v18;
	v19 =	vld.idx.msk [tilespmem:v61+s11+$0x0], $0xffff;
	[tilespmem:s22+$0x11200] =	vst v23  }
0xe8: {  	v26 =	vor.u32 v5, v18;
	[tilespmem:s26+$0xD300] =	vst v30;
	v20 =	vld.idx.msk [tilespmem:v25+s11+$0x0], $0xffff  }
0xe9: {  	v28 =	vor.u32 $0x180, v15;
	v24 =	vld.idx.msk [tilespmem:v31+s11+$0x0], $0xffff;
	[tilespmem:s23+$0x13080] =	vst v29  }
0xea: {  	v25 =	vadd.s32 $0x4300, v0;
	[tilespmem:s25+$0xF180] =	vst v22;
	v22 =	vadd.s32 $0x6180, v10;
	v23 =	vld.idx.msk [tilespmem:v62+s11+$0x0], $0xffff  }
0xeb: {  	v29 =	vadd.s32 $0x2000, v12;
	v22 =	vand.u32 $0xFFFFFDF8, v22;
	v18 =	vld.idx.msk [tilespmem:v27+s11+$0x0], $0xffff;
	v27 =	vadd.s32 $0x2280, v11;
	[tilespmem:s28+$0x13300] =	vst v34  }
0xec: {  	s1 =	simm.s32 $0x380;
	s21 =	sshll.u32 s20, $0x1;
	s0 =	simm.s32 $0x400;
	[tilespmem:s24+$0x11000] =	vst v35;
	v30 =	vand.u32 $0xFFFFFEF8, v27;
	v27 =	vor.u32 v8, v22;
	v22 =	vld.idx.msk [tilespmem:v63+s11+$0x0], $0xffff  }
.LBB2_3:
0xed: {  	p1 =	sne.s32 s0, $0x1F80;
	[tilespmem:s29+$0xD100] =	vst v19;
	v19 =	vor.u32 v9, v30;
	v26 =	vld.idx.msk [tilespmem:v26+s11+$0x0], $0xffff;
	v30 =	vadd.s32 $0x4100, v6  }
0xee: {  	v28 =	vld.idx.msk [tilespmem:v28+s11+$0x0], $0xffff;
	v30 =	vand.u32 $0xFFFFFD78, v30;
	[tilespmem:s22+$0x11280] =	vst v20  }
0xef: {  	[tilespmem:s26+$0xD380] =	vst v24;
	v20 =	vor.u32 v5, v30;
	v24 =	vld.idx.msk [tilespmem:v25+s11+$0x0], $0xffff  }
0xf0: {  	v25 =	vor.u32 $0x200, v15;
	v30 =	vadd.s32 $0x2080, v14;
	v29 =	vld.idx.msk [tilespmem:v29+s11+$0x0], $0xffff;
	[tilespmem:s23+$0x13100] =	vst v23  }
0xf1: {  	v23 =	vshll.u32 v21, $0x3;
	v30 =	vand.u32 $0xFFFFFCF8, v30;
	[tilespmem:s25+$0xF200] =	vst v18;
	v18 =	vadd.s32 $0x4380, v0;
	v27 =	vld.idx.msk [tilespmem:v27+s11+$0x0], $0xffff  }
0xf2: {  	v31 =	vand.u32 $0x7F, v21;
	s31 =	sadd.s32 $0x10, s31;
	v23 =	vand.u32 $0xFFFFFC00, v23;
	v30 =	vor.u32 v13, v30;
	v19 =	vld.idx.msk [tilespmem:v19+s11+$0x0], $0xffff;
	[tilespmem:s28+$0x13380] =	vst v22;
	s28 =	smov.u32 s23;
	s23 =	smov.u32 s22  }
0xf3: {  	v22 =	vor.u32 v31, v23;
	v23 =	vand.u32 $0x7, v21;
	s22 =	smov.u32 s24;
	v21 =	vld [tilespmem:s31+$0x0];
	[tilespmem:s24+$0x11080] =	vst v26;
	v26 =	vadd.s32 $0x6200, v4;
	s24 =	smov.u32 s25;
	s25 =	smov.u32 s26  }
0xf4: {  	v32 =	vadd.s32 $0x4180, v6;
	v31 =	vand.u32 $0xFFFFFC78, v22;
	s26 =	smov.u32 s29;
	[tilespmem:s29+$0xD180] =	vst v28;
	v28 =	vadd.s32 $0x2300, v7;
	v20 =	vld.idx.msk [tilespmem:v20+s11+$0x0], $0xffff  }
0xf5: {  	v32 =	vand.u32 $0xFFFFFDF8, v32;
	v31 =	vor.u32 v23, v31;
	v25 =	vld.idx.msk [tilespmem:v25+s11+$0x0], $0xffff;
	[tilespmem:s23+$0x11300] =	vst v24  }
0xf6: {  	v24 =	vor.u32 v5, v32;
	[tilespmem:s25+$0xF000] =	vst v29;
	v18 =	vld.idx.msk [tilespmem:v18+s11+$0x0], $0xffff  }
0xf7: {  	v32 =	vadd.s32 $0x2100, v14;
	v29 =	vor.u32 $0x280, v15;
	v30 =	vld.idx.msk [tilespmem:v30+s11+$0x0], $0xffff;
	[tilespmem:s28+$0x13180] =	vst v27  }
0xf8: {  	v27 =	vand.u32 $0xFFFFFD78, v32;
	v32 =	vadd.s32 $0x6280, v10;
	v10 =	vmovc v2;
	v2 =	vmovc v6;
	[tilespmem:s24+$0xF280] =	vst v19;
	v19 =	vadd.s32 $0x6000, v0;
	v26 =	vld.idx.msk [tilespmem:v26+s11+$0x0], $0xffff  }
0xf9: {  	v6 =	vmovc v11;
	v11 =	vmovc v14;
	v14 =	vmov v17;
	v27 =	vor.u32 v13, v27;
	v32 =	vand.u32 $0xFFFFFEF8, v32;
	v28 =	vld.idx.msk [tilespmem:v28+s11+$0x0], $0xffff  }
0xfa: {  	v17 =	vmovc v22;
	v33 =	vld.idx.msk [tilespmem:v31+s11+$0x0], $0xffff;
	[tilespmem:s22+$0x11100] =	vst v20;
	v20 =	vor.u32 v8, v32;
	v8 =	vmov v1;
	v1 =	vmov v5  }
0xfb: {  	v22 =	vadd.s32 $0x2380, v7;
	v5 =	vmovc v9;
	v9 =	vmovc v13;
	v13 =	vmov v16;
	v16 =	vmov v23;
	[tilespmem:s26+$0xD200] =	vst v25;
	v24 =	vld.idx.msk [tilespmem:v24+s11+$0x0], $0xffff  }
0xfc: {  	v23 =	vor.u32 $0x80, v31;
	v25 =	vld.idx.msk [tilespmem:v29+s11+$0x0], $0xffff;
	[tilespmem:s23+$0x11380] =	vst v18  }
0xfd: {  	s30 =	sadd.s32 $0x10, s30;
	v18 =	vadd.s32 $0x4200, v3;
	v29 =	vadd.s32 $0x6080, v10;
	[tilespmem:s25+$0xF080] =	vst v30;
	v19 =	vld.idx.msk [tilespmem:v19+s11+$0x0], $0xffff  }
0xfe: {  	s6 =	sand.u32 $0x1C00, s1;
	s1 =	smov.u32 s0;
	s5 =	sand.u32 $0x70, s30;
	v32 =	vadd.s32 $0x2180, v11;
	v30 =	vor.u32 $0x300, v15;
	v29 =	vand.u32 $0xFFFFFCF8, v29;
	v27 =	vld.idx.msk [tilespmem:v27+s11+$0x0], $0xffff;
	[tilespmem:s28+$0x13200] =	vst v26  }
0xff: {  	s29 =	sor.u32 s5, s6;
	v26 =	vand.u32 $0xFFFFFDF8, v32;
	[tilespmem:s24+$0xF300] =	vst v28;
	v28 =	vor.u32 v8, v29;
	v20 =	vld.idx.msk [tilespmem:v20+s11+$0x0], $0xffff  }
0x100: {  	v26 =	vor.u32 v9, v26;
	[tilespmem:s29+$0xD000] =	vst v33;
	v22 =	vld.idx.msk [tilespmem:v22+s11+$0x0], $0xffff  }
0x101: {  	v23 =	vld.idx.msk [tilespmem:v23+s11+$0x0], $0xffff;
	[tilespmem:s22+$0x11180] =	vst v24;
	v24 =	vadd.s32 $0x6300, v4  }
0x102: {  	v29 =	vadd.s32 $0x4280, v2;
	[tilespmem:s26+$0xD280] =	vst v25;
	v25 =	vadd.s32 $0x4000, v7;
	v18 =	vld.idx.msk [tilespmem:v18+s11+$0x0], $0xffff  }
0x103: {  	v32 =	vor.u32 $0x100, v31;
	v29 =	vand.u32 $0xFFFFFEF8, v29;
	v30 =	vld.idx.msk [tilespmem:v30+s11+$0x0], $0xffff;
	[tilespmem:s23+$0x13000] =	vst v19  }
0x104: {  	v19 =	vadd.s32 $0x6100, v10;
	[tilespmem:s25+$0xF100] =	vst v27;
	v27 =	vor.u32 v1, v29;
	v29 =	vld.idx.msk [tilespmem:v28+s11+$0x0], $0xffff  }
0x105: {  	v33 =	vor.u32 $0x380, v15;
	v19 =	vand.u32 $0xFFFFFD78, v19;
	v34 =	vld.idx.msk [tilespmem:v26+s11+$0x0], $0xffff;
	[tilespmem:s28+$0x13280] =	vst v20  }
0x106: {  	[tilespmem:s24+$0xF380] =	vst v22;
	v22 =	vor.u32 v8, v19;
	v35 =	vld.idx.msk [tilespmem:v24+s11+$0x0], $0xffff  }
0x107: {  	v36 =	vadd.s32 $0x2200, v12;
	v20 =	vadd.s32 $0x4080, v6;
	[tilespmem:s29+$0xD080] =	vst v23;
	v37 =	vld.idx.msk [tilespmem:v25+s11+$0x0], $0xffff  }
0x108: {  	v20 =	vand.u32 $0xFFFFFCF8, v20;
	v19 =	vld.idx.msk [tilespmem:v32+s11+$0x0], $0xffff;
	[tilespmem:s22+$0x11200] =	vst v18;
	v32 =	vadd.s32 $0x6380, v4;
	v4 =	vmovc v0;
	v0 =	vmovc v3;
	v3 =	vmov v7  }
.Ltmp4:
0x109: {  	v26 =	vor.u32 v5, v20;
	v7 =	vmovc v12;
	v12 =	vmov v15;
	v15 =	vmov v31;
	[tilespmem:s26+$0xD300] =	vst v30;
	v20 =	vld.idx.msk [tilespmem:v27+s11+$0x0], $0xffff;
	(pc) =	sbr.rel @p1 .LBB2_3-.Ltmp4, $4  }
0x10a: {  	v28 =	vor.u32 $0x180, v15;
	v24 =	vld.idx.msk [tilespmem:v33+s11+$0x0], $0xffff;
	[tilespmem:s23+$0x13080] =	vst v29  }
0x10b: {  	v25 =	vadd.s32 $0x4300, v0;
	[tilespmem:s25+$0xF180] =	vst v34;
	v23 =	vld.idx.msk [tilespmem:v22+s11+$0x0], $0xffff;
	v22 =	vadd.s32 $0x6180, v10  }
0x10c: {  	v27 =	vadd.s32 $0x2280, v11;
	v29 =	vadd.s32 $0x2000, v12;
	v18 =	vld.idx.msk [tilespmem:v36+s11+$0x0], $0xffff;
	v22 =	vand.u32 $0xFFFFFDF8, v22;
	[tilespmem:s28+$0x13300] =	vst v35  }
0x10d: {  	s0 =	sadd.s32 $0x80, s0;
	v30 =	vand.u32 $0xFFFFFEF8, v27;
	[tilespmem:s24+$0x11000] =	vst v37;
	v27 =	vor.u32 v8, v22;
	v22 =	vld.idx.msk [tilespmem:v32+s11+$0x0], $0xffff  }
0x10e: {  	_ =	sdelay $0x2  }
0x10f: {  	v31 =	vadd.s32 $0x4100, v6  }
0x110: {  	[tilespmem:s29+$0xD100] =	vst v19;
	v30 =	vor.u32 v9, v30;
	v26 =	vld.idx.msk [tilespmem:v26+s11+$0x0], $0xffff;
	v19 =	vand.u32 $0xFFFFFD78, v31;
	v31 =	vshll.u32 v21, $0x3  }
0x111: {  	[tilespmem:s22+$0x11280] =	vst v20;
	v28 =	vld.idx.msk [tilespmem:v28+s11+$0x0], $0xffff;
	v32 =	vor.u32 v5, v19;
	v19 =	vand.u32 $0x7F, v21;
	v20 =	vand.u32 $0xFFFFFC00, v31  }
0x112: {  	[tilespmem:s26+$0xD380] =	vst v24;
	v24 =	vld.idx.msk [tilespmem:v25+s11+$0x0], $0xffff;
	v25 =	vor.u32 $0x200, v15;
	v20 =	vor.u32 v19, v20  }
0x113: {  	v29 =	vld.idx.msk [tilespmem:v29+s11+$0x0], $0xffff;
	[tilespmem:s23+$0x13100] =	vst v23;
	v23 =	vadd.s32 $0x4380, v0;
	v19 =	vand.u32 $0x7, v21;
	v21 =	vand.u32 $0xFFFFFC78, v20  }
0x114: {  	v31 =	vadd.s32 $0x2080, v14;
	[tilespmem:s25+$0xF200] =	vst v18;
	v27 =	vld.idx.msk [tilespmem:v27+s11+$0x0], $0xffff;
	v18 =	vor.u32 v19, v21  }
0x115: {  	v31 =	vand.u32 $0xFFFFFCF8, v31;
	v30 =	vld.idx.msk [tilespmem:v30+s11+$0x0], $0xffff;
	[tilespmem:s24+$0x11080] =	vst v26  }
0x116: {  	v21 =	vor.u32 v13, v31;
	[tilespmem:s29+$0xD180] =	vst v28;
	v28 =	vld.idx.msk [tilespmem:v32+s11+$0x0], $0xffff  }
0x117: {  	v26 =	vadd.s32 $0x6200, v4;
	[tilespmem:s22+$0x11300] =	vst v24;
	v25 =	vld.idx.msk [tilespmem:v25+s11+$0x0], $0xffff  }
0x118: {  	[tilespmem:s28+$0x13380] =	vst v22;
	v31 =	vadd.s32 $0x2300, v7;
	v22 =	vld.idx.msk [tilespmem:v23+s11+$0x0], $0xffff  }
0x119: {  	[tilespmem:s26+$0xF000] =	vst v29;
	v23 =	vld.idx.msk [tilespmem:v18+s11+$0x0], $0xffff  }
0x11a: {  	[tilespmem:s23+$0x13180] =	vst v27;
	v27 =	vor.u32 $0x80, v18  }
0x11b: {  	s0 =	sadd.s32 $0x10, s30;
	v24 =	vld.idx.msk [tilespmem:v21+s11+$0x0], $0xffff;
	[tilespmem:s25+$0xF280] =	vst v30  }
0x11c: {  	s1 =	sand.u32 $0x1C00, s1;
	s0 =	sand.u32 $0x70, s0;
	v21 =	vld.idx.msk [tilespmem:v26+s11+$0x0], $0xffff;
	[tilespmem:s24+$0x11100] =	vst v28  }
0x11d: {  	s28 =	sor.u32 s0, s1;
	v26 =	vld.idx.msk [tilespmem:v31+s11+$0x0], $0xffff;
	[tilespmem:s29+$0xD200] =	vst v25  }
0x11e: {  	[tilespmem:s28+$0xD000] =	vst v23  }
0x11f: {  	v23 =	vld.idx.msk [tilespmem:v27+s11+$0x0], $0xffff  }
0x120: {  	v25 =	vor.u32 $0x100, v18;
	_ =	sdelay $0x3  }
0x121: {  	[tilespmem:s28+$0xD080] =	vst v23  }
0x122: {  	v23 =	vld.idx.msk [tilespmem:v25+s11+$0x0], $0xffff  }
0x123: {  	v25 =	vor.u32 $0x180, v18;
	_ =	sdelay $0x3  }
0x124: {  	[tilespmem:s28+$0xD100] =	vst v23  }
0x125: {  	v23 =	vld.idx.msk [tilespmem:v25+s11+$0x0], $0xffff  }
0x126: {  	v25 =	vor.u32 $0x200, v18;
	_ =	sdelay $0x3  }
0x127: {  	[tilespmem:s28+$0xD180] =	vst v23  }
0x128: {  	v23 =	vor.u32 $0x280, v15;
	v25 =	vld.idx.msk [tilespmem:v25+s11+$0x0], $0xffff  }
0x129: {  	v27 =	vor.u32 $0x280, v18;
	_ =	sdelay $0x3  }
0x12a: {  	v23 =	vld.idx.msk [tilespmem:v23+s11+$0x0], $0xffff;
	[tilespmem:s28+$0xD200] =	vst v25  }
0x12b: {  	v25 =	vor.u32 $0x300, v15;
	v27 =	vld.idx.msk [tilespmem:v27+s11+$0x0], $0xffff  }
0x12c: {  	v28 =	vor.u32 $0x300, v18;
	_ =	sdelay $0x2  }
0x12d: {  	[tilespmem:s29+$0xD280] =	vst v23  }
0x12e: {  	v23 =	vld.idx.msk [tilespmem:v25+s11+$0x0], $0xffff;
	[tilespmem:s28+$0xD280] =	vst v27  }
0x12f: {  	v25 =	vor.u32 $0x380, v15;
	v27 =	vld.idx.msk [tilespmem:v28+s11+$0x0], $0xffff  }
0x130: {  	v28 =	vor.u32 $0x380, v18;
	_ =	sdelay $0x2  }
0x131: {  	[tilespmem:s29+$0xD300] =	vst v23  }
0x132: {  	v23 =	vld.idx.msk [tilespmem:v25+s11+$0x0], $0xffff;
	[tilespmem:s28+$0xD300] =	vst v27  }
0x133: {  	v25 =	vadd.s32 $0x2000, v15;
	v27 =	vld.idx.msk [tilespmem:v28+s11+$0x0], $0xffff  }
0x134: {  	v28 =	vadd.s32 $0x2000, v18;
	_ =	sdelay $0x2  }
0x135: {  	[tilespmem:s29+$0xD380] =	vst v23;
	v23 =	vadd.s32 $0x2080, v17  }
0x136: {  	v25 =	vld.idx.msk [tilespmem:v25+s11+$0x0], $0xffff;
	v23 =	vand.u32 $0xFFFFFCF8, v23;
	[tilespmem:s28+$0xD380] =	vst v27;
	v27 =	vadd.s32 $0x2080, v20  }
0x137: {  	v23 =	vor.u32 v16, v23;
	v28 =	vld.idx.msk [tilespmem:v28+s11+$0x0], $0xffff;
	v27 =	vand.u32 $0xFFFFFCF8, v27  }
0x138: {  	v27 =	vor.u32 v19, v27;
	_ =	sdelay $0x1  }
0x139: {  	v29 =	vadd.s32 $0x2100, v14  }
0x13a: {  	v29 =	vand.u32 $0xFFFFFD78, v29;
	[tilespmem:s29+$0xF000] =	vst v25;
	v25 =	vadd.s32 $0x2100, v17  }
0x13b: {  	v29 =	vor.u32 v13, v29;
	v23 =	vld.idx.msk [tilespmem:v23+s11+$0x0], $0xffff;
	v25 =	vand.u32 $0xFFFFFD78, v25;
	[tilespmem:s28+$0xF000] =	vst v28;
	v28 =	vadd.s32 $0x2100, v20  }
0x13c: {  	v25 =	vor.u32 v16, v25;
	v27 =	vld.idx.msk [tilespmem:v27+s11+$0x0], $0xffff;
	v28 =	vand.u32 $0xFFFFFD78, v28  }
0x13d: {  	v28 =	vor.u32 v19, v28;
	_ =	sdelay $0x1  }
0x13e: {  	[tilespmem:s26+$0xF080] =	vst v24;
	v24 =	vadd.s32 $0x2180, v14  }
0x13f: {  	v29 =	vld.idx.msk [tilespmem:v29+s11+$0x0], $0xffff;
	v24 =	vand.u32 $0xFFFFFDF8, v24;
	[tilespmem:s29+$0xF080] =	vst v23;
	v23 =	vadd.s32 $0x2180, v17  }
0x140: {  	v24 =	vor.u32 v13, v24;
	v25 =	vld.idx.msk [tilespmem:v25+s11+$0x0], $0xffff;
	v23 =	vand.u32 $0xFFFFFDF8, v23;
	[tilespmem:s28+$0xF080] =	vst v27;
	v27 =	vadd.s32 $0x2180, v20  }
0x141: {  	v23 =	vor.u32 v16, v23;
	v28 =	vld.idx.msk [tilespmem:v28+s11+$0x0], $0xffff;
	v27 =	vand.u32 $0xFFFFFDF8, v27  }
0x142: {  	v27 =	vor.u32 v19, v27;
	_ =	sdelay $0x1  }
0x143: {  	[tilespmem:s26+$0xF100] =	vst v29  }
0x144: {  	v24 =	vld.idx.msk [tilespmem:v24+s11+$0x0], $0xffff;
	[tilespmem:s29+$0xF100] =	vst v25  }
0x145: {  	v25 =	vadd.s32 $0x2200, v12;
	v23 =	vld.idx.msk [tilespmem:v23+s11+$0x0], $0xffff;
	[tilespmem:s28+$0xF100] =	vst v28  }
0x146: {  	v28 =	vadd.s32 $0x2200, v15;
	v27 =	vld.idx.msk [tilespmem:v27+s11+$0x0], $0xffff  }
0x147: {  	v29 =	vadd.s32 $0x2200, v18;
	_ =	sdelay $0x1  }
0x148: {  	[tilespmem:s26+$0xF180] =	vst v24;
	v24 =	vadd.s32 $0x2280, v14  }
0x149: {  	v24 =	vand.u32 $0xFFFFFEF8, v24;
	v25 =	vld.idx.msk [tilespmem:v25+s11+$0x0], $0xffff;
	[tilespmem:s29+$0xF180] =	vst v23;
	v23 =	vadd.s32 $0x2280, v17  }
0x14a: {  	v24 =	vor.u32 v13, v24;
	v28 =	vld.idx.msk [tilespmem:v28+s11+$0x0], $0xffff;
	v23 =	vand.u32 $0xFFFFFEF8, v23;
	[tilespmem:s28+$0xF180] =	vst v27;
	v27 =	vadd.s32 $0x2280, v20  }
0x14b: {  	v23 =	vor.u32 v16, v23;
	v29 =	vld.idx.msk [tilespmem:v29+s11+$0x0], $0xffff;
	v27 =	vand.u32 $0xFFFFFEF8, v27  }
0x14c: {  	v27 =	vor.u32 v19, v27;
	_ =	sdelay $0x1  }
0x14d: {  	[tilespmem:s26+$0xF200] =	vst v25  }
0x14e: {  	v24 =	vld.idx.msk [tilespmem:v24+s11+$0x0], $0xffff;
	[tilespmem:s29+$0xF200] =	vst v28  }
0x14f: {  	v25 =	vadd.s32 $0x2300, v12;
	v23 =	vld.idx.msk [tilespmem:v23+s11+$0x0], $0xffff;
	[tilespmem:s28+$0xF200] =	vst v29  }
0x150: {  	v28 =	vadd.s32 $0x2300, v15;
	v27 =	vld.idx.msk [tilespmem:v27+s11+$0x0], $0xffff  }
0x151: {  	v29 =	vadd.s32 $0x2300, v18;
	_ =	sdelay $0x1  }
0x152: {  	[tilespmem:s26+$0xF280] =	vst v24  }
0x153: {  	v24 =	vadd.s32 $0x2380, v7;
	v25 =	vld.idx.msk [tilespmem:v25+s11+$0x0], $0xffff;
	[tilespmem:s29+$0xF280] =	vst v23  }
0x154: {  	v23 =	vadd.s32 $0x2380, v12;
	v28 =	vld.idx.msk [tilespmem:v28+s11+$0x0], $0xffff;
	[tilespmem:s28+$0xF280] =	vst v27  }
0x155: {  	v27 =	vadd.s32 $0x2380, v15;
	v29 =	vld.idx.msk [tilespmem:v29+s11+$0x0], $0xffff  }
0x156: {  	v30 =	vadd.s32 $0x2380, v18  }
0x157: {  	[tilespmem:s25+$0xF300] =	vst v26  }
0x158: {  	v24 =	vld.idx.msk [tilespmem:v24+s11+$0x0], $0xffff;
	[tilespmem:s26+$0xF300] =	vst v25  }
0x159: {  	v25 =	vadd.s32 $0x4000, v7;
	v23 =	vld.idx.msk [tilespmem:v23+s11+$0x0], $0xffff;
	[tilespmem:s29+$0xF300] =	vst v28  }
0x15a: {  	v26 =	vadd.s32 $0x4000, v12;
	v27 =	vld.idx.msk [tilespmem:v27+s11+$0x0], $0xffff;
	[tilespmem:s28+$0xF300] =	vst v29  }
0x15b: {  	v28 =	vadd.s32 $0x4000, v15;
	v29 =	vld.idx.msk [tilespmem:v30+s11+$0x0], $0xffff  }
0x15c: {  	v30 =	vadd.s32 $0x4000, v18  }
0x15d: {  	[tilespmem:s25+$0xF380] =	vst v24;
	v24 =	vadd.s32 $0x4080, v11  }
0x15e: {  	v25 =	vld.idx.msk [tilespmem:v25+s11+$0x0], $0xffff;
	v24 =	vand.u32 $0xFFFFFCF8, v24;
	[tilespmem:s26+$0xF380] =	vst v23;
	v23 =	vadd.s32 $0x4080, v14  }
0x15f: {  	v24 =	vor.u32 v9, v24;
	v26 =	vld.idx.msk [tilespmem:v26+s11+$0x0], $0xffff;
	v23 =	vand.u32 $0xFFFFFCF8, v23;
	[tilespmem:s29+$0xF380] =	vst v27;
	v27 =	vadd.s32 $0x4080, v17  }
0x160: {  	v23 =	vor.u32 v13, v23;
	v28 =	vld.idx.msk [tilespmem:v28+s11+$0x0], $0xffff;
	v27 =	vand.u32 $0xFFFFFCF8, v27;
	[tilespmem:s28+$0xF380] =	vst v29;
	v29 =	vadd.s32 $0x4080, v20  }
0x161: {  	v27 =	vor.u32 v16, v27;
	v30 =	vld.idx.msk [tilespmem:v30+s11+$0x0], $0xffff;
	v29 =	vand.u32 $0xFFFFFCF8, v29  }
0x162: {  	v29 =	vor.u32 v19, v29  }
0x163: {  	[tilespmem:s25+$0x11000] =	vst v25;
	v25 =	vadd.s32 $0x4100, v11  }
0x164: {  	v24 =	vld.idx.msk [tilespmem:v24+s11+$0x0], $0xffff;
	v25 =	vand.u32 $0xFFFFFD78, v25;
	[tilespmem:s26+$0x11000] =	vst v26;
	v26 =	vadd.s32 $0x4100, v14  }
0x165: {  	v25 =	vor.u32 v9, v25;
	v23 =	vld.idx.msk [tilespmem:v23+s11+$0x0], $0xffff;
	v26 =	vand.u32 $0xFFFFFD78, v26;
	[tilespmem:s29+$0x11000] =	vst v28;
	v28 =	vadd.s32 $0x4100, v17  }
0x166: {  	v26 =	vor.u32 v13, v26;
	v27 =	vld.idx.msk [tilespmem:v27+s11+$0x0], $0xffff;
	v28 =	vand.u32 $0xFFFFFD78, v28;
	[tilespmem:s28+$0x11000] =	vst v30;
	v30 =	vadd.s32 $0x4100, v20  }
0x167: {  	v28 =	vor.u32 v16, v28;
	v29 =	vld.idx.msk [tilespmem:v29+s11+$0x0], $0xffff;
	v30 =	vand.u32 $0xFFFFFD78, v30  }
0x168: {  	v31 =	vadd.s32 $0x4180, v6;
	v30 =	vor.u32 v19, v30  }
0x169: {  	v31 =	vand.u32 $0xFFFFFDF8, v31;
	[tilespmem:s25+$0x11080] =	vst v24;
	v24 =	vadd.s32 $0x4180, v11  }
0x16a: {  	v31 =	vor.u32 v5, v31;
	v25 =	vld.idx.msk [tilespmem:v25+s11+$0x0], $0xffff;
	v24 =	vand.u32 $0xFFFFFDF8, v24;
	[tilespmem:s26+$0x11080] =	vst v23;
	v23 =	vadd.s32 $0x4180, v14  }
0x16b: {  	v24 =	vor.u32 v9, v24;
	v26 =	vld.idx.msk [tilespmem:v26+s11+$0x0], $0xffff;
	v23 =	vand.u32 $0xFFFFFDF8, v23;
	[tilespmem:s29+$0x11080] =	vst v27;
	v27 =	vadd.s32 $0x4180, v17  }
0x16c: {  	v23 =	vor.u32 v13, v23;
	v28 =	vld.idx.msk [tilespmem:v28+s11+$0x0], $0xffff;
	v27 =	vand.u32 $0xFFFFFDF8, v27;
	[tilespmem:s28+$0x11080] =	vst v29;
	v29 =	vadd.s32 $0x4180, v20  }
0x16d: {  	v27 =	vor.u32 v16, v27;
	v30 =	vld.idx.msk [tilespmem:v30+s11+$0x0], $0xffff;
	v29 =	vand.u32 $0xFFFFFDF8, v29  }
0x16e: {  	v29 =	vor.u32 v19, v29  }
0x16f: {  	v31 =	vld.idx.msk [tilespmem:v31+s11+$0x0], $0xffff;
	[tilespmem:s25+$0x11100] =	vst v25  }
0x170: {  	v25 =	vadd.s32 $0x4200, v3;
	v24 =	vld.idx.msk [tilespmem:v24+s11+$0x0], $0xffff;
	[tilespmem:s26+$0x11100] =	vst v26  }
0x171: {  	v26 =	vadd.s32 $0x4200, v7;
	v23 =	vld.idx.msk [tilespmem:v23+s11+$0x0], $0xffff;
	[tilespmem:s29+$0x11100] =	vst v28  }
0x172: {  	v28 =	vadd.s32 $0x4200, v12;
	v27 =	vld.idx.msk [tilespmem:v27+s11+$0x0], $0xffff;
	[tilespmem:s28+$0x11100] =	vst v30  }
0x173: {  	v10 =	vadd.s32 $0x6280, v10;
	[tilespmem:s22+$0x11380] =	vst v22;
	v22 =	vadd.s32 $0x4200, v15;
	v29 =	vld.idx.msk [tilespmem:v29+s11+$0x0], $0xffff  }
0x174: {  	v10 =	vand.u32 $0xFFFFFEF8, v10;
	[tilespmem:s24+$0x11180] =	vst v31;
	v31 =	vadd.s32 $0x4200, v18;
	v30 =	vadd.s32 $0x4280, v6  }
0x175: {  	v8 =	vor.u32 v8, v10;
	v25 =	vld.idx.msk [tilespmem:v25+s11+$0x0], $0xffff;
	[tilespmem:s25+$0x11180] =	vst v24;
	v24 =	vadd.s32 $0x4280, v11;
	v30 =	vand.u32 $0xFFFFFEF8, v30  }
0x176: {  	v26 =	vld.idx.msk [tilespmem:v26+s11+$0x0], $0xffff;
	v24 =	vand.u32 $0xFFFFFEF8, v24;
	v30 =	vor.u32 v5, v30;
	[tilespmem:s26+$0x11180] =	vst v23;
	v23 =	vadd.s32 $0x4280, v14  }
0x177: {  	v24 =	vor.u32 v9, v24;
	v28 =	vld.idx.msk [tilespmem:v28+s11+$0x0], $0xffff;
	v23 =	vand.u32 $0xFFFFFEF8, v23;
	[tilespmem:s29+$0x11180] =	vst v27;
	v27 =	vadd.s32 $0x4280, v17  }
0x178: {  	v23 =	vor.u32 v13, v23;
	v22 =	vld.idx.msk [tilespmem:v22+s11+$0x0], $0xffff;
	v27 =	vand.u32 $0xFFFFFEF8, v27;
	[tilespmem:s28+$0x11180] =	vst v29;
	v29 =	vadd.s32 $0x4280, v20  }
0x179: {  	[tilespmem:s23+$0x13200] =	vst v21;
	v21 =	vor.u32 v16, v27;
	v27 =	vld.idx.msk [tilespmem:v31+s11+$0x0], $0xffff;
	v29 =	vand.u32 $0xFFFFFEF8, v29  }
0x17a: {  	v8 =	vld.idx.msk [tilespmem:v8+s11+$0x0], $0xffff;
	[tilespmem:s24+$0x11200] =	vst v25;
	v25 =	vor.u32 v19, v29  }
0x17b: {  	v59 =	vadd.s32 $0x6000, v0;
	[tilespmem:s25+$0x11200] =	vst v26;
	v10 =	vld.idx.msk [tilespmem:v30+s11+$0x0], $0xffff  }
0x17c: {  	v26 =	vadd.s32 $0x4300, v3;
	v24 =	vld.idx.msk [tilespmem:v24+s11+$0x0], $0xffff;
	[tilespmem:s26+$0x11200] =	vst v28  }
0x17d: {  	v28 =	vadd.s32 $0x4300, v7;
	v23 =	vld.idx.msk [tilespmem:v23+s11+$0x0], $0xffff;
	[tilespmem:s29+$0x11200] =	vst v22  }
0x17e: {  	v22 =	vadd.s32 $0x4300, v12;
	v21 =	vld.idx.msk [tilespmem:v21+s11+$0x0], $0xffff;
	[tilespmem:s28+$0x11200] =	vst v27  }
0x17f: {  	[tilespmem:s23+$0x13280] =	vst v8;
	v29 =	vadd.s32 $0x4300, v15;
	v27 =	vadd.s32 $0x6080, v2;
	v25 =	vld.idx.msk [tilespmem:v25+s11+$0x0], $0xffff  }
0x180: {  	v31 =	vld.idx.msk [tilespmem:v59+s11+$0x0], $0xffff;
	[tilespmem:s24+$0x11280] =	vst v10;
	v10 =	vadd.s32 $0x4300, v18;
	v27 =	vand.u32 $0xFFFFFCF8, v27  }
0x181: {  	[tilespmem:s25+$0x11280] =	vst v24;
	v26 =	vld.idx.msk [tilespmem:v26+s11+$0x0], $0xffff;
	v27 =	vor.u32 v1, v27  }
0x182: {  	v24 =	vadd.s32 $0x4380, v3;
	v28 =	vld.idx.msk [tilespmem:v28+s11+$0x0], $0xffff;
	[tilespmem:s26+$0x11280] =	vst v23  }
0x183: {  	v23 =	vadd.s32 $0x4380, v7;
	v22 =	vld.idx.msk [tilespmem:v22+s11+$0x0], $0xffff;
	[tilespmem:s29+$0x11280] =	vst v21  }
0x184: {  	v21 =	vadd.s32 $0x4380, v12;
	v29 =	vld.idx.msk [tilespmem:v29+s11+$0x0], $0xffff;
	[tilespmem:s28+$0x11280] =	vst v25  }
0x185: {  	v8 =	vadd.s32 $0x4380, v15;
	[tilespmem:s22+$0x13000] =	vst v31;
	v10 =	vld.idx.msk [tilespmem:v10+s11+$0x0], $0xffff  }
0x186: {  	[tilespmem:s24+$0x11300] =	vst v26;
	v26 =	vadd.s32 $0x4380, v18;
	v25 =	vld.idx.msk [tilespmem:v27+s11+$0x0], $0xffff  }
0x187: {  	[tilespmem:s25+$0x11300] =	vst v28;
	v27 =	vadd.s32 $0x6300, v4;
	v24 =	vld.idx.msk [tilespmem:v24+s11+$0x0], $0xffff  }
0x188: {  	v28 =	vadd.s32 $0x6000, v3;
	v23 =	vld.idx.msk [tilespmem:v23+s11+$0x0], $0xffff;
	[tilespmem:s26+$0x11300] =	vst v22  }
0x189: {  	v22 =	vadd.s32 $0x6000, v7;
	v21 =	vld.idx.msk [tilespmem:v21+s11+$0x0], $0xffff;
	[tilespmem:s29+$0x11300] =	vst v29  }
0x18a: {  	v29 =	vadd.s32 $0x6000, v12;
	v8 =	vld.idx.msk [tilespmem:v8+s11+$0x0], $0xffff;
	[tilespmem:s28+$0x11300] =	vst v10  }
0x18b: {  	v10 =	vadd.s32 $0x6100, v2;
	[tilespmem:s22+$0x13080] =	vst v25;
	v25 =	vadd.s32 $0x6000, v15;
	v26 =	vld.idx.msk [tilespmem:v26+s11+$0x0], $0xffff  }
0x18c: {  	v30 =	vadd.s32 $0x6000, v18;
	v27 =	vld.idx.msk [tilespmem:v27+s11+$0x0], $0xffff;
	[tilespmem:s24+$0x11380] =	vst v24;
	v24 =	vadd.s32 $0x6080, v6;
	v10 =	vand.u32 $0xFFFFFD78, v10  }
0x18d: {  	[tilespmem:s25+$0x11380] =	vst v23;
	v23 =	vadd.s32 $0x6080, v11;
	v28 =	vld.idx.msk [tilespmem:v28+s11+$0x0], $0xffff;
	v24 =	vand.u32 $0xFFFFFCF8, v24;
	v10 =	vor.u32 v1, v10  }
0x18e: {  	v22 =	vld.idx.msk [tilespmem:v22+s11+$0x0], $0xffff;
	v23 =	vand.u32 $0xFFFFFCF8, v23;
	v24 =	vor.u32 v5, v24;
	[tilespmem:s26+$0x11380] =	vst v21;
	v21 =	vadd.s32 $0x6080, v14  }
0x18f: {  	v23 =	vor.u32 v9, v23;
	v29 =	vld.idx.msk [tilespmem:v29+s11+$0x0], $0xffff;
	v21 =	vand.u32 $0xFFFFFCF8, v21;
	[tilespmem:s29+$0x11380] =	vst v8;
	v8 =	vadd.s32 $0x6080, v17  }
0x190: {  	v21 =	vor.u32 v13, v21;
	v25 =	vld.idx.msk [tilespmem:v25+s11+$0x0], $0xffff;
	v8 =	vand.u32 $0xFFFFFCF8, v8;
	[tilespmem:s28+$0x11380] =	vst v26;
	v26 =	vadd.s32 $0x6080, v20  }
0x191: {  	[tilespmem:s23+$0x13300] =	vst v27;
	v8 =	vor.u32 v16, v8;
	v27 =	vld.idx.msk [tilespmem:v30+s11+$0x0], $0xffff;
	v26 =	vand.u32 $0xFFFFFCF8, v26  }
0x192: {  	[tilespmem:s24+$0x13000] =	vst v28;
	v28 =	vadd.s32 $0x6100, v6;
	v10 =	vld.idx.msk [tilespmem:v10+s11+$0x0], $0xffff;
	v26 =	vor.u32 v19, v26  }
0x193: {  	v4 =	vadd.s32 $0x6380, v4;
	[tilespmem:s25+$0x13000] =	vst v22;
	v22 =	vadd.s32 $0x6100, v11;
	v24 =	vld.idx.msk [tilespmem:v24+s11+$0x0], $0xffff;
	v28 =	vand.u32 $0xFFFFFD78, v28  }
0x194: {  	v23 =	vld.idx.msk [tilespmem:v23+s11+$0x0], $0xffff;
	v22 =	vand.u32 $0xFFFFFD78, v22;
	v28 =	vor.u32 v5, v28;
	[tilespmem:s26+$0x13000] =	vst v29;
	v29 =	vadd.s32 $0x6100, v14  }
0x195: {  	v22 =	vor.u32 v9, v22;
	v21 =	vld.idx.msk [tilespmem:v21+s11+$0x0], $0xffff;
	v29 =	vand.u32 $0xFFFFFD78, v29;
	[tilespmem:s29+$0x13000] =	vst v25;
	v25 =	vadd.s32 $0x6100, v17  }
0x196: {  	v29 =	vor.u32 v13, v29;
	v8 =	vld.idx.msk [tilespmem:v8+s11+$0x0], $0xffff;
	v25 =	vand.u32 $0xFFFFFD78, v25;
	[tilespmem:s28+$0x13000] =	vst v27;
	v27 =	vadd.s32 $0x6100, v20  }
0x197: {  	v30 =	vadd.s32 $0x6180, v2;
	[tilespmem:s22+$0x13100] =	vst v10;
	v10 =	vor.u32 v16, v25;
	v25 =	vld.idx.msk [tilespmem:v26+s11+$0x0], $0xffff;
	v26 =	vand.u32 $0xFFFFFD78, v27  }
0x198: {  	v4 =	vld.idx.msk [tilespmem:v4+s11+$0x0], $0xffff;
	[tilespmem:s24+$0x13080] =	vst v24;
	v24 =	vadd.s32 $0x6180, v6;
	v27 =	vand.u32 $0xFFFFFDF8, v30;
	v26 =	vor.u32 v19, v26  }
0x199: {  	[tilespmem:s25+$0x13080] =	vst v23;
	v23 =	vadd.s32 $0x6180, v11;
	v28 =	vld.idx.msk [tilespmem:v28+s11+$0x0], $0xffff;
	v24 =	vand.u32 $0xFFFFFDF8, v24;
	v27 =	vor.u32 v1, v27  }
0x19a: {  	v22 =	vld.idx.msk [tilespmem:v22+s11+$0x0], $0xffff;
	v23 =	vand.u32 $0xFFFFFDF8, v23;
	v24 =	vor.u32 v5, v24;
	[tilespmem:s26+$0x13080] =	vst v21;
	v21 =	vadd.s32 $0x6180, v14  }
0x19b: {  	v23 =	vor.u32 v9, v23;
	v29 =	vld.idx.msk [tilespmem:v29+s11+$0x0], $0xffff;
	v21 =	vand.u32 $0xFFFFFDF8, v21;
	[tilespmem:s29+$0x13080] =	vst v8;
	v8 =	vadd.s32 $0x6180, v17  }
0x19c: {  	v21 =	vor.u32 v13, v21;
	v10 =	vld.idx.msk [tilespmem:v10+s11+$0x0], $0xffff;
	v8 =	vand.u32 $0xFFFFFDF8, v8;
	[tilespmem:s28+$0x13080] =	vst v25;
	v25 =	vadd.s32 $0x6180, v20  }
0x19d: {  	[tilespmem:s23+$0x13380] =	vst v4;
	v4 =	vor.u32 v16, v8;
	v8 =	vld.idx.msk [tilespmem:v26+s11+$0x0], $0xffff;
	v25 =	vand.u32 $0xFFFFFDF8, v25  }
0x19e: {  	[tilespmem:s24+$0x13100] =	vst v28;
	v26 =	vld.idx.msk [tilespmem:v27+s11+$0x0], $0xffff;
	v25 =	vor.u32 v19, v25  }
0x19f: {  	[tilespmem:s25+$0x13100] =	vst v22;
	v27 =	vadd.s32 $0x6200, v0;
	v24 =	vld.idx.msk [tilespmem:v24+s11+$0x0], $0xffff  }
0x1a0: {  	v22 =	vadd.s32 $0x6200, v3;
	v23 =	vld.idx.msk [tilespmem:v23+s11+$0x0], $0xffff;
	[tilespmem:s26+$0x13100] =	vst v29  }
0x1a1: {  	v28 =	vadd.s32 $0x6200, v7;
	v21 =	vld.idx.msk [tilespmem:v21+s11+$0x0], $0xffff;
	[tilespmem:s29+$0x13100] =	vst v10  }
0x1a2: {  	v10 =	vadd.s32 $0x6200, v12;
	v4 =	vld.idx.msk [tilespmem:v4+s11+$0x0], $0xffff;
	[tilespmem:s28+$0x13100] =	vst v8  }
0x1a3: {  	v2 =	vadd.s32 $0x6280, v2;
	[tilespmem:s22+$0x13180] =	vst v26;
	v8 =	vadd.s32 $0x6200, v15;
	v25 =	vld.idx.msk [tilespmem:v25+s11+$0x0], $0xffff  }
0x1a4: {  	v2 =	vand.u32 $0xFFFFFEF8, v2;
	v6 =	vadd.s32 $0x6280, v6;
	[tilespmem:s24+$0x13180] =	vst v24;
	v24 =	vadd.s32 $0x6200, v18;
	v26 =	vld.idx.msk [tilespmem:v27+s11+$0x0], $0xffff  }
0x1a5: {  	v11 =	vadd.s32 $0x6280, v11;
	v6 =	vand.u32 $0xFFFFFEF8, v6;
	v1 =	vor.u32 v1, v2;
	[tilespmem:s25+$0x13180] =	vst v23;
	v2 =	vld.idx.msk [tilespmem:v22+s11+$0x0], $0xffff  }
0x1a6: {  	v11 =	vand.u32 $0xFFFFFEF8, v11;
	v5 =	vor.u32 v5, v6;
	v14 =	vadd.s32 $0x6280, v14;
	v6 =	vld.idx.msk [tilespmem:v28+s11+$0x0], $0xffff;
	[tilespmem:s26+$0x13180] =	vst v21  }
0x1a7: {  	v9 =	vor.u32 v9, v11;
	v11 =	vand.u32 $0xFFFFFEF8, v14;
	v10 =	vld.idx.msk [tilespmem:v10+s11+$0x0], $0xffff;
	[tilespmem:s29+$0x13180] =	vst v4;
	v4 =	vadd.s32 $0x6280, v17  }
0x1a8: {  	v11 =	vor.u32 v13, v11;
	v13 =	vadd.s32 $0x6280, v20;
	v8 =	vld.idx.msk [tilespmem:v8+s11+$0x0], $0xffff;
	v4 =	vand.u32 $0xFFFFFEF8, v4;
	[tilespmem:s28+$0x13180] =	vst v25  }
0x1a9: {  	v13 =	vand.u32 $0xFFFFFEF8, v13;
	[tilespmem:s22+$0x13200] =	vst v26;
	v4 =	vor.u32 v16, v4;
	v14 =	vld.idx.msk [tilespmem:v24+s11+$0x0], $0xffff  }
0x1aa: {  	[tilespmem:s24+$0x13200] =	vst v2;
	v2 =	vor.u32 v19, v13;
	v1 =	vld.idx.msk [tilespmem:v1+s11+$0x0], $0xffff  }
0x1ab: {  	v13 =	vadd.s32 $0x6300, v0;
	[tilespmem:s25+$0x13200] =	vst v6;
	v5 =	vld.idx.msk [tilespmem:v5+s11+$0x0], $0xffff  }
0x1ac: {  	v6 =	vadd.s32 $0x6300, v3;
	v9 =	vld.idx.msk [tilespmem:v9+s11+$0x0], $0xffff;
	[tilespmem:s26+$0x13200] =	vst v10  }
0x1ad: {  	v10 =	vadd.s32 $0x6300, v7;
	v11 =	vld.idx.msk [tilespmem:v11+s11+$0x0], $0xffff;
	[tilespmem:s29+$0x13200] =	vst v8  }
0x1ae: {  	v8 =	vadd.s32 $0x6300, v12;
	v4 =	vld.idx.msk [tilespmem:v4+s11+$0x0], $0xffff;
	[tilespmem:s28+$0x13200] =	vst v14  }
0x1af: {  	[tilespmem:s22+$0x13280] =	vst v1;
	v1 =	vadd.s32 $0x6300, v15;
	v2 =	vld.idx.msk [tilespmem:v2+s11+$0x0], $0xffff  }
0x1b0: {  	[tilespmem:s24+$0x13280] =	vst v5;
	v5 =	vadd.s32 $0x6300, v18;
	v13 =	vld.idx.msk [tilespmem:v13+s11+$0x0], $0xffff  }
0x1b1: {  	v0 =	vadd.s32 $0x6380, v0;
	[tilespmem:s25+$0x13280] =	vst v9;
	v6 =	vld.idx.msk [tilespmem:v6+s11+$0x0], $0xffff  }
0x1b2: {  	v3 =	vadd.s32 $0x6380, v3;
	v9 =	vld.idx.msk [tilespmem:v10+s11+$0x0], $0xffff;
	[tilespmem:s26+$0x13280] =	vst v11  }
0x1b3: {  	v7 =	vadd.s32 $0x6380, v7;
	v8 =	vld.idx.msk [tilespmem:v8+s11+$0x0], $0xffff;
	[tilespmem:s29+$0x13280] =	vst v4  }
0x1b4: {  	v4 =	vadd.s32 $0x6380, v12;
	v1 =	vld.idx.msk [tilespmem:v1+s11+$0x0], $0xffff;
	[tilespmem:s28+$0x13280] =	vst v2  }
0x1b5: {  	[tilespmem:s22+$0x13300] =	vst v13;
	v2 =	vadd.s32 $0x6380, v15;
	v5 =	vld.idx.msk [tilespmem:v5+s11+$0x0], $0xffff  }
0x1b6: {  	[tilespmem:s24+$0x13300] =	vst v6;
	v6 =	vadd.s32 $0x6380, v18;
	v0 =	vld.idx.msk [tilespmem:v0+s11+$0x0], $0xffff  }
0x1b7: {  	[tilespmem:s25+$0x13300] =	vst v9;
	v3 =	vld.idx.msk [tilespmem:v3+s11+$0x0], $0xffff  }
0x1b8: {  	v7 =	vld.idx.msk [tilespmem:v7+s11+$0x0], $0xffff;
	[tilespmem:s26+$0x13300] =	vst v8  }
0x1b9: {  	v4 =	vld.idx.msk [tilespmem:v4+s11+$0x0], $0xffff;
	[tilespmem:s29+$0x13300] =	vst v1  }
0x1ba: {  	v1 =	vld.idx.msk [tilespmem:v2+s11+$0x0], $0xffff;
	[tilespmem:s28+$0x13300] =	vst v5  }
0x1bb: {  	[tilespmem:s22+$0x13380] =	vst v0;
	v0 =	vld.idx.msk [tilespmem:v6+s11+$0x0], $0xffff  }
0x1bc: {  	[tilespmem:s24+$0x13380] =	vst v3  }
0x1bd: {  	s0 =	sshll.u32 @p0 s20, $0xE;
	[tilespmem:s25+$0x13380] =	vst v7  }
0x1be: {  	p1 =	seq.s32 @p0 s20, $0x0;
	s0 =	sadd.s32 @p0 s7, s0;
	[tilespmem:s26+$0x13380] =	vst v4  }
0x1bf: {  	s5 =	simm.s32 @p0 $0x28000;
	s6 =	simm.s32 @p0 $0xD000;
	s0 =	sshrl.u32 @p0 s0, $0x3;
	[tilespmem:s29+$0x13380] =	vst v1  }
0x1c0: {  	p1 =	por p1, !p0;
	s1 =	simm.s32 @p0 $0x2000;
	s0 =	sadd.s32 @p0 s2, s0;
	[tilespmem:s28+$0x13380] =	vst v0  }
0x1c1: {  	[hbm4b:s0+s1] =	stream.strided.scatter @p0 [tilespmem:s6], [sflag:$0x1], $0x8000, s5, s1, $0x38;
	[tilespmem:$0x1D000] =	vst v63  }
0x1c2: {  	s0 =	simm.s32 @!p1 $0x2  }
0x1c3: {  	_ =	swait.ge @!p1 [sflag:s0], $0x8000  }
0x1c4: {  	s1 =	simm.s32 @!p0 $0x0;
	[sflag:s0] =	ssyncset.done @!p1 $0x0  }
0x1c5: {  	[sflag:s0] =	ssyncadd.s32 @!p1 $0xFFFF8000;
	p1 =	seq.s32 @!p0 s20, $0x0;
	s0 =	sshll.u32 @!p0 s20, $0xB  }
0x1c6: {  	s5 =	simm.s32 @!p0 $0xD000;
	s0 =	sadd.s32 @!p0 s0, s8;
	p1 =	por p1, p0  }
0x1c7: {  	[hbm4b:s0+s1] =	stream.linear.scatter @!p0 [tilespmem:s5], [sflag:$0x1], $0x2000, $0x38;
	[tilespmem:$0x1D000] =	vst v63  }
0x1c8: {  	s0 =	simm.s32 @!p1 $0x2  }
0x1c9: {  	_ =	swait.ge @!p1 [sflag:s0], $0x2000  }
0x1ca: {  	[sflag:s0] =	ssyncset.done @!p1 $0x0  }
0x1cb: {  	[sflag:s0] =	ssyncadd.s32 @!p1 $0xFFFFE000  }
0x1cc: {  	v0 =	vld [tilespmem:s18+$0x0];
	_ =	sdelay $0x4  }
0x1cd: {  	v1 =	vshll.u32 v0, $0x3  }
0x1ce: {  	v2 =	vand.u32 $0x7F, v0;
	v1 =	vand.u32 $0xFFFFFC00, v1  }
0x1cf: {  	v20 =	vor.u32 v2, v1  }
0x1d0: {  	v19 =	vand.u32 $0x7, v0;
	v0 =	vand.u32 $0xFFFFFC78, v20  }
0x1d1: {  	v18 =	vor.u32 v19, v0;
	_ =	sdelay $0x4  }
0x1d2: {  	v0 =	vld.idx.msk [tilespmem:v18+s11+$0x0], $0xffff  }
0x1d3: {  	v1 =	vor.u32 $0x80, v18  }
0x1d4: {  	s5 =	simm.s32 $0x0  }
0x1d5: {  	s6 =	sand.u32 $0x70, s5;
	s0 =	sand.u32 $0x1C00, s5  }
0x1d6: {  	s26 =	sor.u32 s6, s0  }
0x1d7: {  	[tilespmem:s26+$0x15000] =	vst v0  }
0x1d8: {  	v0 =	vld.idx.msk [tilespmem:v1+s11+$0x0], $0xffff  }
0x1d9: {  	v1 =	vor.u32 $0x100, v18;
	_ =	sdelay $0x2  }
0x1da: {  	s0 =	sadd.s32 $0x15000, s26  }
0x1db: {  	[tilespmem:s0+$0x80] =	vst v0  }
0x1dc: {  	v0 =	vld.idx.msk [tilespmem:v1+s11+$0x0], $0xffff  }
0x1dd: {  	s22 =	sadd.s32 $0x10, s18;
	v1 =	vor.u32 $0x180, v18  }
0x1de: {  	v2 =	vld [tilespmem:s22+$0x0];
	_ =	sdelay $0x2  }
0x1df: {  	[tilespmem:s0+$0x100] =	vst v0  }
0x1e0: {  	v0 =	vld.idx.msk [tilespmem:v1+s11+$0x0], $0xffff  }
0x1e1: {  	v3 =	vshll.u32 v2, $0x3;
	v1 =	vor.u32 $0x200, v18  }
0x1e2: {  	v4 =	vand.u32 $0x7F, v2;
	v3 =	vand.u32 $0xFFFFFC00, v3  }
0x1e3: {  	v9 =	vor.u32 v4, v3  }
0x1e4: {  	v8 =	vand.u32 $0x7, v2;
	v2 =	vand.u32 $0xFFFFFC78, v9  }
0x1e5: {  	v4 =	vor.u32 v8, v2;
	[tilespmem:s0+$0x180] =	vst v0  }
0x1e6: {  	v0 =	vld.idx.msk [tilespmem:v1+s11+$0x0], $0xffff  }
0x1e7: {  	v1 =	vor.u32 $0x280, v18;
	_ =	sdelay $0x2  }
0x1e8: {  	v2 =	vld.idx.msk [tilespmem:v4+s11+$0x0], $0xffff  }
0x1e9: {  	[tilespmem:s0+$0x200] =	vst v0;
	v0 =	vor.u32 $0x80, v4  }
0x1ea: {  	s24 =	simm.s32 $0x80;
	s25 =	simm.s32 $0x10;
	v1 =	vld.idx.msk [tilespmem:v1+s11+$0x0], $0xffff  }
0x1eb: {  	s1 =	sand.u32 $0x1C00, s24;
	s6 =	sand.u32 $0x70, s25;
	v3 =	vor.u32 $0x300, v18  }
0x1ec: {  	s23 =	sor.u32 s6, s1  }
0x1ed: {  	[tilespmem:s23+$0x15000] =	vst v2  }
0x1ee: {  	v0 =	vld.idx.msk [tilespmem:v0+s11+$0x0], $0xffff  }
0x1ef: {  	[tilespmem:s0+$0x280] =	vst v1;
	v1 =	vor.u32 $0x100, v4  }
0x1f0: {  	v2 =	vld.idx.msk [tilespmem:v3+s11+$0x0], $0xffff  }
0x1f1: {  	v3 =	vor.u32 $0x380, v18  }
0x1f2: {  	s1 =	sadd.s32 $0x15000, s23  }
0x1f3: {  	[tilespmem:s1+$0x80] =	vst v0  }
0x1f4: {  	s5 =	sadd.s32 $0x10, s22;
	v0 =	vld.idx.msk [tilespmem:v1+s11+$0x0], $0xffff  }
0x1f5: {  	v1 =	vld [tilespmem:s5+$0x0];
	[tilespmem:s0+$0x300] =	vst v2;
	v2 =	vor.u32 $0x180, v4  }
0x1f6: {  	v3 =	vld.idx.msk [tilespmem:v3+s11+$0x0], $0xffff  }
0x1f7: {  	v5 =	vadd.s32 $0x2000, v18;
	_ =	sdelay $0x1  }
0x1f8: {  	[tilespmem:s1+$0x100] =	vst v0  }
0x1f9: {  	v0 =	vld.idx.msk [tilespmem:v2+s11+$0x0], $0xffff  }
0x1fa: {  	v6 =	vshll.u32 v1, $0x3;
	v2 =	vadd.s32 $0x2080, v20;
	[tilespmem:s0+$0x380] =	vst v3;
	v3 =	vor.u32 $0x200, v4  }
0x1fb: {  	v7 =	vand.u32 $0x7F, v1;
	v6 =	vand.u32 $0xFFFFFC00, v6;
	v2 =	vand.u32 $0xFFFFFCF8, v2;
	v5 =	vld.idx.msk [tilespmem:v5+s11+$0x0], $0xffff  }
0x1fc: {  	v10 =	vor.u32 v19, v2;
	v2 =	vor.u32 v7, v6  }
0x1fd: {  	v1 =	vand.u32 $0x7, v1;
	v6 =	vand.u32 $0xFFFFFC78, v2  }
0x1fe: {  	[tilespmem:s1+$0x180] =	vst v0;
	v0 =	vor.u32 v1, v6  }
0x1ff: {  	v3 =	vld.idx.msk [tilespmem:v3+s11+$0x0], $0xffff  }
0x200: {  	v6 =	vadd.s32 $0x2100, v20;
	[tilespmem:s26+$0x17000] =	vst v5;
	v5 =	vor.u32 $0x280, v4  }
0x201: {  	v6 =	vand.u32 $0xFFFFFD78, v6;
	v7 =	vld.idx.msk [tilespmem:v10+s11+$0x0], $0xffff  }
0x202: {  	v6 =	vor.u32 v19, v6  }
0x203: {  	v10 =	vld.idx.msk [tilespmem:v0+s11+$0x0], $0xffff  }
0x204: {  	[tilespmem:s1+$0x200] =	vst v3;
	v3 =	vor.u32 $0x80, v0  }
0x205: {  	s24 =	simm.s32 $0x20;
	s22 =	simm.s32 $0x100;
	v5 =	vld.idx.msk [tilespmem:v5+s11+$0x0], $0xffff  }
0x206: {  	s6 =	sand.u32 $0x70, s24;
	v11 =	vadd.s32 $0x2180, v20;
	s0 =	sand.u32 $0x1C00, s22;
	[tilespmem:s26+$0x17080] =	vst v7;
	v7 =	vor.u32 $0x300, v4  }
0x207: {  	v11 =	vand.u32 $0xFFFFFDF8, v11;
	s22 =	sor.u32 s6, s0;
	v6 =	vld.idx.msk [tilespmem:v6+s11+$0x0], $0xffff  }
0x208: {  	[tilespmem:s22+$0x15000] =	vst v10;
	v10 =	vor.u32 v19, v11  }
0x209: {  	v3 =	vld.idx.msk [tilespmem:v3+s11+$0x0], $0xffff  }
0x20a: {  	[tilespmem:s1+$0x280] =	vst v5;
	v5 =	vor.u32 $0x100, v0  }
0x20b: {  	v7 =	vld.idx.msk [tilespmem:v7+s11+$0x0], $0xffff  }
0x20c: {  	[tilespmem:s26+$0x17100] =	vst v6;
	v6 =	vor.u32 $0x380, v4  }
0x20d: {  	s0 =	sadd.s32 $0x15000, s22;
	v10 =	vld.idx.msk [tilespmem:v10+s11+$0x0], $0xffff  }
0x20e: {  	[tilespmem:s0+$0x80] =	vst v3;
	v3 =	vadd.s32 $0x2200, v18  }
0x20f: {  	v5 =	vld.idx.msk [tilespmem:v5+s11+$0x0], $0xffff  }
0x210: {  	[tilespmem:s1+$0x300] =	vst v7;
	v7 =	vor.u32 $0x180, v0  }
0x211: {  	s5 =	sadd.s32 $0x10, s5;
	v6 =	vld.idx.msk [tilespmem:v6+s11+$0x0], $0xffff  }
0x212: {  	v12 =	vadd.s32 $0x2280, v20;
	v11 =	vld [tilespmem:s5+$0x0];
	[tilespmem:s26+$0x17180] =	vst v10;
	v10 =	vadd.s32 $0x2000, v4  }
0x213: {  	v12 =	vand.u32 $0xFFFFFEF8, v12;
	v3 =	vld.idx.msk [tilespmem:v3+s11+$0x0], $0xffff  }
0x214: {  	[tilespmem:s0+$0x100] =	vst v5;
	v5 =	vor.u32 v19, v12  }
0x215: {  	v7 =	vld.idx.msk [tilespmem:v7+s11+$0x0], $0xffff  }
0x216: {  	v12 =	vor.u32 $0x200, v0;
	[tilespmem:s1+$0x380] =	vst v6;
	v6 =	vadd.s32 $0x2080, v9  }
0x217: {  	v13 =	vshll.u32 v11, $0x3;
	v10 =	vld.idx.msk [tilespmem:v10+s11+$0x0], $0xffff;
	v6 =	vand.u32 $0xFFFFFCF8, v6  }
0x218: {  	v13 =	vand.u32 $0xFFFFFC00, v13;
	[tilespmem:s26+$0x17200] =	vst v3;
	v3 =	vand.u32 $0x7F, v11;
	v14 =	vor.u32 v8, v6  }
0x219: {  	v15 =	vld.idx.msk [tilespmem:v5+s11+$0x0], $0xffff;
	v6 =	vor.u32 v3, v13  }
0x21a: {  	v5 =	vand.u32 $0x7, v11;
	v3 =	vand.u32 $0xFFFFFC78, v6;
	[tilespmem:s0+$0x180] =	vst v7;
	v7 =	vadd.s32 $0x2300, v18  }
0x21b: {  	v3 =	vor.u32 v5, v3;
	v11 =	vld.idx.msk [tilespmem:v12+s11+$0x0], $0xffff  }
0x21c: {  	v12 =	vadd.s32 $0x2100, v9;
	[tilespmem:s23+$0x17000] =	vst v10;
	v10 =	vor.u32 $0x280, v0  }
0x21d: {  	v12 =	vand.u32 $0xFFFFFD78, v12;
	v13 =	vld.idx.msk [tilespmem:v14+s11+$0x0], $0xffff  }
0x21e: {  	v12 =	vor.u32 v8, v12;
	[tilespmem:s26+$0x17280] =	vst v15  }
0x21f: {  	v7 =	vld.idx.msk [tilespmem:v7+s11+$0x0], $0xffff  }
0x220: {  	v14 =	vld.idx.msk [tilespmem:v3+s11+$0x0], $0xffff;
	[tilespmem:s0+$0x200] =	vst v11;
	v11 =	vadd.s32 $0x2380, v18  }
0x221: {  	v15 =	vor.u32 $0x80, v3;
	v10 =	vld.idx.msk [tilespmem:v10+s11+$0x0], $0xffff  }
0x222: {  	s25 =	simm.s32 $0x180;
	s24 =	simm.s32 $0x30;
	v16 =	vadd.s32 $0x2180, v9;
	[tilespmem:s23+$0x17080] =	vst v13;
	v13 =	vor.u32 $0x300, v0  }
0x223: {  	v16 =	vand.u32 $0xFFFFFDF8, v16;
	s6 =	sand.u32 $0x70, s24;
	s1 =	sand.u32 $0x1C00, s25;
	v12 =	vld.idx.msk [tilespmem:v12+s11+$0x0], $0xffff  }
0x224: {  	s24 =	sor.u32 s6, s1;
	[tilespmem:s26+$0x17300] =	vst v7;
	v7 =	vor.u32 v8, v16  }
0x225: {  	[tilespmem:s24+$0x15000] =	vst v14;
	v11 =	vld.idx.msk [tilespmem:v11+s11+$0x0], $0xffff  }
0x226: {  	v14 =	vld.idx.msk [tilespmem:v15+s11+$0x0], $0xffff;
	[tilespmem:s0+$0x280] =	vst v10;
	v10 =	vadd.s32 $0x4000, v18  }
0x227: {  	v15 =	vor.u32 $0x100, v3;
	v13 =	vld.idx.msk [tilespmem:v13+s11+$0x0], $0xffff  }
0x228: {  	[tilespmem:s23+$0x17100] =	vst v12;
	v12 =	vor.u32 $0x380, v0  }
0x229: {  	v7 =	vld.idx.msk [tilespmem:v7+s11+$0x0], $0xffff  }
0x22a: {  	s1 =	sadd.s32 $0x15000, s24;
	v16 =	vadd.s32 $0x4080, v20;
	[tilespmem:s26+$0x17380] =	vst v11;
	v11 =	vadd.s32 $0x2200, v4  }
0x22b: {  	[tilespmem:s1+$0x80] =	vst v14;
	v10 =	vld.idx.msk [tilespmem:v10+s11+$0x0], $0xffff;
	v14 =	vand.u32 $0xFFFFFCF8, v16  }
0x22c: {  	v15 =	vld.idx.msk [tilespmem:v15+s11+$0x0], $0xffff;
	[tilespmem:s0+$0x300] =	vst v13;
	v13 =	vor.u32 v19, v14  }
0x22d: {  	s5 =	sadd.s32 $0x10, s5;
	v14 =	vor.u32 $0x180, v3;
	v12 =	vld.idx.msk [tilespmem:v12+s11+$0x0], $0xffff  }
0x22e: {  	v17 =	vadd.s32 $0x2280, v9;
	v16 =	vld [tilespmem:s5+$0x0];
	[tilespmem:s23+$0x17180] =	vst v7;
	v7 =	vadd.s32 $0x2000, v0  }
0x22f: {  	v17 =	vand.u32 $0xFFFFFEF8, v17;
	v11 =	vld.idx.msk [tilespmem:v11+s11+$0x0], $0xffff  }
0x230: {  	[tilespmem:s26+$0x19000] =	vst v10;
	v10 =	vor.u32 v8, v17;
	v17 =	vadd.s32 $0x4100, v20  }
0x231: {  	[tilespmem:s1+$0x100] =	vst v15;
	v13 =	vld.idx.msk [tilespmem:v13+s11+$0x0], $0xffff;
	v15 =	vand.u32 $0xFFFFFD78, v17  }
0x232: {  	v14 =	vld.idx.msk [tilespmem:v14+s11+$0x0], $0xffff;
	[tilespmem:s0+$0x380] =	vst v12;
	v12 =	vor.u32 v19, v15;
	v15 =	vadd.s32 $0x2080, v2  }
0x233: {  	v17 =	vor.u32 $0x200, v3;
	v21 =	vld.idx.msk [tilespmem:v7+s11+$0x0], $0xffff;
	v7 =	vshll.u32 v16, $0x3;
	v15 =	vand.u32 $0xFFFFFCF8, v15  }
0x234: {  	[tilespmem:s23+$0x17200] =	vst v11;
	v11 =	vand.u32 $0x7F, v16;
	v7 =	vand.u32 $0xFFFFFC00, v7;
	v15 =	vor.u32 v1, v15  }
0x235: {  	v22 =	vld.idx.msk [tilespmem:v10+s11+$0x0], $0xffff;
	v11 =	vor.u32 v11, v7;
	v10 =	vand.u32 $0x7, v16  }
0x236: {  	v16 =	vadd.s32 $0x4180, v20;
	[tilespmem:s26+$0x19080] =	vst v13;
	v7 =	vand.u32 $0xFFFFFC78, v11;
	v13 =	vadd.s32 $0x2300, v4  }
0x237: {  	[tilespmem:s1+$0x180] =	vst v14;
	v12 =	vld.idx.msk [tilespmem:v12+s11+$0x0], $0xffff;
	v7 =	vor.u32 v10, v7;
	v14 =	vand.u32 $0xFFFFFDF8, v16  }
0x238: {  	v16 =	vld.idx.msk [tilespmem:v17+s11+$0x0], $0xffff;
	[tilespmem:s22+$0x17000] =	vst v21;
	v14 =	vor.u32 v19, v14;
	v17 =	vadd.s32 $0x2100, v2  }
0x239: {  	v21 =	vor.u32 $0x280, v3;
	v15 =	vld.idx.msk [tilespmem:v15+s11+$0x0], $0xffff;
	v17 =	vand.u32 $0xFFFFFD78, v17  }
0x23a: {  	[tilespmem:s23+$0x17280] =	vst v22;
	v17 =	vor.u32 v1, v17  }
0x23b: {  	v13 =	vld.idx.msk [tilespmem:v13+s11+$0x0], $0xffff  }
0x23c: {  	v22 =	vld.idx.msk [tilespmem:v7+s11+$0x0], $0xffff;
	[tilespmem:s26+$0x19100] =	vst v12;
	v12 =	vadd.s32 $0x2380, v4  }
0x23d: {  	[tilespmem:s1+$0x200] =	vst v16;
	v14 =	vld.idx.msk [tilespmem:v14+s11+$0x0], $0xffff;
	v16 =	vor.u32 $0x80, v7  }
0x23e: {  	v23 =	vadd.s32 $0x2180, v2;
	s25 =	simm.s32 $0x40;
	s0 =	simm.s32 $0x200;
	v21 =	vld.idx.msk [tilespmem:v21+s11+$0x0], $0xffff;
	[tilespmem:s22+$0x17080] =	vst v15;
	v15 =	vadd.s32 $0x4200, v18  }
0x23f: {  	v23 =	vand.u32 $0xFFFFFDF8, v23;
	s6 =	sand.u32 $0x70, s25;
	v24 =	vor.u32 $0x300, v3;
	s0 =	sand.u32 $0x1C00, s0;
	v17 =	vld.idx.msk [tilespmem:v17+s11+$0x0], $0xffff  }
0x240: {  	s25 =	sor.u32 s6, s0;
	[tilespmem:s23+$0x17300] =	vst v13;
	v13 =	vor.u32 v1, v23  }
0x241: {  	[tilespmem:s25+$0x15000] =	vst v22;
	v12 =	vld.idx.msk [tilespmem:v12+s11+$0x0], $0xffff  }
0x242: {  	v22 =	vadd.s32 $0x4280, v20;
	v16 =	vld.idx.msk [tilespmem:v16+s11+$0x0], $0xffff;
	[tilespmem:s26+$0x19180] =	vst v14;
	v14 =	vadd.s32 $0x4000, v4  }
0x243: {  	v22 =	vand.u32 $0xFFFFFEF8, v22;
	[tilespmem:s1+$0x280] =	vst v21;
	v15 =	vld.idx.msk [tilespmem:v15+s11+$0x0], $0xffff;
	v21 =	vor.u32 $0x100, v7  }
0x244: {  	v23 =	vld.idx.msk [tilespmem:v24+s11+$0x0], $0xffff;
	[tilespmem:s22+$0x17100] =	vst v17;
	v17 =	vor.u32 v19, v22  }
0x245: {  	s5 =	sadd.s32 $0x10, s5;
	v22 =	vor.u32 $0x380, v3;
	v13 =	vld.idx.msk [tilespmem:v13+s11+$0x0], $0xffff  }
0x246: {  	v25 =	vadd.s32 $0x4080, v9;
	s0 =	sadd.s32 $0x15000, s25;
	v24 =	vld [tilespmem:s5+$0x0];
	[tilespmem:s23+$0x17380] =	vst v12;
	v12 =	vadd.s32 $0x2200, v0  }
0x247: {  	[tilespmem:s0+$0x80] =	vst v16;
	v14 =	vld.idx.msk [tilespmem:v14+s11+$0x0], $0xffff;
	v16 =	vand.u32 $0xFFFFFCF8, v25  }
0x248: {  	v21 =	vld.idx.msk [tilespmem:v21+s11+$0x0], $0xffff;
	[tilespmem:s26+$0x19200] =	vst v15;
	v15 =	vor.u32 v8, v16  }
0x249: {  	[tilespmem:s1+$0x300] =	vst v23;
	v16 =	vld.idx.msk [tilespmem:v17+s11+$0x0], $0xffff;
	v17 =	vor.u32 $0x180, v7  }
0x24a: {  	v23 =	vadd.s32 $0x2280, v2;
	v22 =	vld.idx.msk [tilespmem:v22+s11+$0x0], $0xffff;
	[tilespmem:s22+$0x17180] =	vst v13;
	v13 =	vadd.s32 $0x4300, v18  }
0x24b: {  	v25 =	vadd.s32 $0x2000, v3;
	v23 =	vand.u32 $0xFFFFFEF8, v23;
	v12 =	vld.idx.msk [tilespmem:v12+s11+$0x0], $0xffff  }
0x24c: {  	[tilespmem:s23+$0x19000] =	vst v14;
	v14 =	vor.u32 v1, v23;
	v23 =	vadd.s32 $0x4100, v9  }
0x24d: {  	[tilespmem:s0+$0x100] =	vst v21;
	v15 =	vld.idx.msk [tilespmem:v15+s11+$0x0], $0xffff;
	v21 =	vand.u32 $0xFFFFFD78, v23  }
0x24e: {  	v26 =	vadd.s32 $0x4380, v18;
	v17 =	vld.idx.msk [tilespmem:v17+s11+$0x0], $0xffff;
	[tilespmem:s26+$0x19280] =	vst v16;
	v16 =	vor.u32 v8, v21  }
0x24f: {  	v23 =	vor.u32 $0x200, v7;
	v21 =	vadd.s32 $0x2080, v6;
	[tilespmem:s1+$0x380] =	vst v22;
	v22 =	vld.idx.msk [tilespmem:v13+s11+$0x0], $0xffff;
	v13 =	vshll.u32 v24, $0x3  }
0x250: {  	v21 =	vand.u32 $0xFFFFFCF8, v21;
	v25 =	vld.idx.msk [tilespmem:v25+s11+$0x0], $0xffff;
	[tilespmem:s22+$0x17200] =	vst v12;
	v12 =	vand.u32 $0x7F, v24;
	v13 =	vand.u32 $0xFFFFFC00, v13  }
0x251: {  	v28 =	vadd.s32 $0x4180, v9;
	s1 =	sadd.s32 $0x10, s5;
	v21 =	vor.u32 v5, v21;
	v27 =	vld.idx.msk [tilespmem:v14+s11+$0x0], $0xffff;
	v14 =	vor.u32 v12, v13  }
0x252: {  	v13 =	vand.u32 $0x7, v24;
	v24 =	vld [tilespmem:s1+$0x0];
	[tilespmem:s23+$0x19080] =	vst v15;
	v12 =	vand.u32 $0xFFFFFC78, v14;
	v15 =	vadd.s32 $0x2300, v0  }
0x253: {  	[tilespmem:s0+$0x180] =	vst v17;
	v16 =	vld.idx.msk [tilespmem:v16+s11+$0x0], $0xffff;
	v12 =	vor.u32 v13, v12;
	v17 =	vand.u32 $0xFFFFFDF8, v28  }
0x254: {  	v23 =	vld.idx.msk [tilespmem:v23+s11+$0x0], $0xffff;
	[tilespmem:s26+$0x19300] =	vst v22;
	v17 =	vor.u32 v8, v17  }
0x255: {  	[tilespmem:s24+$0x17000] =	vst v25;
	v22 =	vld.idx.msk [tilespmem:v26+s11+$0x0], $0xffff;
	v25 =	vor.u32 $0x280, v7;
	v26 =	vadd.s32 $0x2100, v6  }
0x256: {  	v21 =	vld.idx.msk [tilespmem:v21+s11+$0x0], $0xffff;
	v26 =	vand.u32 $0xFFFFFD78, v26;
	[tilespmem:s22+$0x17280] =	vst v27;
	v27 =	vadd.s32 $0x6000, v18  }
0x257: {  	v26 =	vor.u32 v5, v26;
	v15 =	vld.idx.msk [tilespmem:v15+s11+$0x0], $0xffff  }
0x258: {  	v28 =	vld.idx.msk [tilespmem:v12+s11+$0x0], $0xffff;
	[tilespmem:s23+$0x19100] =	vst v16;
	v16 =	vadd.s32 $0x2380, v0  }
0x259: {  	[tilespmem:s0+$0x200] =	vst v23;
	v17 =	vld.idx.msk [tilespmem:v17+s11+$0x0], $0xffff;
	v23 =	vor.u32 $0x80, v12  }
0x25a: {  	v29 =	vadd.s32 $0x6080, v20;
	s6 =	simm.s32 $0x50;
	s5 =	simm.s32 $0x280;
	v25 =	vld.idx.msk [tilespmem:v25+s11+$0x0], $0xffff;
	[tilespmem:s26+$0x19380] =	vst v22;
	v22 =	vadd.s32 $0x4200, v4  }
0x25b: {  	v29 =	vand.u32 $0xFFFFFCF8, v29;
	v30 =	vadd.s32 $0x2180, v6;
	s6 =	sand.u32 $0x70, s6;
	s5 =	sand.u32 $0x1C00, s5;
	[tilespmem:s24+$0x17080] =	vst v21;
	v21 =	vld.idx.msk [tilespmem:v27+s11+$0x0], $0xffff;
	v27 =	vor.u32 $0x300, v7  }
0x25c: {  	v30 =	vand.u32 $0xFFFFFDF8, v30;
	s28 =	sor.u32 s6, s5;
	v26 =	vld.idx.msk [tilespmem:v26+s11+$0x0], $0xffff;
	[tilespmem:s22+$0x17300] =	vst v15;
	v15 =	vor.u32 v19, v29  }
0x25d: {  	[tilespmem:s28+$0x15000] =	vst v28;
	v28 =	vor.u32 v5, v30;
	v16 =	vld.idx.msk [tilespmem:v16+s11+$0x0], $0xffff  }
0x25e: {  	v29 =	vadd.s32 $0x4280, v9;
	v23 =	vld.idx.msk [tilespmem:v23+s11+$0x0], $0xffff;
	[tilespmem:s23+$0x19180] =	vst v17;
	v17 =	vadd.s32 $0x4000, v0  }
0x25f: {  	v29 =	vand.u32 $0xFFFFFEF8, v29;
	[tilespmem:s0+$0x280] =	vst v25;
	v22 =	vld.idx.msk [tilespmem:v22+s11+$0x0], $0xffff;
	v25 =	vor.u32 $0x100, v12  }
0x260: {  	v27 =	vld.idx.msk [tilespmem:v27+s11+$0x0], $0xffff;
	[tilespmem:s26+$0x1B000] =	vst v21;
	v21 =	vor.u32 v8, v29;
	v29 =	vadd.s32 $0x6100, v20  }
0x261: {  	[tilespmem:s24+$0x17100] =	vst v26;
	v15 =	vld.idx.msk [tilespmem:v15+s11+$0x0], $0xffff;
	v26 =	vor.u32 $0x380, v7;
	v29 =	vand.u32 $0xFFFFFD78, v29  }
0x262: {  	s31 =	sadd.s32 $0x15000, s28;
	v28 =	vld.idx.msk [tilespmem:v28+s11+$0x0], $0xffff;
	[tilespmem:s22+$0x17380] =	vst v16;
	v16 =	vor.u32 v19, v29;
	v29 =	vadd.s32 $0x4080, v2  }
0x263: {  	[tilespmem:s31+$0x80] =	vst v23;
	v23 =	vadd.s32 $0x2200, v3;
	v17 =	vld.idx.msk [tilespmem:v17+s11+$0x0], $0xffff;
	v29 =	vand.u32 $0xFFFFFCF8, v29  }
0x264: {  	v25 =	vld.idx.msk [tilespmem:v25+s11+$0x0], $0xffff;
	[tilespmem:s23+$0x19200] =	vst v22;
	v22 =	vor.u32 v1, v29  }
0x265: {  	[tilespmem:s0+$0x300] =	vst v27;
	v21 =	vld.idx.msk [tilespmem:v21+s11+$0x0], $0xffff;
	v27 =	vor.u32 $0x180, v12  }
0x266: {  	v26 =	vld.idx.msk [tilespmem:v26+s11+$0x0], $0xffff;
	[tilespmem:s26+$0x1B080] =	vst v15  }
0x267: {  	v29 =	vadd.s32 $0x6180, v20;
	v15 =	vadd.s32 $0x4300, v4;
	[tilespmem:s24+$0x17180] =	vst v28;
	v16 =	vld.idx.msk [tilespmem:v16+s11+$0x0], $0xffff  }
0x268: {  	v30 =	vadd.s32 $0x2280, v6;
	v29 =	vand.u32 $0xFFFFFDF8, v29;
	v28 =	vadd.s32 $0x2000, v7;
	v23 =	vld.idx.msk [tilespmem:v23+s11+$0x0], $0xffff;
	[tilespmem:s22+$0x19000] =	vst v17  }
0x269: {  	v30 =	vand.u32 $0xFFFFFEF8, v30;
	v17 =	vor.u32 v19, v29;
	v29 =	vadd.s32 $0x4100, v2;
	[tilespmem:s31+$0x100] =	vst v25;
	v22 =	vld.idx.msk [tilespmem:v22+s11+$0x0], $0xffff  }
0x26a: {  	s30 =	sadd.s32 $0x10, s1;
	v25 =	vor.u32 v5, v30;
	v29 =	vand.u32 $0xFFFFFD78, v29;
	v27 =	vld.idx.msk [tilespmem:v27+s11+$0x0], $0xffff;
	[tilespmem:s23+$0x19280] =	vst v21  }
0x26b: {  	v21 =	vld [tilespmem:s30+$0x0];
	[tilespmem:s0+$0x380] =	vst v26;
	v26 =	vor.u32 v1, v29  }
0x26c: {  	v30 =	vor.u32 $0x200, v12;
	v29 =	vld.idx.msk [tilespmem:v15+s11+$0x0], $0xffff;
	v15 =	vadd.s32 $0x2080, v11;
	[tilespmem:s26+$0x1B100] =	vst v16  }
0x26d: {  	v28 =	vld.idx.msk [tilespmem:v28+s11+$0x0], $0xffff;
	v16 =	vshll.u32 v24, $0x3;
	v15 =	vand.u32 $0xFFFFFCF8, v15;
	[tilespmem:s24+$0x17200] =	vst v23;
	v23 =	vadd.s32 $0x4380, v4  }
0x26e: {  	v31 =	vld.idx.msk [tilespmem:v17+s11+$0x0], $0xffff;
	v17 =	vand.u32 $0x7F, v24;
	v16 =	vand.u32 $0xFFFFFC00, v16;
	v60 =	vor.u32 v10, v15  }
0x26f: {  	v25 =	vld.idx.msk [tilespmem:v25+s11+$0x0], $0xffff;
	v17 =	vor.u32 v17, v16;
	v16 =	vand.u32 $0x7, v24;
	[tilespmem:s22+$0x19080] =	vst v22;
	v22 =	vadd.s32 $0x6200, v18  }
0x270: {  	v24 =	vadd.s32 $0x2300, v3;
	v15 =	vand.u32 $0xFFFFFC78, v17;
	[tilespmem:s31+$0x180] =	vst v27;
	v27 =	vadd.s32 $0x4180, v2;
	v26 =	vld.idx.msk [tilespmem:v26+s11+$0x0], $0xffff  }
0x271: {  	v15 =	vor.u32 v16, v15;
	v30 =	vld.idx.msk [tilespmem:v30+s11+$0x0], $0xffff;
	v27 =	vand.u32 $0xFFFFFDF8, v27;
	[tilespmem:s23+$0x19300] =	vst v29  }
0x272: {  	[tilespmem:s25+$0x17000] =	vst v28;
	v27 =	vor.u32 v1, v27;
	v23 =	vld.idx.msk [tilespmem:v23+s11+$0x0], $0xffff  }
0x273: {  	v61 =	vadd.s32 $0x2100, v11;
	v28 =	vor.u32 $0x280, v12;
	v29 =	vld.idx.msk [tilespmem:v60+s11+$0x0], $0xffff;
	[tilespmem:s26+$0x1B180] =	vst v31  }
0x274: {  	v20 =	vadd.s32 $0x6280, v20;
	v31 =	vand.u32 $0xFFFFFD78, v61;
	[tilespmem:s24+$0x17280] =	vst v25;
	v25 =	vadd.s32 $0x6000, v4;
	v22 =	vld.idx.msk [tilespmem:v22+s11+$0x0], $0xffff  }
0x275: {  	v20 =	vand.u32 $0xFFFFFEF8, v20;
	v31 =	vor.u32 v10, v31;
	v24 =	vld.idx.msk [tilespmem:v24+s11+$0x0], $0xffff;
	[tilespmem:s22+$0x19100] =	vst v26  }
0x276: {  	v19 =	vor.u32 v19, v20;
	v62 =	vld.idx.msk [tilespmem:v15+s11+$0x0], $0xffff;
	[tilespmem:s31+$0x200] =	vst v30  }
0x277: {  	v20 =	vadd.s32 $0x2380, v3;
	v26 =	vld.idx.msk [tilespmem:v27+s11+$0x0], $0xffff;
	[tilespmem:s23+$0x19380] =	vst v23  }
0x278: {  	s5 =	simm.s32 $0x300;
	s1 =	simm.s32 $0x60;
	v27 =	vor.u32 $0x80, v15;
	v28 =	vld.idx.msk [tilespmem:v28+s11+$0x0], $0xffff;
	[tilespmem:s25+$0x17080] =	vst v29  }
0x279: {  	s6 =	sand.u32 $0x70, s1;
	s0 =	sand.u32 $0x1C00, s5;
	v23 =	vadd.s32 $0x4200, v0;
	v29 =	vadd.s32 $0x6080, v9;
	v25 =	vld.idx.msk [tilespmem:v25+s11+$0x0], $0xffff;
	[tilespmem:s26+$0x1B200] =	vst v22  }
0x27a: {  	v33 =	vadd.s32 $0x2180, v11;
	s29 =	sor.u32 s6, s0;
	v30 =	vor.u32 $0x300, v12;
	v31 =	vld.idx.msk [tilespmem:v31+s11+$0x0], $0xffff;
	v29 =	vand.u32 $0xFFFFFCF8, v29;
	[tilespmem:s24+$0x17300] =	vst v24  }
0x27b: {  	v22 =	vand.u32 $0xFFFFFDF8, v33;
	v24 =	vor.u32 v8, v29;
	v19 =	vld.idx.msk [tilespmem:v19+s11+$0x0], $0xffff;
	[tilespmem:s29+$0x15000] =	vst v62  }
0x27c: {  	v22 =	vor.u32 v10, v22;
	v20 =	vld.idx.msk [tilespmem:v20+s11+$0x0], $0xffff;
	[tilespmem:s22+$0x19180] =	vst v26  }
0x27d: {  	v27 =	vld.idx.msk [tilespmem:v27+s11+$0x0], $0xffff;
	v26 =	vadd.s32 $0x6300, v18;
	[tilespmem:s31+$0x280] =	vst v28  }
0x27e: {  	v29 =	vadd.s32 $0x4280, v2;
	v28 =	vadd.s32 $0x4000, v3;
	v23 =	vld.idx.msk [tilespmem:v23+s11+$0x0], $0xffff;
	[tilespmem:s23+$0x1B000] =	vst v25  }
0x27f: {  	v63 =	vor.u32 $0x100, v15;
	v29 =	vand.u32 $0xFFFFFEF8, v29;
	v30 =	vld.idx.msk [tilespmem:v30+s11+$0x0], $0xffff;
	[tilespmem:s25+$0x17100] =	vst v31  }
0x280: {  	v25 =	vor.u32 v1, v29;
	v29 =	vadd.s32 $0x6100, v9;
	v24 =	vld.idx.msk [tilespmem:v24+s11+$0x0], $0xffff;
	[tilespmem:s26+$0x1B280] =	vst v19  }
0x281: {  	s6 =	sadd.s32 $0x15000, s29;
	v31 =	vor.u32 $0x380, v12;
	v22 =	vld.idx.msk [tilespmem:v22+s11+$0x0], $0xffff;
	v29 =	vand.u32 $0xFFFFFD78, v29;
	[tilespmem:s24+$0x17380] =	vst v20  }
0x282: {  	v19 =	vor.u32 v8, v29;
	v20 =	vld.idx.msk [tilespmem:v26+s11+$0x0], $0xffff;
	[tilespmem:s6+$0x80] =	vst v27  }
0x283: {  	v26 =	vadd.s32 $0x2200, v7;
	v34 =	vld.idx.msk [tilespmem:v28+s11+$0x0], $0xffff;
	[tilespmem:s22+$0x19200] =	vst v23;
	v23 =	vadd.s32 $0x4080, v6  }
0x284: {  	v18 =	vadd.s32 $0x6380, v18;
	v32 =	vld.idx.msk [tilespmem:v63+s11+$0x0], $0xffff;
	v23 =	vand.u32 $0xFFFFFCF8, v23  }
0x285: {  	[tilespmem:s31+$0x300] =	vst v30;
	v27 =	vld.idx.msk [tilespmem:v25+s11+$0x0], $0xffff;
	v23 =	vor.u32 v5, v23  }
0x286: {  	v33 =	vor.u32 $0x180, v15;
	v30 =	vld.idx.msk [tilespmem:v31+s11+$0x0], $0xffff;
	[tilespmem:s23+$0x1B080] =	vst v24  }
0x287: {  	[tilespmem:s25+$0x17180] =	vst v22;
	v24 =	vadd.s32 $0x4300, v0;
	v25 =	vld.idx.msk [tilespmem:v19+s11+$0x0], $0xffff;
	v19 =	vadd.s32 $0x6180, v9  }
0x288: {  	v31 =	vadd.s32 $0x2000, v12;
	v22 =	vadd.s32 $0x2280, v11;
	v28 =	vld.idx.msk [tilespmem:v26+s11+$0x0], $0xffff;
	v19 =	vand.u32 $0xFFFFFDF8, v19;
	[tilespmem:s26+$0x1B300] =	vst v20  }
0x289: {  	s21 =	sor.u32 $0x1, s21;
	s5 =	simm.s32 $0x400;
	s0 =	simm.s32 $0x380;
	v29 =	vand.u32 $0xFFFFFEF8, v22;
	[tilespmem:s24+$0x19000] =	vst v34;
	v22 =	vor.u32 v8, v19;
	v26 =	vld.idx.msk [tilespmem:v18+s11+$0x0], $0xffff  }
.LBB2_5:
0x28a: {  	p1 =	sne.s32 s5, $0x1F80;
	[tilespmem:s6+$0x100] =	vst v32;
	v18 =	vor.u32 v10, v29;
	v19 =	vld.idx.msk [tilespmem:v23+s11+$0x0], $0xffff;
	v20 =	vadd.s32 $0x4100, v6  }
0x28b: {  	v23 =	vld.idx.msk [tilespmem:v33+s11+$0x0], $0xffff;
	v20 =	vand.u32 $0xFFFFFD78, v20;
	[tilespmem:s22+$0x19280] =	vst v27  }
0x28c: {  	[tilespmem:s31+$0x380] =	vst v30;
	v20 =	vor.u32 v5, v20;
	v24 =	vld.idx.msk [tilespmem:v24+s11+$0x0], $0xffff;
	s31 =	smov.u32 s6  }
0x28d: {  	v27 =	vor.u32 $0x200, v15;
	v30 =	vadd.s32 $0x2080, v14;
	v29 =	vld.idx.msk [tilespmem:v31+s11+$0x0], $0xffff;
	[tilespmem:s23+$0x1B100] =	vst v25  }
0x28e: {  	v25 =	vshll.u32 v21, $0x3;
	v30 =	vand.u32 $0xFFFFFCF8, v30;
	[tilespmem:s25+$0x17200] =	vst v28;
	v28 =	vadd.s32 $0x4380, v0;
	v22 =	vld.idx.msk [tilespmem:v22+s11+$0x0], $0xffff  }
0x28f: {  	s30 =	sadd.s32 $0x10, s30;
	v31 =	vand.u32 $0x7F, v21;
	v25 =	vand.u32 $0xFFFFFC00, v25;
	v30 =	vor.u32 v13, v30;
	v18 =	vld.idx.msk [tilespmem:v18+s11+$0x0], $0xffff;
	[tilespmem:s26+$0x1B380] =	vst v26;
	s26 =	smov.u32 s23;
	s23 =	smov.u32 s22  }
0x290: {  	v25 =	vor.u32 v31, v25;
	v26 =	vand.u32 $0x7, v21;
	s22 =	smov.u32 s24;
	v21 =	vld [tilespmem:s30+$0x0];
	[tilespmem:s24+$0x19080] =	vst v19;
	v19 =	vadd.s32 $0x6200, v4;
	s24 =	smov.u32 s25;
	s25 =	smov.u32 s28  }
0x291: {  	v32 =	vadd.s32 $0x4180, v6;
	v31 =	vand.u32 $0xFFFFFC78, v25;
	s28 =	smov.u32 s29;
	[tilespmem:s31+$0x180] =	vst v23;
	v23 =	vadd.s32 $0x2300, v7;
	v20 =	vld.idx.msk [tilespmem:v20+s11+$0x0], $0xffff  }
0x292: {  	v32 =	vand.u32 $0xFFFFFDF8, v32;
	v31 =	vor.u32 v26, v31;
	v27 =	vld.idx.msk [tilespmem:v27+s11+$0x0], $0xffff;
	[tilespmem:s23+$0x19300] =	vst v24  }
0x293: {  	v24 =	vor.u32 v5, v32;
	[tilespmem:s25+$0x17000] =	vst v29;
	v28 =	vld.idx.msk [tilespmem:v28+s11+$0x0], $0xffff  }
0x294: {  	v32 =	vadd.s32 $0x2100, v14;
	v29 =	vor.u32 $0x280, v15;
	v30 =	vld.idx.msk [tilespmem:v30+s11+$0x0], $0xffff;
	[tilespmem:s26+$0x1B180] =	vst v22  }
0x295: {  	v22 =	vand.u32 $0xFFFFFD78, v32;
	v32 =	vadd.s32 $0x6280, v9;
	v9 =	vmovc v2;
	v2 =	vmovc v6;
	[tilespmem:s24+$0x17280] =	vst v18;
	v18 =	vadd.s32 $0x6000, v0;
	v19 =	vld.idx.msk [tilespmem:v19+s11+$0x0], $0xffff  }
0x296: {  	v6 =	vmovc v11;
	v11 =	vmovc v14;
	v14 =	vmov v17;
	v22 =	vor.u32 v13, v22;
	v32 =	vand.u32 $0xFFFFFEF8, v32;
	v23 =	vld.idx.msk [tilespmem:v23+s11+$0x0], $0xffff  }
0x297: {  	v17 =	vmovc v25;
	v33 =	vld.idx.msk [tilespmem:v31+s11+$0x0], $0xffff;
	[tilespmem:s22+$0x19100] =	vst v20;
	v20 =	vor.u32 v8, v32;
	v8 =	vmov v1;
	v1 =	vmov v5  }
0x298: {  	v25 =	vadd.s32 $0x2380, v7;
	v5 =	vmovc v10;
	v10 =	vmovc v13;
	v13 =	vmov v16;
	v16 =	vmov v26;
	[tilespmem:s31+$0x200] =	vst v27;
	v24 =	vld.idx.msk [tilespmem:v24+s11+$0x0], $0xffff  }
0x299: {  	v26 =	vor.u32 $0x80, v31;
	v27 =	vld.idx.msk [tilespmem:v29+s11+$0x0], $0xffff;
	[tilespmem:s23+$0x19380] =	vst v28  }
0x29a: {  	s1 =	sadd.s32 $0x10, s1;
	v28 =	vadd.s32 $0x4200, v3;
	v29 =	vadd.s32 $0x6080, v9;
	[tilespmem:s25+$0x17080] =	vst v30;
	v18 =	vld.idx.msk [tilespmem:v18+s11+$0x0], $0xffff  }
0x29b: {  	s6 =	sand.u32 $0x70, s1;
	s29 =	sand.u32 $0x1C00, s0;
	s0 =	smov.u32 s5;
	v32 =	vadd.s32 $0x2180, v11;
	v30 =	vor.u32 $0x300, v15;
	v29 =	vand.u32 $0xFFFFFCF8, v29;
	v22 =	vld.idx.msk [tilespmem:v22+s11+$0x0], $0xffff;
	[tilespmem:s26+$0x1B200] =	vst v19  }
0x29c: {  	s29 =	sor.u32 s6, s29;
	v19 =	vand.u32 $0xFFFFFDF8, v32;
	[tilespmem:s24+$0x17300] =	vst v23;
	v23 =	vor.u32 v8, v29;
	v20 =	vld.idx.msk [tilespmem:v20+s11+$0x0], $0xffff  }
0x29d: {  	v19 =	vor.u32 v10, v19;
	[tilespmem:s29+$0x15000] =	vst v33;
	v25 =	vld.idx.msk [tilespmem:v25+s11+$0x0], $0xffff  }
0x29e: {  	v26 =	vld.idx.msk [tilespmem:v26+s11+$0x0], $0xffff;
	[tilespmem:s22+$0x19180] =	vst v24;
	v24 =	vadd.s32 $0x6300, v4  }
0x29f: {  	v29 =	vadd.s32 $0x4280, v2;
	[tilespmem:s31+$0x280] =	vst v27;
	v27 =	vadd.s32 $0x4000, v7;
	v28 =	vld.idx.msk [tilespmem:v28+s11+$0x0], $0xffff  }
0x2a0: {  	v32 =	vor.u32 $0x100, v31;
	v29 =	vand.u32 $0xFFFFFEF8, v29;
	v30 =	vld.idx.msk [tilespmem:v30+s11+$0x0], $0xffff;
	[tilespmem:s23+$0x1B000] =	vst v18  }
0x2a1: {  	v18 =	vor.u32 v1, v29;
	[tilespmem:s25+$0x17100] =	vst v22;
	v22 =	vld.idx.msk [tilespmem:v23+s11+$0x0], $0xffff;
	v23 =	vadd.s32 $0x6100, v9  }
0x2a2: {  	v29 =	vor.u32 $0x380, v15;
	v19 =	vld.idx.msk [tilespmem:v19+s11+$0x0], $0xffff;
	v23 =	vand.u32 $0xFFFFFD78, v23;
	[tilespmem:s26+$0x1B280] =	vst v20  }
0x2a3: {  	s6 =	sadd.s32 $0x15000, s29;
	[tilespmem:s24+$0x17380] =	vst v25;
	v20 =	vor.u32 v8, v23;
	v34 =	vld.idx.msk [tilespmem:v24+s11+$0x0], $0xffff  }
0x2a4: {  	v23 =	vadd.s32 $0x4080, v6;
	[tilespmem:s6+$0x80] =	vst v26;
	v26 =	vadd.s32 $0x2200, v12;
	v35 =	vld.idx.msk [tilespmem:v27+s11+$0x0], $0xffff  }
0x2a5: {  	v36 =	vadd.s32 $0x6380, v4;
	v4 =	vmovc v0;
	v0 =	vmovc v3;
	v3 =	vmov v7;
	v23 =	vand.u32 $0xFFFFFCF8, v23;
	v32 =	vld.idx.msk [tilespmem:v32+s11+$0x0], $0xffff;
	[tilespmem:s22+$0x19200] =	vst v28  }
.Ltmp5:
0x2a6: {  	v7 =	vmovc v12;
	v12 =	vmov v15;
	v15 =	vmov v31;
	v23 =	vor.u32 v5, v23;
	[tilespmem:s31+$0x300] =	vst v30;
	v27 =	vld.idx.msk [tilespmem:v18+s11+$0x0], $0xffff;
	(pc) =	sbr.rel @p1 .LBB2_5-.Ltmp5, $4  }
0x2a7: {  	v33 =	vor.u32 $0x180, v15;
	v30 =	vld.idx.msk [tilespmem:v29+s11+$0x0], $0xffff;
	[tilespmem:s23+$0x1B080] =	vst v22  }
0x2a8: {  	v24 =	vadd.s32 $0x4300, v0;
	v18 =	vadd.s32 $0x6180, v9;
	[tilespmem:s25+$0x17180] =	vst v19;
	v25 =	vld.idx.msk [tilespmem:v20+s11+$0x0], $0xffff  }
0x2a9: {  	v31 =	vadd.s32 $0x2000, v12;
	v18 =	vand.u32 $0xFFFFFDF8, v18;
	v19 =	vadd.s32 $0x2280, v11;
	v28 =	vld.idx.msk [tilespmem:v26+s11+$0x0], $0xffff;
	[tilespmem:s26+$0x1B300] =	vst v34  }
0x2aa: {  	s5 =	sadd.s32 $0x80, s5;
	v22 =	vor.u32 v8, v18;
	v29 =	vand.u32 $0xFFFFFEF8, v19;
	[tilespmem:s24+$0x19000] =	vst v35;
	v26 =	vld.idx.msk [tilespmem:v36+s11+$0x0], $0xffff  }
0x2ab: {  	v18 =	vshll.u32 v21, $0x3  }
0x2ac: {  	v19 =	vand.u32 $0x7F, v21;
	v18 =	vand.u32 $0xFFFFFC00, v18  }
0x2ad: {  	v20 =	vor.u32 v19, v18  }
0x2ae: {  	v19 =	vand.u32 $0x7, v21;
	v18 =	vand.u32 $0xFFFFFC78, v20  }
0x2af: {  	v18 =	vor.u32 v19, v18;
	_ =	sdelay $0x4  }
0x2b0: {  	v53 =	vld.idx.msk [tilespmem:v18+s11+$0x0], $0xffff  }
0x2b1: {  	v34 =	vor.u32 $0x80, v18  }
0x2b2: {  	s1 =	sadd.s32 $0x10, s1  }
0x2b3: {  	s0 =	sand.u32 $0x1C00, s0;
	s1 =	sand.u32 $0x70, s1  }
0x2b4: {  	s30 =	sor.u32 s1, s0  }
0x2b5: {  	[tilespmem:s30+$0x15000] =	vst v53  }
0x2b6: {  	v21 =	vld.idx.msk [tilespmem:v34+s11+$0x0], $0xffff  }
0x2b7: {  	v54 =	vor.u32 $0x100, v18;
	_ =	sdelay $0x2  }
0x2b8: {  	s0 =	sadd.s32 $0x15000, s30  }
0x2b9: {  	[tilespmem:s0+$0x80] =	vst v21  }
0x2ba: {  	v21 =	vld.idx.msk [tilespmem:v54+s11+$0x0], $0xffff  }
0x2bb: {  	v55 =	vor.u32 $0x180, v18;
	_ =	sdelay $0x2  }
0x2bc: {  	[tilespmem:s6+$0x100] =	vst v32  }
0x2bd: {  	v32 =	vld.idx.msk [tilespmem:v33+s11+$0x0], $0xffff;
	[tilespmem:s0+$0x100] =	vst v21  }
0x2be: {  	v56 =	vor.u32 $0x200, v15;
	v57 =	vld.idx.msk [tilespmem:v55+s11+$0x0], $0xffff  }
0x2bf: {  	v58 =	vor.u32 $0x200, v18;
	_ =	sdelay $0x2  }
0x2c0: {  	[tilespmem:s6+$0x180] =	vst v32  }
0x2c1: {  	v21 =	vld.idx.msk [tilespmem:v56+s11+$0x0], $0xffff;
	[tilespmem:s0+$0x180] =	vst v57  }
0x2c2: {  	v59 =	vor.u32 $0x280, v15;
	v33 =	vld.idx.msk [tilespmem:v58+s11+$0x0], $0xffff  }
0x2c3: {  	v60 =	vor.u32 $0x280, v18;
	_ =	sdelay $0x2  }
0x2c4: {  	[tilespmem:s6+$0x200] =	vst v21  }
0x2c5: {  	v21 =	vld.idx.msk [tilespmem:v59+s11+$0x0], $0xffff;
	[tilespmem:s0+$0x200] =	vst v33  }
0x2c6: {  	v61 =	vor.u32 $0x300, v15;
	v33 =	vld.idx.msk [tilespmem:v60+s11+$0x0], $0xffff  }
0x2c7: {  	v62 =	vor.u32 $0x300, v18;
	_ =	sdelay $0x2  }
0x2c8: {  	[tilespmem:s6+$0x280] =	vst v21  }
0x2c9: {  	v21 =	vld.idx.msk [tilespmem:v61+s11+$0x0], $0xffff;
	[tilespmem:s0+$0x280] =	vst v33  }
0x2ca: {  	v63 =	vor.u32 $0x380, v15;
	v33 =	vld.idx.msk [tilespmem:v62+s11+$0x0], $0xffff  }
0x2cb: {  	v36 =	vor.u32 $0x380, v18;
	_ =	sdelay $0x2  }
0x2cc: {  	[tilespmem:s6+$0x300] =	vst v21  }
0x2cd: {  	v21 =	vld.idx.msk [tilespmem:v63+s11+$0x0], $0xffff;
	[tilespmem:s0+$0x300] =	vst v33  }
0x2ce: {  	v37 =	vadd.s32 $0x2000, v15;
	v33 =	vld.idx.msk [tilespmem:v36+s11+$0x0], $0xffff  }
0x2cf: {  	v39 =	vadd.s32 $0x2080, v14;
	[tilespmem:s31+$0x380] =	vst v30;
	v38 =	vadd.s32 $0x2000, v18  }
0x2d0: {  	v30 =	vand.u32 $0xFFFFFCF8, v39;
	v31 =	vld.idx.msk [tilespmem:v31+s11+$0x0], $0xffff  }
0x2d1: {  	v30 =	vor.u32 v13, v30  }
0x2d2: {  	v40 =	vadd.s32 $0x2080, v17;
	[tilespmem:s6+$0x380] =	vst v21  }
0x2d3: {  	v41 =	vadd.s32 $0x2080, v20;
	v21 =	vand.u32 $0xFFFFFCF8, v40;
	v32 =	vld.idx.msk [tilespmem:v37+s11+$0x0], $0xffff;
	[tilespmem:s0+$0x380] =	vst v33  }
0x2d4: {  	v21 =	vor.u32 v16, v21;
	v33 =	vand.u32 $0xFFFFFCF8, v41;
	v34 =	vld.idx.msk [tilespmem:v38+s11+$0x0], $0xffff  }
0x2d5: {  	v42 =	vadd.s32 $0x2100, v14;
	[tilespmem:s28+$0x17000] =	vst v31;
	v33 =	vor.u32 v19, v33  }
0x2d6: {  	v31 =	vand.u32 $0xFFFFFD78, v42;
	v30 =	vld.idx.msk [tilespmem:v30+s11+$0x0], $0xffff  }
0x2d7: {  	v31 =	vor.u32 v13, v31  }
0x2d8: {  	v43 =	vadd.s32 $0x2100, v17;
	[tilespmem:s29+$0x17000] =	vst v32  }
0x2d9: {  	v44 =	vadd.s32 $0x2100, v20;
	v32 =	vand.u32 $0xFFFFFD78, v43;
	v21 =	vld.idx.msk [tilespmem:v21+s11+$0x0], $0xffff;
	[tilespmem:s30+$0x17000] =	vst v34  }
0x2da: {  	v32 =	vor.u32 v16, v32;
	v34 =	vand.u32 $0xFFFFFD78, v44;
	v33 =	vld.idx.msk [tilespmem:v33+s11+$0x0], $0xffff  }
0x2db: {  	v45 =	vadd.s32 $0x2180, v14;
	[tilespmem:s28+$0x17080] =	vst v30;
	v34 =	vor.u32 v19, v34  }
0x2dc: {  	v30 =	vand.u32 $0xFFFFFDF8, v45;
	v31 =	vld.idx.msk [tilespmem:v31+s11+$0x0], $0xffff  }
0x2dd: {  	v30 =	vor.u32 v13, v30  }
0x2de: {  	v46 =	vadd.s32 $0x2180, v17;
	[tilespmem:s29+$0x17080] =	vst v21  }
0x2df: {  	v47 =	vadd.s32 $0x2180, v20;
	v21 =	vand.u32 $0xFFFFFDF8, v46;
	v32 =	vld.idx.msk [tilespmem:v32+s11+$0x0], $0xffff;
	[tilespmem:s30+$0x17080] =	vst v33  }
0x2e0: {  	v21 =	vor.u32 v16, v21;
	v33 =	vand.u32 $0xFFFFFDF8, v47;
	v34 =	vld.idx.msk [tilespmem:v34+s11+$0x0], $0xffff  }
0x2e1: {  	[tilespmem:s28+$0x17100] =	vst v31;
	v33 =	vor.u32 v19, v33  }
0x2e2: {  	v30 =	vld.idx.msk [tilespmem:v30+s11+$0x0], $0xffff  }
0x2e3: {  	v48 =	vadd.s32 $0x2200, v12  }
0x2e4: {  	[tilespmem:s29+$0x17100] =	vst v32  }
0x2e5: {  	v21 =	vld.idx.msk [tilespmem:v21+s11+$0x0], $0xffff;
	[tilespmem:s30+$0x17100] =	vst v34  }
0x2e6: {  	v49 =	vadd.s32 $0x2200, v15;
	v33 =	vld.idx.msk [tilespmem:v33+s11+$0x0], $0xffff  }
0x2e7: {  	v51 =	vadd.s32 $0x2280, v14;
	v50 =	vadd.s32 $0x2200, v18;
	[tilespmem:s28+$0x17180] =	vst v30  }
0x2e8: {  	v29 =	vor.u32 v10, v29;
	v30 =	vand.u32 $0xFFFFFEF8, v51;
	v31 =	vld.idx.msk [tilespmem:v48+s11+$0x0], $0xffff  }
0x2e9: {  	v30 =	vor.u32 v13, v30  }
0x2ea: {  	v52 =	vadd.s32 $0x2280, v17;
	[tilespmem:s29+$0x17180] =	vst v21  }
0x2eb: {  	v53 =	vadd.s32 $0x2280, v20;
	v21 =	vand.u32 $0xFFFFFEF8, v52;
	v32 =	vld.idx.msk [tilespmem:v49+s11+$0x0], $0xffff;
	[tilespmem:s30+$0x17180] =	vst v33  }
0x2ec: {  	[tilespmem:s25+$0x17200] =	vst v28;
	v21 =	vor.u32 v16, v21;
	v33 =	vand.u32 $0xFFFFFEF8, v53;
	v34 =	vld.idx.msk [tilespmem:v50+s11+$0x0], $0xffff  }
0x2ed: {  	v28 =	vld.idx.msk [tilespmem:v29+s11+$0x0], $0xffff;
	[tilespmem:s28+$0x17200] =	vst v31;
	v33 =	vor.u32 v19, v33  }
0x2ee: {  	v54 =	vadd.s32 $0x2300, v7;
	v30 =	vld.idx.msk [tilespmem:v30+s11+$0x0], $0xffff  }
0x2ef: {  	v55 =	vadd.s32 $0x2300, v12  }
0x2f0: {  	[tilespmem:s29+$0x17200] =	vst v32  }
0x2f1: {  	v21 =	vld.idx.msk [tilespmem:v21+s11+$0x0], $0xffff;
	[tilespmem:s30+$0x17200] =	vst v34  }
0x2f2: {  	[tilespmem:s25+$0x17280] =	vst v28;
	v56 =	vadd.s32 $0x2300, v15;
	v33 =	vld.idx.msk [tilespmem:v33+s11+$0x0], $0xffff  }
0x2f3: {  	v28 =	vld.idx.msk [tilespmem:v54+s11+$0x0], $0xffff;
	v57 =	vadd.s32 $0x2300, v18;
	[tilespmem:s28+$0x17280] =	vst v30  }
0x2f4: {  	v58 =	vadd.s32 $0x2380, v7;
	v30 =	vld.idx.msk [tilespmem:v55+s11+$0x0], $0xffff  }
0x2f5: {  	v59 =	vadd.s32 $0x2380, v12  }
0x2f6: {  	[tilespmem:s29+$0x17280] =	vst v21  }
0x2f7: {  	v60 =	vld.idx.msk [tilespmem:v56+s11+$0x0], $0xffff;
	[tilespmem:s30+$0x17280] =	vst v33  }
0x2f8: {  	[tilespmem:s25+$0x17300] =	vst v28;
	v61 =	vadd.s32 $0x2380, v15;
	v33 =	vld.idx.msk [tilespmem:v57+s11+$0x0], $0xffff  }
0x2f9: {  	v28 =	vld.idx.msk [tilespmem:v58+s11+$0x0], $0xffff;
	[tilespmem:s28+$0x17300] =	vst v30;
	v62 =	vadd.s32 $0x2380, v18  }
0x2fa: {  	v63 =	vadd.s32 $0x4000, v7;
	v21 =	vld.idx.msk [tilespmem:v59+s11+$0x0], $0xffff  }
0x2fb: {  	v36 =	vadd.s32 $0x4000, v12  }
0x2fc: {  	[tilespmem:s29+$0x17300] =	vst v60  }
0x2fd: {  	v31 =	vld.idx.msk [tilespmem:v61+s11+$0x0], $0xffff;
	[tilespmem:s30+$0x17300] =	vst v33  }
0x2fe: {  	v39 =	vadd.s32 $0x4080, v11;
	[tilespmem:s25+$0x17380] =	vst v28;
	v37 =	vadd.s32 $0x4000, v15;
	v33 =	vld.idx.msk [tilespmem:v62+s11+$0x0], $0xffff  }
0x2ff: {  	v28 =	vand.u32 $0xFFFFFCF8, v39;
	v29 =	vld.idx.msk [tilespmem:v63+s11+$0x0], $0xffff;
	v40 =	vadd.s32 $0x4080, v14;
	v38 =	vadd.s32 $0x4000, v18;
	[tilespmem:s28+$0x17380] =	vst v21  }
0x300: {  	v28 =	vor.u32 v10, v28;
	v21 =	vand.u32 $0xFFFFFCF8, v40;
	v30 =	vld.idx.msk [tilespmem:v36+s11+$0x0], $0xffff  }
0x301: {  	[tilespmem:s22+$0x19280] =	vst v27;
	v21 =	vor.u32 v13, v21  }
0x302: {  	v41 =	vadd.s32 $0x4080, v17;
	[tilespmem:s29+$0x17380] =	vst v31  }
0x303: {  	v42 =	vadd.s32 $0x4080, v20;
	v31 =	vand.u32 $0xFFFFFCF8, v41;
	v32 =	vld.idx.msk [tilespmem:v37+s11+$0x0], $0xffff;
	[tilespmem:s30+$0x17380] =	vst v33  }
0x304: {  	[tilespmem:s25+$0x19000] =	vst v29;
	v46 =	vadd.s32 $0x4100, v11;
	v44 =	vand.u32 $0xFFFFFCF8, v42;
	v43 =	vor.u32 v16, v31;
	v27 =	vld.idx.msk [tilespmem:v38+s11+$0x0], $0xffff  }
0x305: {  	v28 =	vld.idx.msk [tilespmem:v28+s11+$0x0], $0xffff;
	v29 =	vand.u32 $0xFFFFFD78, v46;
	v47 =	vadd.s32 $0x4100, v14;
	[tilespmem:s28+$0x19000] =	vst v30;
	v31 =	vor.u32 v19, v44  }
0x306: {  	[tilespmem:s23+$0x1B100] =	vst v25;
	v45 =	vadd.s32 $0x4100, v6;
	v29 =	vor.u32 v10, v29;
	v30 =	vand.u32 $0xFFFFFD78, v47;
	v21 =	vld.idx.msk [tilespmem:v21+s11+$0x0], $0xffff  }
0x307: {  	v23 =	vld.idx.msk [tilespmem:v23+s11+$0x0], $0xffff;
	[tilespmem:s26+$0x1B380] =	vst v26;
	v26 =	vand.u32 $0xFFFFFD78, v45;
	v30 =	vor.u32 v13, v30  }
0x308: {  	v24 =	vld.idx.msk [tilespmem:v24+s11+$0x0], $0xffff;
	v26 =	vor.u32 v5, v26;
	v48 =	vadd.s32 $0x4100, v17;
	[tilespmem:s29+$0x19000] =	vst v32  }
0x309: {  	v49 =	vadd.s32 $0x4100, v20;
	v32 =	vand.u32 $0xFFFFFD78, v48;
	v25 =	vld.idx.msk [tilespmem:v43+s11+$0x0], $0xffff;
	[tilespmem:s30+$0x19000] =	vst v27  }
0x30a: {  	v54 =	vadd.s32 $0x4180, v11;
	[tilespmem:s25+$0x19080] =	vst v28;
	v50 =	vor.u32 v16, v32;
	v27 =	vand.u32 $0xFFFFFD78, v49;
	v31 =	vld.idx.msk [tilespmem:v31+s11+$0x0], $0xffff  }
0x30b: {  	v55 =	vadd.s32 $0x4180, v14;
	v28 =	vand.u32 $0xFFFFFDF8, v54;
	v29 =	vld.idx.msk [tilespmem:v29+s11+$0x0], $0xffff;
	[tilespmem:s28+$0x19080] =	vst v21;
	v52 =	vor.u32 v19, v27  }
0x30c: {  	[tilespmem:s24+$0x19080] =	vst v23;
	v51 =	vadd.s32 $0x4180, v6;
	v28 =	vor.u32 v10, v28;
	v21 =	vand.u32 $0xFFFFFDF8, v55;
	v30 =	vld.idx.msk [tilespmem:v30+s11+$0x0], $0xffff  }
0x30d: {  	[tilespmem:s22+$0x19300] =	vst v24;
	v26 =	vld.idx.msk [tilespmem:v26+s11+$0x0], $0xffff;
	v21 =	vor.u32 v13, v21;
	v32 =	vand.u32 $0xFFFFFDF8, v51  }
0x30e: {  	v22 =	vld.idx.msk [tilespmem:v22+s11+$0x0], $0xffff;
	v56 =	vadd.s32 $0x4180, v17;
	v32 =	vor.u32 v5, v32;
	[tilespmem:s29+$0x19080] =	vst v25  }
0x30f: {  	v53 =	vadd.s32 $0x4380, v0;
	v57 =	vadd.s32 $0x4180, v20;
	v25 =	vand.u32 $0xFFFFFDF8, v56;
	v23 =	vld.idx.msk [tilespmem:v50+s11+$0x0], $0xffff;
	[tilespmem:s30+$0x19080] =	vst v31  }
0x310: {  	[tilespmem:s25+$0x19100] =	vst v29;
	v59 =	vand.u32 $0xFFFFFDF8, v57;
	v58 =	vor.u32 v16, v25;
	v24 =	vld.idx.msk [tilespmem:v52+s11+$0x0], $0xffff  }
0x311: {  	v28 =	vld.idx.msk [tilespmem:v28+s11+$0x0], $0xffff;
	[tilespmem:s28+$0x19100] =	vst v30;
	v25 =	vor.u32 v19, v59  }
0x312: {  	[tilespmem:s24+$0x19100] =	vst v26;
	v63 =	vadd.s32 $0x4200, v7;
	v21 =	vld.idx.msk [tilespmem:v21+s11+$0x0], $0xffff  }
0x313: {  	[tilespmem:s23+$0x1B180] =	vst v22;
	v36 =	vadd.s32 $0x4200, v12;
	v61 =	vld.idx.msk [tilespmem:v32+s11+$0x0], $0xffff  }
0x314: {  	v62 =	vadd.s32 $0x4200, v3;
	v27 =	vld.idx.msk [tilespmem:v53+s11+$0x0], $0xffff;
	[tilespmem:s29+$0x19100] =	vst v23  }
0x315: {  	v60 =	vadd.s32 $0x6200, v4;
	v22 =	vld.idx.msk [tilespmem:v58+s11+$0x0], $0xffff;
	[tilespmem:s30+$0x19100] =	vst v24  }
0x316: {  	[tilespmem:s25+$0x19180] =	vst v28;
	v41 =	vadd.s32 $0x4280, v11;
	v37 =	vadd.s32 $0x4200, v15;
	v25 =	vld.idx.msk [tilespmem:v25+s11+$0x0], $0xffff  }
0x317: {  	v39 =	vadd.s32 $0x4200, v18;
	v42 =	vadd.s32 $0x4280, v14;
	v28 =	vand.u32 $0xFFFFFEF8, v41;
	v30 =	vld.idx.msk [tilespmem:v63+s11+$0x0], $0xffff;
	[tilespmem:s28+$0x19180] =	vst v21  }
0x318: {  	v28 =	vor.u32 v10, v28;
	v38 =	vadd.s32 $0x4280, v6;
	v21 =	vand.u32 $0xFFFFFEF8, v42;
	[tilespmem:s24+$0x19180] =	vst v61;
	v23 =	vld.idx.msk [tilespmem:v36+s11+$0x0], $0xffff  }
0x319: {  	v9 =	vadd.s32 $0x6280, v9;
	v21 =	vor.u32 v13, v21;
	[tilespmem:s22+$0x19380] =	vst v27;
	v29 =	vld.idx.msk [tilespmem:v62+s11+$0x0], $0xffff;
	v27 =	vand.u32 $0xFFFFFEF8, v38  }
0x31a: {  	v9 =	vand.u32 $0xFFFFFEF8, v9;
	v26 =	vld.idx.msk [tilespmem:v60+s11+$0x0], $0xffff;
	v43 =	vadd.s32 $0x4280, v17;
	v27 =	vor.u32 v5, v27;
	[tilespmem:s29+$0x19180] =	vst v22  }
0x31b: {  	v8 =	vor.u32 v8, v9;
	v44 =	vadd.s32 $0x4280, v20;
	v22 =	vand.u32 $0xFFFFFEF8, v43;
	v24 =	vld.idx.msk [tilespmem:v37+s11+$0x0], $0xffff;
	[tilespmem:s30+$0x19180] =	vst v25  }
0x31c: {  	[tilespmem:s25+$0x19200] =	vst v30;
	v22 =	vor.u32 v16, v22;
	v25 =	vand.u32 $0xFFFFFEF8, v44;
	v45 =	vld.idx.msk [tilespmem:v39+s11+$0x0], $0xffff  }
0x31d: {  	v28 =	vld.idx.msk [tilespmem:v28+s11+$0x0], $0xffff;
	[tilespmem:s28+$0x19200] =	vst v23;
	v25 =	vor.u32 v19, v25  }
0x31e: {  	v49 =	vadd.s32 $0x4300, v7;
	[tilespmem:s24+$0x19200] =	vst v29;
	v21 =	vld.idx.msk [tilespmem:v21+s11+$0x0], $0xffff  }
0x31f: {  	[tilespmem:s23+$0x1B200] =	vst v26;
	v50 =	vadd.s32 $0x4300, v12;
	v47 =	vld.idx.msk [tilespmem:v27+s11+$0x0], $0xffff  }
0x320: {  	v8 =	vld.idx.msk [tilespmem:v8+s11+$0x0], $0xffff;
	v48 =	vadd.s32 $0x4300, v3;
	[tilespmem:s29+$0x19200] =	vst v24  }
0x321: {  	v40 =	vadd.s32 $0x6000, v0;
	v22 =	vld.idx.msk [tilespmem:v22+s11+$0x0], $0xffff;
	[tilespmem:s30+$0x19200] =	vst v45  }
0x322: {  	v52 =	vadd.s32 $0x4300, v15;
	[tilespmem:s25+$0x19280] =	vst v28;
	v25 =	vld.idx.msk [tilespmem:v25+s11+$0x0], $0xffff  }
0x323: {  	v53 =	vadd.s32 $0x4300, v18;
	v23 =	vld.idx.msk [tilespmem:v49+s11+$0x0], $0xffff;
	[tilespmem:s28+$0x19280] =	vst v21  }
0x324: {  	v55 =	vadd.s32 $0x4380, v7;
	[tilespmem:s24+$0x19280] =	vst v47;
	v24 =	vld.idx.msk [tilespmem:v50+s11+$0x0], $0xffff  }
0x325: {  	v51 =	vadd.s32 $0x6080, v2;
	[tilespmem:s23+$0x1B280] =	vst v8;
	v56 =	vadd.s32 $0x4380, v12;
	v27 =	vld.idx.msk [tilespmem:v48+s11+$0x0], $0xffff  }
0x326: {  	v54 =	vadd.s32 $0x4380, v3;
	v26 =	vand.u32 $0xFFFFFCF8, v51;
	v46 =	vld.idx.msk [tilespmem:v40+s11+$0x0], $0xffff;
	[tilespmem:s29+$0x19280] =	vst v22  }
0x327: {  	v26 =	vor.u32 v1, v26;
	v29 =	vld.idx.msk [tilespmem:v52+s11+$0x0], $0xffff;
	[tilespmem:s30+$0x19280] =	vst v25  }
0x328: {  	v57 =	vadd.s32 $0x4380, v15;
	[tilespmem:s25+$0x19300] =	vst v23;
	v9 =	vld.idx.msk [tilespmem:v53+s11+$0x0], $0xffff  }
0x329: {  	v59 =	vadd.s32 $0x4380, v18;
	v21 =	vld.idx.msk [tilespmem:v55+s11+$0x0], $0xffff;
	[tilespmem:s28+$0x19300] =	vst v24  }
0x32a: {  	v62 =	vadd.s32 $0x6000, v7;
	[tilespmem:s24+$0x19300] =	vst v27;
	v22 =	vld.idx.msk [tilespmem:v56+s11+$0x0], $0xffff  }
0x32b: {  	v63 =	vadd.s32 $0x6000, v12;
	[tilespmem:s22+$0x1B000] =	vst v46;
	v28 =	vld.idx.msk [tilespmem:v54+s11+$0x0], $0xffff  }
0x32c: {  	v61 =	vadd.s32 $0x6000, v3;
	v58 =	vld.idx.msk [tilespmem:v26+s11+$0x0], $0xffff;
	[tilespmem:s29+$0x19300] =	vst v29  }
0x32d: {  	v60 =	vadd.s32 $0x6300, v4;
	v8 =	vld.idx.msk [tilespmem:v57+s11+$0x0], $0xffff;
	[tilespmem:s30+$0x19300] =	vst v9  }
0x32e: {  	v34 =	vadd.s32 $0x6000, v15;
	v37 =	vadd.s32 $0x6080, v11;
	[tilespmem:s25+$0x19380] =	vst v21;
	v26 =	vld.idx.msk [tilespmem:v59+s11+$0x0], $0xffff  }
0x32f: {  	v36 =	vadd.s32 $0x6000, v18;
	v38 =	vadd.s32 $0x6080, v14;
	v21 =	vand.u32 $0xFFFFFCF8, v37;
	v24 =	vld.idx.msk [tilespmem:v62+s11+$0x0], $0xffff;
	[tilespmem:s28+$0x19380] =	vst v22  }
0x330: {  	v35 =	vadd.s32 $0x6080, v6;
	v21 =	vor.u32 v10, v21;
	v22 =	vand.u32 $0xFFFFFCF8, v38;
	[tilespmem:s24+$0x19380] =	vst v28;
	v29 =	vld.idx.msk [tilespmem:v63+s11+$0x0], $0xffff  }
0x331: {  	v33 =	vadd.s32 $0x6100, v2;
	[tilespmem:s22+$0x1B080] =	vst v58;
	v28 =	vand.u32 $0xFFFFFCF8, v35;
	v22 =	vor.u32 v13, v22;
	v23 =	vld.idx.msk [tilespmem:v61+s11+$0x0], $0xffff  }
0x332: {  	v39 =	vadd.s32 $0x6080, v17;
	v27 =	vld.idx.msk [tilespmem:v60+s11+$0x0], $0xffff;
	v28 =	vor.u32 v5, v28;
	[tilespmem:s29+$0x19380] =	vst v8;
	v9 =	vand.u32 $0xFFFFFD78, v33  }
0x333: {  	v40 =	vadd.s32 $0x6080, v20;
	v8 =	vand.u32 $0xFFFFFCF8, v39;
	v25 =	vld.idx.msk [tilespmem:v34+s11+$0x0], $0xffff;
	v9 =	vor.u32 v1, v9;
	[tilespmem:s30+$0x19380] =	vst v26  }
0x334: {  	v44 =	vadd.s32 $0x6100, v11;
	[tilespmem:s25+$0x1B000] =	vst v24;
	v8 =	vor.u32 v16, v8;
	v26 =	vand.u32 $0xFFFFFCF8, v40;
	v41 =	vld.idx.msk [tilespmem:v36+s11+$0x0], $0xffff  }
0x335: {  	v45 =	vadd.s32 $0x6100, v14;
	v24 =	vand.u32 $0xFFFFFD78, v44;
	v21 =	vld.idx.msk [tilespmem:v21+s11+$0x0], $0xffff;
	[tilespmem:s28+$0x1B000] =	vst v29;
	v26 =	vor.u32 v19, v26  }
0x336: {  	v24 =	vor.u32 v10, v24;
	v29 =	vand.u32 $0xFFFFFD78, v45;
	[tilespmem:s24+$0x1B000] =	vst v23;
	v22 =	vld.idx.msk [tilespmem:v22+s11+$0x0], $0xffff  }
0x337: {  	v42 =	vadd.s32 $0x6100, v6;
	[tilespmem:s23+$0x1B300] =	vst v27;
	v29 =	vor.u32 v13, v29;
	v28 =	vld.idx.msk [tilespmem:v28+s11+$0x0], $0xffff  }
0x338: {  	v43 =	vadd.s32 $0x6380, v4;
	v46 =	vadd.s32 $0x6100, v17;
	v23 =	vand.u32 $0xFFFFFD78, v42;
	[tilespmem:s29+$0x1B000] =	vst v25;
	v9 =	vld.idx.msk [tilespmem:v9+s11+$0x0], $0xffff  }
0x339: {  	v47 =	vadd.s32 $0x6100, v20;
	v23 =	vor.u32 v5, v23;
	v25 =	vand.u32 $0xFFFFFD78, v46;
	v8 =	vld.idx.msk [tilespmem:v8+s11+$0x0], $0xffff;
	[tilespmem:s30+$0x1B000] =	vst v41  }
0x33a: {  	v51 =	vand.u32 $0xFFFFFD78, v47;
	v54 =	vadd.s32 $0x6180, v11;
	[tilespmem:s25+$0x1B080] =	vst v21;
	v49 =	vor.u32 v16, v25;
	v50 =	vld.idx.msk [tilespmem:v26+s11+$0x0], $0xffff  }
0x33b: {  	v55 =	vadd.s32 $0x6180, v14;
	v21 =	vand.u32 $0xFFFFFDF8, v54;
	v24 =	vld.idx.msk [tilespmem:v24+s11+$0x0], $0xffff;
	[tilespmem:s28+$0x1B080] =	vst v22;
	v26 =	vor.u32 v19, v51  }
0x33c: {  	v48 =	vadd.s32 $0x6180, v2;
	v21 =	vor.u32 v10, v21;
	v22 =	vand.u32 $0xFFFFFDF8, v55;
	[tilespmem:s24+$0x1B080] =	vst v28;
	v29 =	vld.idx.msk [tilespmem:v29+s11+$0x0], $0xffff  }
0x33d: {  	v52 =	vand.u32 $0xFFFFFDF8, v48;
	v4 =	vld.idx.msk [tilespmem:v43+s11+$0x0], $0xffff;
	v53 =	vadd.s32 $0x6180, v6;
	v22 =	vor.u32 v13, v22;
	[tilespmem:s22+$0x1B100] =	vst v9  }
0x33e: {  	v56 =	vadd.s32 $0x6180, v17;
	v27 =	vor.u32 v1, v52;
	v28 =	vand.u32 $0xFFFFFDF8, v53;
	v23 =	vld.idx.msk [tilespmem:v23+s11+$0x0], $0xffff;
	[tilespmem:s29+$0x1B080] =	vst v8  }
0x33f: {  	v57 =	vadd.s32 $0x6180, v20;
	v28 =	vor.u32 v5, v28;
	v8 =	vand.u32 $0xFFFFFDF8, v56;
	v9 =	vld.idx.msk [tilespmem:v49+s11+$0x0], $0xffff;
	[tilespmem:s30+$0x1B080] =	vst v50  }
0x340: {  	[tilespmem:s25+$0x1B100] =	vst v24;
	v25 =	vand.u32 $0xFFFFFDF8, v57;
	v58 =	vor.u32 v16, v8;
	v59 =	vld.idx.msk [tilespmem:v26+s11+$0x0], $0xffff  }
0x341: {  	v21 =	vld.idx.msk [tilespmem:v21+s11+$0x0], $0xffff;
	v61 =	vor.u32 v19, v25;
	[tilespmem:s28+$0x1B100] =	vst v29  }
0x342: {  	[tilespmem:s23+$0x1B380] =	vst v4;
	v33 =	vadd.s32 $0x6200, v7;
	v22 =	vld.idx.msk [tilespmem:v22+s11+$0x0], $0xffff  }
0x343: {  	v34 =	vadd.s32 $0x6200, v12;
	[tilespmem:s24+$0x1B100] =	vst v23;
	v60 =	vld.idx.msk [tilespmem:v27+s11+$0x0], $0xffff  }
0x344: {  	v62 =	vadd.s32 $0x6200, v0;
	v63 =	vld.idx.msk [tilespmem:v28+s11+$0x0], $0xffff;
	[tilespmem:s29+$0x1B100] =	vst v9  }
0x345: {  	v32 =	vadd.s32 $0x6200, v3;
	v4 =	vld.idx.msk [tilespmem:v58+s11+$0x0], $0xffff;
	[tilespmem:s30+$0x1B100] =	vst v59  }
0x346: {  	v36 =	vadd.s32 $0x6200, v15;
	[tilespmem:s25+$0x1B180] =	vst v21;
	v41 =	vadd.s32 $0x6280, v11;
	v23 =	vld.idx.msk [tilespmem:v61+s11+$0x0], $0xffff  }
0x347: {  	v44 =	vadd.s32 $0x6280, v14;
	v38 =	vadd.s32 $0x6200, v18;
	v43 =	vld.idx.msk [tilespmem:v33+s11+$0x0], $0xffff;
	v11 =	vand.u32 $0xFFFFFEF8, v41;
	[tilespmem:s28+$0x1B180] =	vst v22  }
0x348: {  	v35 =	vadd.s32 $0x6280, v2;
	v46 =	vand.u32 $0xFFFFFEF8, v44;
	v45 =	vor.u32 v10, v11;
	[tilespmem:s22+$0x1B180] =	vst v60;
	v9 =	vld.idx.msk [tilespmem:v34+s11+$0x0], $0xffff  }
0x349: {  	v37 =	vadd.s32 $0x6280, v6;
	v2 =	vand.u32 $0xFFFFFEF8, v35;
	v11 =	vor.u32 v13, v46;
	[tilespmem:s24+$0x1B180] =	vst v63;
	v25 =	vld.idx.msk [tilespmem:v62+s11+$0x0], $0xffff  }
0x34a: {  	v47 =	vadd.s32 $0x6280, v17;
	v6 =	vand.u32 $0xFFFFFEF8, v37;
	v39 =	vor.u32 v1, v2;
	v40 =	vld.idx.msk [tilespmem:v32+s11+$0x0], $0xffff;
	[tilespmem:s29+$0x1B180] =	vst v4  }
0x34b: {  	v48 =	vadd.s32 $0x6280, v20;
	v42 =	vor.u32 v5, v6;
	v4 =	vand.u32 $0xFFFFFEF8, v47;
	v8 =	vld.idx.msk [tilespmem:v36+s11+$0x0], $0xffff;
	[tilespmem:s30+$0x1B180] =	vst v23  }
0x34c: {  	v13 =	vand.u32 $0xFFFFFEF8, v48;
	[tilespmem:s25+$0x1B200] =	vst v43;
	v4 =	vor.u32 v16, v4;
	v49 =	vld.idx.msk [tilespmem:v38+s11+$0x0], $0xffff  }
0x34d: {  	v50 =	vor.u32 v19, v13;
	v10 =	vld.idx.msk [tilespmem:v45+s11+$0x0], $0xffff;
	[tilespmem:s28+$0x1B200] =	vst v9  }
0x34e: {  	v53 =	vadd.s32 $0x6300, v7;
	[tilespmem:s22+$0x1B200] =	vst v25;
	v11 =	vld.idx.msk [tilespmem:v11+s11+$0x0], $0xffff  }
0x34f: {  	v54 =	vadd.s32 $0x6300, v12;
	[tilespmem:s24+$0x1B200] =	vst v40;
	v1 =	vld.idx.msk [tilespmem:v39+s11+$0x0], $0xffff  }
0x350: {  	v51 =	vadd.s32 $0x6300, v0;
	v5 =	vld.idx.msk [tilespmem:v42+s11+$0x0], $0xffff;
	[tilespmem:s29+$0x1B200] =	vst v8  }
0x351: {  	v52 =	vadd.s32 $0x6300, v3;
	v4 =	vld.idx.msk [tilespmem:v4+s11+$0x0], $0xffff;
	[tilespmem:s30+$0x1B200] =	vst v49  }
0x352: {  	v55 =	vadd.s32 $0x6300, v15;
	[tilespmem:s25+$0x1B280] =	vst v10;
	v2 =	vld.idx.msk [tilespmem:v50+s11+$0x0], $0xffff  }
0x353: {  	v56 =	vadd.s32 $0x6300, v18;
	v9 =	vld.idx.msk [tilespmem:v53+s11+$0x0], $0xffff;
	[tilespmem:s28+$0x1B280] =	vst v11  }
0x354: {  	v59 =	vadd.s32 $0x6380, v7;
	[tilespmem:s22+$0x1B280] =	vst v1;
	v8 =	vld.idx.msk [tilespmem:v54+s11+$0x0], $0xffff  }
0x355: {  	v60 =	vadd.s32 $0x6380, v12;
	[tilespmem:s24+$0x1B280] =	vst v5;
	v13 =	vld.idx.msk [tilespmem:v51+s11+$0x0], $0xffff  }
0x356: {  	v57 =	vadd.s32 $0x6380, v0;
	v6 =	vld.idx.msk [tilespmem:v52+s11+$0x0], $0xffff;
	[tilespmem:s29+$0x1B280] =	vst v4  }
0x357: {  	v58 =	vadd.s32 $0x6380, v3;
	v1 =	vld.idx.msk [tilespmem:v55+s11+$0x0], $0xffff;
	[tilespmem:s30+$0x1B280] =	vst v2  }
0x358: {  	v61 =	vadd.s32 $0x6380, v15;
	[tilespmem:s25+$0x1B300] =	vst v9;
	v5 =	vld.idx.msk [tilespmem:v56+s11+$0x0], $0xffff  }
0x359: {  	v62 =	vadd.s32 $0x6380, v18;
	v7 =	vld.idx.msk [tilespmem:v59+s11+$0x0], $0xffff;
	[tilespmem:s28+$0x1B300] =	vst v8  }
0x35a: {  	[tilespmem:s22+$0x1B300] =	vst v13;
	v4 =	vld.idx.msk [tilespmem:v60+s11+$0x0], $0xffff  }
0x35b: {  	[tilespmem:s24+$0x1B300] =	vst v6;
	v0 =	vld.idx.msk [tilespmem:v57+s11+$0x0], $0xffff  }
0x35c: {  	v3 =	vld.idx.msk [tilespmem:v58+s11+$0x0], $0xffff;
	[tilespmem:s29+$0x1B300] =	vst v1  }
0x35d: {  	v1 =	vld.idx.msk [tilespmem:v61+s11+$0x0], $0xffff;
	[tilespmem:s30+$0x1B300] =	vst v5  }
0x35e: {  	[tilespmem:s25+$0x1B380] =	vst v7;
	v63 =	vld.idx.msk [tilespmem:v62+s11+$0x0], $0xffff  }
.Ltmp6:
0x35f: {  	[tilespmem:s28+$0x1B380] =	vst v4;
	(pc) =	sbr.rel @!p0 .LBB2_7-.Ltmp6, $4  }
0x360: {  	[tilespmem:s22+$0x1B380] =	vst v0  }
0x361: {  	[tilespmem:s24+$0x1B380] =	vst v3  }
0x362: {  	[tilespmem:s29+$0x1B380] =	vst v1  }
0x363: {  	s0 =	sadd.s32 $0x1, s20;
	[tilespmem:s30+$0x1B380] =	vst v63  }
0x364: {  	p1 =	sne.s32 s0, $0xA  }
.Ltmp7:
0x365: {  	s1 =	sshll.u32 s21, $0xD;
	(pc) =	sbr.rel @p1 .LBB2_8-.Ltmp7, $4  }
0x366: {  	s1 =	sadd.s32 s7, s1  }
0x367: {  	s1 =	sshrl.u32 s1, $0x3  }
0x368: {  	s1 =	sadd.s32 s2, s1  }
0x369: {  	[hbm4b:s1+s15] =	stream.strided.scatter [tilespmem:s12], [sflag:$0x2], $0x8000, s16, s15, $0x38;
	[tilespmem:$0x1D000] =	vst v63  }
0x36a: {  	_ =	swait.ge [sflag:s13], $0x8000  }
.Ltmp8:
0x36b: {  	[sflag:s13] =	ssyncset.done $0x0;
	(pc) =	sbr.rel .LBB2_12-.Ltmp8, $4  }
0x36c: {  	[sflag:s13] =	ssyncadd.s32 $0xFFFF8000  }
0x36d: {  	_ =	swait.ge [sflag:s14], $0x8000  }
0x36e: {  	[sflag:s14] =	ssyncset.done $0x0  }
0x36f: {  	[sflag:s14] =	ssyncadd.s32 $0xFFFF8000  }
.LBB2_13:
0x370: {  	_ =	sfence.sel $0x180000  }
0x371: {  	[bflag:$0x0] =	sbarrier.arrive $0xFFFF  }
0x372: {  	_ =	strace $0x90000047  }
0x373: {  	s0 =	stileid.u32;
	[bflag:$0x2] =	sbarrier.arrive $0xFFFF  }
0x374: {  	p0 =	sne.s32 s0, $0x0;
	s0 =	rddreg [dreg:$0x2]  }
0x375: {  	s0 =	sadd.s32 @!p0 $0x100000, s0  }
0x376: {  	[sflag:s0] =	ssyncadd.tile.s32 @!p0 $0x1;
	_ =	shalt  }
.Lfunc_end2:
_tile_overlayer_lowered:
.L_overlay_start_2:
0x377: {  	(tag) =	ssettag $0x2  }
0x378: {  	s0 =	rddreg [dreg:$0x0];
	s2 =	stileid.u32  }
0x379: {  	s1 =	rddreg [dreg:$0x1];
	p0 =	sne.s32 s2, $0x0  }
0x37a: {  	s3 =	rddreg [dreg:$0x2];
	[bflag:$0x3] =	sbarrier.arrive $0xFFFF;
	s2 =	simm.s32 @!p0 $0x1C03  }
0x37b: {  	[timem:s3], [sflag:s2] =	dma.local @!p0 [hbm:s0], s1  }
0x37c: {  	s0 =	simm.s32 @!p0 $0x3  }
0x37d: {  	_ =	swait.ge @!p0 [sflag:s0], s1  }
0x37e: {  	s1 =	ssub.s32 @!p0 $0x0, s1;
	[sflag:s0] =	ssyncset.done @!p0 $0x0  }
0x37f: {  	[sflag:s0] =	ssyncadd.s32 @!p0 s1  }
0x380: {  	[bflag:$0x3] =	sbarrier.arrive $0xFFFF  }
0x381: {  	_ =	shalt  }

</sc_bundles>
